<compile_context>
chip_gen: v7x
topology: tpu7x:2x2x1
jax: 0.10.2.dev20260603
libtpu: 0.0.44.dev20260713+nightly
codegen_flags: <defaults>
</compile_context>

<pallas_src>
import jax
import jax.numpy as jnp
from jax import lax
from jax.experimental import pallas as pl
from jax.experimental.pallas import tpu as pltpu
from jax.experimental.pallas import tpu_sc as plsc

_VOCAB = 100000
_VPAD = 102400
_EMB = 32
_B = 4096
_NT = 25
_NF = 33
_NC = 2
_NS = 16
_NW = _NC * _NS
_RPW = _B // _NW
_HALF = 16


def _score_body(w_ref, t_ref, of_ref, oa_ref):
    s = lax.dot_general(w_ref[0], t_ref[0], (((1,), (0,)), ((), ())),
                        preferred_element_type=jnp.float32)
    of_ref[...] = s[0]
    oa_ref[...] = s[1]


def _sc_body(ft_hbm, ad_hbm, of_hbm, oa_hbm, bias_hbm, out_hbm,
             gidx_v, sbuf_v, outv_v, bias_v, isem, sem):
    wid = lax.axis_index("s") * _NC + lax.axis_index("c")
    base = wid * _RPW
    pltpu.sync_copy(bias_hbm, bias_v)
    for j in range(_NT):
        pltpu.async_copy(ft_hbm.at[pl.ds(j * _B + base, _RPW)],
                         gidx_v.at[j], isem)
    for i in range(8):
        pltpu.async_copy(ad_hbm.at[pl.ds(i * _B + base, _RPW)],
                         gidx_v.at[_NT + i], isem)
    pltpu.make_async_copy(ft_hbm.at[pl.ds(0, _NF * _RPW)], gidx_v, isem).wait()
    for j in range(_NT):
        pltpu.async_copy(of_hbm.at[pl.ds(j * _VPAD, _VPAD)].at[gidx_v.at[j]],
                         sbuf_v.at[pl.ds(j * _RPW, _RPW)], sem)
    for i in range(8):
        pltpu.async_copy(
            oa_hbm.at[pl.ds(i * _VPAD, _VPAD)].at[gidx_v.at[_NT + i]],
            sbuf_v.at[pl.ds((_NT + i) * _RPW, _RPW)], sem)
    pltpu.make_async_copy(of_hbm.at[pl.ds(0, _NF * _RPW)], sbuf_v, sem).wait()

    bias = bias_v[:]
    for g in range(_RPW // _HALF):
        tot = sbuf_v[pl.ds(g * _HALF, _HALF)]
        for j in range(1, _NF):
            tot = tot + sbuf_v[pl.ds(j * _RPW + g * _HALF, _HALF)]
        tot = tot + bias
        p = 1.0 / (1.0 + jnp.exp(-tot))
        outv_v[pl.ds(g * _HALF, _HALF)] = p
    pltpu.sync_copy(outv_v, out_hbm.at[pl.ds(base, _RPW)])


def kernel(ad_feature_inputs, feature_inputs, tables, W_meta, b_meta,
           W_pred, b_pred):
    t_t = tables.transpose(0, 2, 1)

    w0 = W_pred[0, :_EMB]
    v = W_meta.T @ w0
    w_feat = W_pred[0, _EMB:].reshape(_NT, _EMB)
    w_ad = jnp.zeros((_NT, _EMB), jnp.float32).at[:8].set(
        jnp.broadcast_to((v / _EMB)[:, None], (8, _EMB)))
    w_all = jnp.stack([w_feat, w_ad], axis=1)
    bias_c = b_pred[0] + jnp.dot(b_meta, w0)
    bias_vec = jnp.full((_HALF,), bias_c, jnp.float32)

    o_feat, o_ad = pl.pallas_call(
        _score_body,
        grid=(_NT,),
        in_specs=[
            pl.BlockSpec((1, 2, _EMB), lambda t: (t, 0, 0)),
            pl.BlockSpec((1, _EMB, _VPAD), lambda t: (t + 1, 0, 0)),
        ],
        out_specs=[
            pl.BlockSpec((_VPAD,), lambda t: (t,)),
            pl.BlockSpec((_VPAD,), lambda t: (t,)),
        ],
        out_shape=[
            jax.ShapeDtypeStruct((_NT * _VPAD,), jnp.float32),
            jax.ShapeDtypeStruct((_NT * _VPAD,), jnp.float32),
        ],
    )(w_all, t_t)

    ft1 = feature_inputs.T.reshape(_NT * _B)
    ad1 = ad_feature_inputs.T.reshape(8 * _B)

    mesh = plsc.VectorSubcoreMesh(core_axis_name="c", subcore_axis_name="s")
    out = pl.kernel(
        _sc_body,
        out_type=jax.ShapeDtypeStruct((_B,), jnp.float32),
        mesh=mesh,
        compiler_params=pltpu.CompilerParams(needs_layout_passes=False,
                                             use_tc_tiling_on_sc=False),
        scratch_types=[
            pltpu.VMEM((_NF, _RPW), jnp.int32),
            pltpu.VMEM((_NF * _RPW,), jnp.float32),
            pltpu.VMEM((_RPW,), jnp.float32),
            pltpu.VMEM((_HALF,), jnp.float32),
            pltpu.SemaphoreType.DMA,
            pltpu.SemaphoreType.DMA,
        ],
    )(ft1, ad1, o_feat, o_ad, bias_vec)
    return out[:, None]

# --- scband reference (transcript-rebuilt; emitter-appended) ---
"""Pipeline reference for scband-meta-network-56504589746396 (READ-ONLY COPY).

The authoritative reference and input builder live on the scoring server;
editing this copy changes nothing except your own understanding.
"""

import jax, jax.numpy as jnp
import numpy as np

NUM_FIELDS = 26
VOCAB = 100000
EMB = 32
B = 4096
AD_ID_IDX = 0
AD_FEATURE_IDXS = [1, 2, 3, 4, 5, 6, 7, 8]


def setup_inputs(seed: int = 0) -> dict:
    key = jax.random.key(seed)
    ks = jax.random.split(key, 6)
    ad_feature_inputs = jax.random.randint(ks[0], (B, len(AD_FEATURE_IDXS)), 0, VOCAB, dtype=jnp.int32)
    feature_inputs = jax.random.randint(ks[1], (B, NUM_FIELDS - 1), 0, VOCAB, dtype=jnp.int32)
    # Stacked embedding tables for all 26 base-model fields (index 0 = ad_id table, unused by MetaNetwork forward).
    tables = jax.random.normal(ks[2], (NUM_FIELDS, VOCAB, EMB), dtype=jnp.float32) * 0.01
    # MetaNetwork linear: in_features = len(ad_feature_idxs) = 8, out_features = output_dim = 32
    W_meta = jax.random.normal(ks[3], (EMB, len(AD_FEATURE_IDXS)), dtype=jnp.float32) * 0.1
    b_meta = jnp.zeros((EMB,), dtype=jnp.float32)
    # Predictor (base_model.linear): in_features = 26*32 = 832, out_features = 1
    W_pred = jax.random.normal(ks[4], (1, NUM_FIELDS * EMB), dtype=jnp.float32) * 0.05
    b_pred = jnp.zeros((1,), dtype=jnp.float32)
    return {
        'ad_feature_inputs': ad_feature_inputs,
        'feature_inputs': feature_inputs,
        'tables': tables,
        'W_meta': W_meta,
        'b_meta': b_meta,
        'W_pred': W_pred,
        'b_pred': b_pred,
    }


def reference(ad_feature_inputs, feature_inputs, tables, W_meta, b_meta, W_pred, b_pred):
    # MetaNetwork.embedding_layers = base tables excluding ad_id_idx (=0), order preserved -> tables[1..25]
    embeddings = [jnp.take(tables[i + 1], feature_inputs[:, i], axis=0) for i in range(NUM_FIELDS - 1)]
    # ad_feature_embedding_layers = base tables at ad_feature_idxs = [1..8]
    ad_feature_embeddings = [jnp.take(tables[AD_FEATURE_IDXS[i]], ad_feature_inputs[:, i], axis=0)
                             for i in range(len(AD_FEATURE_IDXS))]
    h_ad = jnp.concatenate([jnp.mean(e, axis=1, keepdims=True) for e in ad_feature_embeddings], axis=1)  # [B, 8]
    meta_embedding = h_ad @ W_meta.T + b_meta  # [B, 32]
    h = jnp.concatenate([meta_embedding] + embeddings, axis=1)  # [B, 26*32]
    p = jax.nn.sigmoid(h @ W_pred.T + b_pred)  # [B, 1]
    return p

if __name__ == "__main__":
    import jax
    _d = setup_inputs()
    print(jax.jit(kernel)(*tuple(_d.values())))

</pallas_src>

<mosaic_0001>
#map = affine_map<(d0, d1) -> (0)>
module attributes {stable_mosaic.version = 14 : i64} {
  func.func @_sc_body(%arg0: i32, %arg1: i32, %arg2: memref<102400xi32, #tpu.memory_space<hbm>>, %arg3: memref<32768xi32, #tpu.memory_space<hbm>>, %arg4: memref<2560000xf32, #tpu.memory_space<hbm>>, %arg5: memref<2560000xf32, #tpu.memory_space<hbm>>, %arg6: memref<16xf32, #tpu.memory_space<hbm>>, %arg7: memref<4096xf32, #tpu.memory_space<hbm>>, %arg8: memref<33x128xi32, #tpu.memory_space<vmem>>, %arg9: memref<4224xf32, #tpu.memory_space<vmem>>, %arg10: memref<128xf32, #tpu.memory_space<vmem>>, %arg11: memref<16xf32, #tpu.memory_space<vmem>>, %arg12: memref<!tpu.dma_semaphore, #tpu.memory_space<semaphore_mem>>, %arg13: memref<!tpu.dma_semaphore, #tpu.memory_space<semaphore_mem>>) attributes {dimension_semantics = [#tpu.dimension_semantics<core_parallel>, #tpu.dimension_semantics<subcore_parallel>], iteration_bounds = array<i64: 2, 16>, scalar_prefetch = 0 : i64, scratch_operands = 6 : i64, tpu.core_type = #tpu.core_type<sc_vector_subcore>, window_params = [{transform_indices = #map}, {transform_indices = #map}, {transform_indices = #map}, {transform_indices = #map}, {transform_indices = #map}, {transform_indices = #map}]} {
    %mul3A = arith.constant 2 : i32
    %mul3A_0 = arith.muli %arg1, %mul3A : i32
    %add3A = arith.addi %mul3A_0, %arg0 : i32
    %mul3A_1 = arith.constant 128 : i32
    %mul3A_2 = arith.muli %add3A, %mul3A_1 : i32
    "tpu.region"() ({
      %run_scoped3A = tpu.sem_alloc : memref<!tpu.dma_semaphore, #tpu.memory_space<semaphore_mem>>
      tpu.enqueue_dma source(%arg6 : memref<16xf32, #tpu.memory_space<hbm>>) target(%arg11 : memref<16xf32, #tpu.memory_space<vmem>>) target_semaphore(%run_scoped3A : memref<!tpu.dma_semaphore, #tpu.memory_space<semaphore_mem>>)
      tpu.wait_dma2 semaphore(%run_scoped3A : memref<!tpu.dma_semaphore, #tpu.memory_space<semaphore_mem>>) src(%arg6 : memref<16xf32, #tpu.memory_space<hbm>>) dst(%arg11 : memref<16xf32, #tpu.memory_space<vmem>>)
      tpu.yield
    }) : () -> ()
    %add3A_3 = arith.constant 0 : i32
    %add3A_4 = arith.addi %add3A_3, %mul3A_2 : i32
    %dma_start3A = arith.constant 0 : i32
    %dma_start3A_5 = arith.constant 0 : i32
    %dma_start3A_6 = tpu.memref_slice %arg8[%dma_start3A, %dma_start3A_5] : memref<33x128xi32, #tpu.memory_space<vmem>> -> memref<1x128xi32, #tpu.memory_space<vmem>>
    %dma_start3A_7 = tpu.memref_squeeze %dma_start3A_6 : memref<1x128xi32, #tpu.memory_space<vmem>> -> memref<128xi32, #tpu.memory_space<vmem>>
    %dma_start3A_8 = tpu.memref_slice %arg2[%add3A_4] : memref<102400xi32, #tpu.memory_space<hbm>> -> memref<128xi32, #tpu.memory_space<hbm>>
    %dma_start3A_9 = arith.constant 0 : i32
    %dma_start3A_10 = tpu.memref_slice %arg8[%dma_start3A, %dma_start3A_9] : memref<33x128xi32, #tpu.memory_space<vmem>> -> memref<1x128xi32, #tpu.memory_space<vmem>>
    %dma_start3A_11 = tpu.memref_squeeze %dma_start3A_10 : memref<1x128xi32, #tpu.memory_space<vmem>> -> memref<128xi32, #tpu.memory_space<vmem>>
    %dma_start3A_12 = tpu.memref_slice %arg2[%add3A_4] : memref<102400xi32, #tpu.memory_space<hbm>> -> memref<128xi32, #tpu.memory_space<hbm>>
    tpu.enqueue_dma source(%dma_start3A_12 : memref<128xi32, #tpu.memory_space<hbm>>) target(%dma_start3A_11 : memref<128xi32, #tpu.memory_space<vmem>>) target_semaphore(%arg12 : memref<!tpu.dma_semaphore, #tpu.memory_space<semaphore_mem>>)
    %add3A_13 = arith.constant 4096 : i32
    %add3A_14 = arith.addi %add3A_13, %mul3A_2 : i32
    %dma_start3A_15 = arith.constant 1 : i32
    %dma_start3A_16 = arith.constant 0 : i32
    %dma_start3A_17 = tpu.memref_slice %arg8[%dma_start3A_15, %dma_start3A_16] : memref<33x128xi32, #tpu.memory_space<vmem>> -> memref<1x128xi32, #tpu.memory_space<vmem>>
    %dma_start3A_18 = tpu.memref_squeeze %dma_start3A_17 : memref<1x128xi32, #tpu.memory_space<vmem>> -> memref<128xi32, #tpu.memory_space<vmem>>
    %dma_start3A_19 = tpu.memref_slice %arg2[%add3A_14] : memref<102400xi32, #tpu.memory_space<hbm>> -> memref<128xi32, #tpu.memory_space<hbm>>
    %dma_start3A_20 = arith.constant 0 : i32
    %dma_start3A_21 = tpu.memref_slice %arg8[%dma_start3A_15, %dma_start3A_20] : memref<33x128xi32, #tpu.memory_space<vmem>> -> memref<1x128xi32, #tpu.memory_space<vmem>>
    %dma_start3A_22 = tpu.memref_squeeze %dma_start3A_21 : memref<1x128xi32, #tpu.memory_space<vmem>> -> memref<128xi32, #tpu.memory_space<vmem>>
    %dma_start3A_23 = tpu.memref_slice %arg2[%add3A_14] : memref<102400xi32, #tpu.memory_space<hbm>> -> memref<128xi32, #tpu.memory_space<hbm>>
    tpu.enqueue_dma source(%dma_start3A_23 : memref<128xi32, #tpu.memory_space<hbm>>) target(%dma_start3A_22 : memref<128xi32, #tpu.memory_space<vmem>>) target_semaphore(%arg12 : memref<!tpu.dma_semaphore, #tpu.memory_space<semaphore_mem>>)
    %add3A_24 = arith.constant 8192 : i32
    %add3A_25 = arith.addi %add3A_24, %mul3A_2 : i32
    %dma_start3A_26 = arith.constant 2 : i32
    %dma_start3A_27 = arith.constant 0 : i32
    %dma_start3A_28 = tpu.memref_slice %arg8[%dma_start3A_26, %dma_start3A_27] : memref<33x128xi32, #tpu.memory_space<vmem>> -> memref<1x128xi32, #tpu.memory_space<vmem>>
    %dma_start3A_29 = tpu.memref_squeeze %dma_start3A_28 : memref<1x128xi32, #tpu.memory_space<vmem>> -> memref<128xi32, #tpu.memory_space<vmem>>
    %dma_start3A_30 = tpu.memref_slice %arg2[%add3A_25] : memref<102400xi32, #tpu.memory_space<hbm>> -> memref<128xi32, #tpu.memory_space<hbm>>
    %dma_start3A_31 = arith.constant 0 : i32
    %dma_start3A_32 = tpu.memref_slice %arg8[%dma_start3A_26, %dma_start3A_31] : memref<33x128xi32, #tpu.memory_space<vmem>> -> memref<1x128xi32, #tpu.memory_space<vmem>>
    %dma_start3A_33 = tpu.memref_squeeze %dma_start3A_32 : memref<1x128xi32, #tpu.memory_space<vmem>> -> memref<128xi32, #tpu.memory_space<vmem>>
    %dma_start3A_34 = tpu.memref_slice %arg2[%add3A_25] : memref<102400xi32, #tpu.memory_space<hbm>> -> memref<128xi32, #tpu.memory_space<hbm>>
    tpu.enqueue_dma source(%dma_start3A_34 : memref<128xi32, #tpu.memory_space<hbm>>) target(%dma_start3A_33 : memref<128xi32, #tpu.memory_space<vmem>>) target_semaphore(%arg12 : memref<!tpu.dma_semaphore, #tpu.memory_space<semaphore_mem>>)
    %add3A_35 = arith.constant 12288 : i32
    %add3A_36 = arith.addi %add3A_35, %mul3A_2 : i32
    %dma_start3A_37 = arith.constant 3 : i32
    %dma_start3A_38 = arith.constant 0 : i32
    %dma_start3A_39 = tpu.memref_slice %arg8[%dma_start3A_37, %dma_start3A_38] : memref<33x128xi32, #tpu.memory_space<vmem>> -> memref<1x128xi32, #tpu.memory_space<vmem>>
    %dma_start3A_40 = tpu.memref_squeeze %dma_start3A_39 : memref<1x128xi32, #tpu.memory_space<vmem>> -> memref<128xi32, #tpu.memory_space<vmem>>
    %dma_start3A_41 = tpu.memref_slice %arg2[%add3A_36] : memref<102400xi32, #tpu.memory_space<hbm>> -> memref<128xi32, #tpu.memory_space<hbm>>
    %dma_start3A_42 = arith.constant 0 : i32
    %dma_start3A_43 = tpu.memref_slice %arg8[%dma_start3A_37, %dma_start3A_42] : memref<33x128xi32, #tpu.memory_space<vmem>> -> memref<1x128xi32, #tpu.memory_space<vmem>>
    %dma_start3A_44 = tpu.memref_squeeze %dma_start3A_43 : memref<1x128xi32, #tpu.memory_space<vmem>> -> memref<128xi32, #tpu.memory_space<vmem>>
    %dma_start3A_45 = tpu.memref_slice %arg2[%add3A_36] : memref<102400xi32, #tpu.memory_space<hbm>> -> memref<128xi32, #tpu.memory_space<hbm>>
    tpu.enqueue_dma source(%dma_start3A_45 : memref<128xi32, #tpu.memory_space<hbm>>) target(%dma_start3A_44 : memref<128xi32, #tpu.memory_space<vmem>>) target_semaphore(%arg12 : memref<!tpu.dma_semaphore, #tpu.memory_space<semaphore_mem>>)
    %add3A_46 = arith.constant 16384 : i32
    %add3A_47 = arith.addi %add3A_46, %mul3A_2 : i32
    %dma_start3A_48 = arith.constant 4 : i32
    %dma_start3A_49 = arith.constant 0 : i32
    %dma_start3A_50 = tpu.memref_slice %arg8[%dma_start3A_48, %dma_start3A_49] : memref<33x128xi32, #tpu.memory_space<vmem>> -> memref<1x128xi32, #tpu.memory_space<vmem>>
    %dma_start3A_51 = tpu.memref_squeeze %dma_start3A_50 : memref<1x128xi32, #tpu.memory_space<vmem>> -> memref<128xi32, #tpu.memory_space<vmem>>
    %dma_start3A_52 = tpu.memref_slice %arg2[%add3A_47] : memref<102400xi32, #tpu.memory_space<hbm>> -> memref<128xi32, #tpu.memory_space<hbm>>
    %dma_start3A_53 = arith.constant 0 : i32
    %dma_start3A_54 = tpu.memref_slice %arg8[%dma_start3A_48, %dma_start3A_53] : memref<33x128xi32, #tpu.memory_space<vmem>> -> memref<1x128xi32, #tpu.memory_space<vmem>>
    %dma_start3A_55 = tpu.memref_squeeze %dma_start3A_54 : memref<1x128xi32, #tpu.memory_space<vmem>> -> memref<128xi32, #tpu.memory_space<vmem>>
    %dma_start3A_56 = tpu.memref_slice %arg2[%add3A_47] : memref<102400xi32, #tpu.memory_space<hbm>> -> memref<128xi32, #tpu.memory_space<hbm>>
    tpu.enqueue_dma source(%dma_start3A_56 : memref<128xi32, #tpu.memory_space<hbm>>) target(%dma_start3A_55 : memref<128xi32, #tpu.memory_space<vmem>>) target_semaphore(%arg12 : memref<!tpu.dma_semaphore, #tpu.memory_space<semaphore_mem>>)
    %add3A_57 = arith.constant 20480 : i32
    %add3A_58 = arith.addi %add3A_57, %mul3A_2 : i32
    %dma_start3A_59 = arith.constant 5 : i32
    %dma_start3A_60 = arith.constant 0 : i32
    %dma_start3A_61 = tpu.memref_slice %arg8[%dma_start3A_59, %dma_start3A_60] : memref<33x128xi32, #tpu.memory_space<vmem>> -> memref<1x128xi32, #tpu.memory_space<vmem>>
    %dma_start3A_62 = tpu.memref_squeeze %dma_start3A_61 : memref<1x128xi32, #tpu.memory_space<vmem>> -> memref<128xi32, #tpu.memory_space<vmem>>
    %dma_start3A_63 = tpu.memref_slice %arg2[%add3A_58] : memref<102400xi32, #tpu.memory_space<hbm>> -> memref<128xi32, #tpu.memory_space<hbm>>
    %dma_start3A_64 = arith.constant 0 : i32
    %dma_start3A_65 = tpu.memref_slice %arg8[%dma_start3A_59, %dma_start3A_64] : memref<33x128xi32, #tpu.memory_space<vmem>> -> memref<1x128xi32, #tpu.memory_space<vmem>>
    %dma_start3A_66 = tpu.memref_squeeze %dma_start3A_65 : memref<1x128xi32, #tpu.memory_space<vmem>> -> memref<128xi32, #tpu.memory_space<vmem>>
    %dma_start3A_67 = tpu.memref_slice %arg2[%add3A_58] : memref<102400xi32, #tpu.memory_space<hbm>> -> memref<128xi32, #tpu.memory_space<hbm>>
    tpu.enqueue_dma source(%dma_start3A_67 : memref<128xi32, #tpu.memory_space<hbm>>) target(%dma_start3A_66 : memref<128xi32, #tpu.memory_space<vmem>>) target_semaphore(%arg12 : memref<!tpu.dma_semaphore, #tpu.memory_space<semaphore_mem>>)
    %add3A_68 = arith.constant 24576 : i32
    %add3A_69 = arith.addi %add3A_68, %mul3A_2 : i32
    %dma_start3A_70 = arith.constant 6 : i32
    %dma_start3A_71 = arith.constant 0 : i32
    %dma_start3A_72 = tpu.memref_slice %arg8[%dma_start3A_70, %dma_start3A_71] : memref<33x128xi32, #tpu.memory_space<vmem>> -> memref<1x128xi32, #tpu.memory_space<vmem>>
    %dma_start3A_73 = tpu.memref_squeeze %dma_start3A_72 : memref<1x128xi32, #tpu.memory_space<vmem>> -> memref<128xi32, #tpu.memory_space<vmem>>
    %dma_start3A_74 = tpu.memref_slice %arg2[%add3A_69] : memref<102400xi32, #tpu.memory_space<hbm>> -> memref<128xi32, #tpu.memory_space<hbm>>
    %dma_start3A_75 = arith.constant 0 : i32
    %dma_start3A_76 = tpu.memref_slice %arg8[%dma_start3A_70, %dma_start3A_75] : memref<33x128xi32, #tpu.memory_space<vmem>> -> memref<1x128xi32, #tpu.memory_space<vmem>>
    %dma_start3A_77 = tpu.memref_squeeze %dma_start3A_76 : memref<1x128xi32, #tpu.memory_space<vmem>> -> memref<128xi32, #tpu.memory_space<vmem>>
    %dma_start3A_78 = tpu.memref_slice %arg2[%add3A_69] : memref<102400xi32, #tpu.memory_space<hbm>> -> memref<128xi32, #tpu.memory_space<hbm>>
    tpu.enqueue_dma source(%dma_start3A_78 : memref<128xi32, #tpu.memory_space<hbm>>) target(%dma_start3A_77 : memref<128xi32, #tpu.memory_space<vmem>>) target_semaphore(%arg12 : memref<!tpu.dma_semaphore, #tpu.memory_space<semaphore_mem>>)
    %add3A_79 = arith.constant 28672 : i32
    %add3A_80 = arith.addi %add3A_79, %mul3A_2 : i32
    %dma_start3A_81 = arith.constant 7 : i32
    %dma_start3A_82 = arith.constant 0 : i32
    %dma_start3A_83 = tpu.memref_slice %arg8[%dma_start3A_81, %dma_start3A_82] : memref<33x128xi32, #tpu.memory_space<vmem>> -> memref<1x128xi32, #tpu.memory_space<vmem>>
    %dma_start3A_84 = tpu.memref_squeeze %dma_start3A_83 : memref<1x128xi32, #tpu.memory_space<vmem>> -> memref<128xi32, #tpu.memory_space<vmem>>
    %dma_start3A_85 = tpu.memref_slice %arg2[%add3A_80] : memref<102400xi32, #tpu.memory_space<hbm>> -> memref<128xi32, #tpu.memory_space<hbm>>
    %dma_start3A_86 = arith.constant 0 : i32
    %dma_start3A_87 = tpu.memref_slice %arg8[%dma_start3A_81, %dma_start3A_86] : memref<33x128xi32, #tpu.memory_space<vmem>> -> memref<1x128xi32, #tpu.memory_space<vmem>>
    %dma_start3A_88 = tpu.memref_squeeze %dma_start3A_87 : memref<1x128xi32, #tpu.memory_space<vmem>> -> memref<128xi32, #tpu.memory_space<vmem>>
    %dma_start3A_89 = tpu.memref_slice %arg2[%add3A_80] : memref<102400xi32, #tpu.memory_space<hbm>> -> memref<128xi32, #tpu.memory_space<hbm>>
    tpu.enqueue_dma source(%dma_start3A_89 : memref<128xi32, #tpu.memory_space<hbm>>) target(%dma_start3A_88 : memref<128xi32, #tpu.memory_space<vmem>>) target_semaphore(%arg12 : memref<!tpu.dma_semaphore, #tpu.memory_space<semaphore_mem>>)
    %add3A_90 = arith.constant 32768 : i32
    %add3A_91 = arith.addi %add3A_90, %mul3A_2 : i32
    %dma_start3A_92 = arith.constant 8 : i32
    %dma_start3A_93 = arith.constant 0 : i32
    %dma_start3A_94 = tpu.memref_slice %arg8[%dma_start3A_92, %dma_start3A_93] : memref<33x128xi32, #tpu.memory_space<vmem>> -> memref<1x128xi32, #tpu.memory_space<vmem>>
    %dma_start3A_95 = tpu.memref_squeeze %dma_start3A_94 : memref<1x128xi32, #tpu.memory_space<vmem>> -> memref<128xi32, #tpu.memory_space<vmem>>
    %dma_start3A_96 = tpu.memref_slice %arg2[%add3A_91] : memref<102400xi32, #tpu.memory_space<hbm>> -> memref<128xi32, #tpu.memory_space<hbm>>
    %dma_start3A_97 = arith.constant 0 : i32
    %dma_start3A_98 = tpu.memref_slice %arg8[%dma_start3A_92, %dma_start3A_97] : memref<33x128xi32, #tpu.memory_space<vmem>> -> memref<1x128xi32, #tpu.memory_space<vmem>>
    %dma_start3A_99 = tpu.memref_squeeze %dma_start3A_98 : memref<1x128xi32, #tpu.memory_space<vmem>> -> memref<128xi32, #tpu.memory_space<vmem>>
    %dma_start3A_100 = tpu.memref_slice %arg2[%add3A_91] : memref<102400xi32, #tpu.memory_space<hbm>> -> memref<128xi32, #tpu.memory_space<hbm>>
    tpu.enqueue_dma source(%dma_start3A_100 : memref<128xi32, #tpu.memory_space<hbm>>) target(%dma_start3A_99 : memref<128xi32, #tpu.memory_space<vmem>>) target_semaphore(%arg12 : memref<!tpu.dma_semaphore, #tpu.memory_space<semaphore_mem>>)
    %add3A_101 = arith.constant 36864 : i32
    %add3A_102 = arith.addi %add3A_101, %mul3A_2 : i32
    %dma_start3A_103 = arith.constant 9 : i32
    %dma_start3A_104 = arith.constant 0 : i32
    %dma_start3A_105 = tpu.memref_slice %arg8[%dma_start3A_103, %dma_start3A_104] : memref<33x128xi32, #tpu.memory_space<vmem>> -> memref<1x128xi32, #tpu.memory_space<vmem>>
    %dma_start3A_106 = tpu.memref_squeeze %dma_start3A_105 : memref<1x128xi32, #tpu.memory_space<vmem>> -> memref<128xi32, #tpu.memory_space<vmem>>
    %dma_start3A_107 = tpu.memref_slice %arg2[%add3A_102] : memref<102400xi32, #tpu.memory_space<hbm>> -> memref<128xi32, #tpu.memory_space<hbm>>
    %dma_start3A_108 = arith.constant 0 : i32
    %dma_start3A_109 = tpu.memref_slice %arg8[%dma_start3A_103, %dma_start3A_108] : memref<33x128xi32, #tpu.memory_space<vmem>> -> memref<1x128xi32, #tpu.memory_space<vmem>>
    %dma_start3A_110 = tpu.memref_squeeze %dma_start3A_109 : memref<1x128xi32, #tpu.memory_space<vmem>> -> memref<128xi32, #tpu.memory_space<vmem>>
    %dma_start3A_111 = tpu.memref_slice %arg2[%add3A_102] : memref<102400xi32, #tpu.memory_space<hbm>> -> memref<128xi32, #tpu.memory_space<hbm>>
    tpu.enqueue_dma source(%dma_start3A_111 : memref<128xi32, #tpu.memory_space<hbm>>) target(%dma_start3A_110 : memref<128xi32, #tpu.memory_space<vmem>>) target_semaphore(%arg12 : memref<!tpu.dma_semaphore, #tpu.memory_space<semaphore_mem>>)
    %add3A_112 = arith.constant 40960 : i32
    %add3A_113 = arith.addi %add3A_112, %mul3A_2 : i32
    %dma_start3A_114 = arith.constant 10 : i32
    %dma_start3A_115 = arith.constant 0 : i32
    %dma_start3A_116 = tpu.memref_slice %arg8[%dma_start3A_114, %dma_start3A_115] : memref<33x128xi32, #tpu.memory_space<vmem>> -> memref<1x128xi32, #tpu.memory_space<vmem>>
    %dma_start3A_117 = tpu.memref_squeeze %dma_start3A_116 : memref<1x128xi32, #tpu.memory_space<vmem>> -> memref<128xi32, #tpu.memory_space<vmem>>
    %dma_start3A_118 = tpu.memref_slice %arg2[%add3A_113] : memref<102400xi32, #tpu.memory_space<hbm>> -> memref<128xi32, #tpu.memory_space<hbm>>
    %dma_start3A_119 = arith.constant 0 : i32
    %dma_start3A_120 = tpu.memref_slice %arg8[%dma_start3A_114, %dma_start3A_119] : memref<33x128xi32, #tpu.memory_space<vmem>> -> memref<1x128xi32, #tpu.memory_space<vmem>>
    %dma_start3A_121 = tpu.memref_squeeze %dma_start3A_120 : memref<1x128xi32, #tpu.memory_space<vmem>> -> memref<128xi32, #tpu.memory_space<vmem>>
    %dma_start3A_122 = tpu.memref_slice %arg2[%add3A_113] : memref<102400xi32, #tpu.memory_space<hbm>> -> memref<128xi32, #tpu.memory_space<hbm>>
    tpu.enqueue_dma source(%dma_start3A_122 : memref<128xi32, #tpu.memory_space<hbm>>) target(%dma_start3A_121 : memref<128xi32, #tpu.memory_space<vmem>>) target_semaphore(%arg12 : memref<!tpu.dma_semaphore, #tpu.memory_space<semaphore_mem>>)
    %add3A_123 = arith.constant 45056 : i32
    %add3A_124 = arith.addi %add3A_123, %mul3A_2 : i32
    %dma_start3A_125 = arith.constant 11 : i32
    %dma_start3A_126 = arith.constant 0 : i32
    %dma_start3A_127 = tpu.memref_slice %arg8[%dma_start3A_125, %dma_start3A_126] : memref<33x128xi32, #tpu.memory_space<vmem>> -> memref<1x128xi32, #tpu.memory_space<vmem>>
    %dma_start3A_128 = tpu.memref_squeeze %dma_start3A_127 : memref<1x128xi32, #tpu.memory_space<vmem>> -> memref<128xi32, #tpu.memory_space<vmem>>
    %dma_start3A_129 = tpu.memref_slice %arg2[%add3A_124] : memref<102400xi32, #tpu.memory_space<hbm>> -> memref<128xi32, #tpu.memory_space<hbm>>
    %dma_start3A_130 = arith.constant 0 : i32
    %dma_start3A_131 = tpu.memref_slice %arg8[%dma_start3A_125, %dma_start3A_130] : memref<33x128xi32, #tpu.memory_space<vmem>> -> memref<1x128xi32, #tpu.memory_space<vmem>>
    %dma_start3A_132 = tpu.memref_squeeze %dma_start3A_131 : memref<1x128xi32, #tpu.memory_space<vmem>> -> memref<128xi32, #tpu.memory_space<vmem>>
    %dma_start3A_133 = tpu.memref_slice %arg2[%add3A_124] : memref<102400xi32, #tpu.memory_space<hbm>> -> memref<128xi32, #tpu.memory_space<hbm>>
    tpu.enqueue_dma source(%dma_start3A_133 : memref<128xi32, #tpu.memory_space<hbm>>) target(%dma_start3A_132 : memref<128xi32, #tpu.memory_space<vmem>>) target_semaphore(%arg12 : memref<!tpu.dma_semaphore, #tpu.memory_space<semaphore_mem>>)
    %add3A_134 = arith.constant 49152 : i32
    %add3A_135 = arith.addi %add3A_134, %mul3A_2 : i32
    %dma_start3A_136 = arith.constant 12 : i32
    %dma_start3A_137 = arith.constant 0 : i32
    %dma_start3A_138 = tpu.memref_slice %arg8[%dma_start3A_136, %dma_start3A_137] : memref<33x128xi32, #tpu.memory_space<vmem>> -> memref<1x128xi32, #tpu.memory_space<vmem>>
    %dma_start3A_139 = tpu.memref_squeeze %dma_start3A_138 : memref<1x128xi32, #tpu.memory_space<vmem>> -> memref<128xi32, #tpu.memory_space<vmem>>
    %dma_start3A_140 = tpu.memref_slice %arg2[%add3A_135] : memref<102400xi32, #tpu.memory_space<hbm>> -> memref<128xi32, #tpu.memory_space<hbm>>
    %dma_start3A_141 = arith.constant 0 : i32
    %dma_start3A_142 = tpu.memref_slice %arg8[%dma_start3A_136, %dma_start3A_141] : memref<33x128xi32, #tpu.memory_space<vmem>> -> memref<1x128xi32, #tpu.memory_space<vmem>>
    %dma_start3A_143 = tpu.memref_squeeze %dma_start3A_142 : memref<1x128xi32, #tpu.memory_space<vmem>> -> memref<128xi32, #tpu.memory_space<vmem>>
    %dma_start3A_144 = tpu.memref_slice %arg2[%add3A_135] : memref<102400xi32, #tpu.memory_space<hbm>> -> memref<128xi32, #tpu.memory_space<hbm>>
    tpu.enqueue_dma source(%dma_start3A_144 : memref<128xi32, #tpu.memory_space<hbm>>) target(%dma_start3A_143 : memref<128xi32, #tpu.memory_space<vmem>>) target_semaphore(%arg12 : memref<!tpu.dma_semaphore, #tpu.memory_space<semaphore_mem>>)
    %add3A_145 = arith.constant 53248 : i32
    %add3A_146 = arith.addi %add3A_145, %mul3A_2 : i32
    %dma_start3A_147 = arith.constant 13 : i32
    %dma_start3A_148 = arith.constant 0 : i32
    %dma_start3A_149 = tpu.memref_slice %arg8[%dma_start3A_147, %dma_start3A_148] : memref<33x128xi32, #tpu.memory_space<vmem>> -> memref<1x128xi32, #tpu.memory_space<vmem>>
    %dma_start3A_150 = tpu.memref_squeeze %dma_start3A_149 : memref<1x128xi32, #tpu.memory_space<vmem>> -> memref<128xi32, #tpu.memory_space<vmem>>
    %dma_start3A_151 = tpu.memref_slice %arg2[%add3A_146] : memref<102400xi32, #tpu.memory_space<hbm>> -> memref<128xi32, #tpu.memory_space<hbm>>
    %dma_start3A_152 = arith.constant 0 : i32
    %dma_start3A_153 = tpu.memref_slice %arg8[%dma_start3A_147, %dma_start3A_152] : memref<33x128xi32, #tpu.memory_space<vmem>> -> memref<1x128xi32, #tpu.memory_space<vmem>>
    %dma_start3A_154 = tpu.memref_squeeze %dma_start3A_153 : memref<1x128xi32, #tpu.memory_space<vmem>> -> memref<128xi32, #tpu.memory_space<vmem>>
    %dma_start3A_155 = tpu.memref_slice %arg2[%add3A_146] : memref<102400xi32, #tpu.memory_space<hbm>> -> memref<128xi32, #tpu.memory_space<hbm>>
    tpu.enqueue_dma source(%dma_start3A_155 : memref<128xi32, #tpu.memory_space<hbm>>) target(%dma_start3A_154 : memref<128xi32, #tpu.memory_space<vmem>>) target_semaphore(%arg12 : memref<!tpu.dma_semaphore, #tpu.memory_space<semaphore_mem>>)
    %add3A_156 = arith.constant 57344 : i32
    %add3A_157 = arith.addi %add3A_156, %mul3A_2 : i32
    %dma_start3A_158 = arith.constant 14 : i32
    %dma_start3A_159 = arith.constant 0 : i32
    %dma_start3A_160 = tpu.memref_slice %arg8[%dma_start3A_158, %dma_start3A_159] : memref<33x128xi32, #tpu.memory_space<vmem>> -> memref<1x128xi32, #tpu.memory_space<vmem>>
    %dma_start3A_161 = tpu.memref_squeeze %dma_start3A_160 : memref<1x128xi32, #tpu.memory_space<vmem>> -> memref<128xi32, #tpu.memory_space<vmem>>
    %dma_start3A_162 = tpu.memref_slice %arg2[%add3A_157] : memref<102400xi32, #tpu.memory_space<hbm>> -> memref<128xi32, #tpu.memory_space<hbm>>
    %dma_start3A_163 = arith.constant 0 : i32
    %dma_start3A_164 = tpu.memref_slice %arg8[%dma_start3A_158, %dma_start3A_163] : memref<33x128xi32, #tpu.memory_space<vmem>> -> memref<1x128xi32, #tpu.memory_space<vmem>>
    %dma_start3A_165 = tpu.memref_squeeze %dma_start3A_164 : memref<1x128xi32, #tpu.memory_space<vmem>> -> memref<128xi32, #tpu.memory_space<vmem>>
    %dma_start3A_166 = tpu.memref_slice %arg2[%add3A_157] : memref<102400xi32, #tpu.memory_space<hbm>> -> memref<128xi32, #tpu.memory_space<hbm>>
    tpu.enqueue_dma source(%dma_start3A_166 : memref<128xi32, #tpu.memory_space<hbm>>) target(%dma_start3A_165 : memref<128xi32, #tpu.memory_space<vmem>>) target_semaphore(%arg12 : memref<!tpu.dma_semaphore, #tpu.memory_space<semaphore_mem>>)
    %add3A_167 = arith.constant 61440 : i32
    %add3A_168 = arith.addi %add3A_167, %mul3A_2 : i32
    %dma_start3A_169 = arith.constant 15 : i32
    %dma_start3A_170 = arith.constant 0 : i32
    %dma_start3A_171 = tpu.memref_slice %arg8[%dma_start3A_169, %dma_start3A_170] : memref<33x128xi32, #tpu.memory_space<vmem>> -> memref<1x128xi32, #tpu.memory_space<vmem>>
    %dma_start3A_172 = tpu.memref_squeeze %dma_start3A_171 : memref<1x128xi32, #tpu.memory_space<vmem>> -> memref<128xi32, #tpu.memory_space<vmem>>
    %dma_start3A_173 = tpu.memref_slice %arg2[%add3A_168] : memref<102400xi32, #tpu.memory_space<hbm>> -> memref<128xi32, #tpu.memory_space<hbm>>
    %dma_start3A_174 = arith.constant 0 : i32
    %dma_start3A_175 = tpu.memref_slice %arg8[%dma_start3A_169, %dma_start3A_174] : memref<33x128xi32, #tpu.memory_space<vmem>> -> memref<1x128xi32, #tpu.memory_space<vmem>>
    %dma_start3A_176 = tpu.memref_squeeze %dma_start3A_175 : memref<1x128xi32, #tpu.memory_space<vmem>> -> memref<128xi32, #tpu.memory_space<vmem>>
    %dma_start3A_177 = tpu.memref_slice %arg2[%add3A_168] : memref<102400xi32, #tpu.memory_space<hbm>> -> memref<128xi32, #tpu.memory_space<hbm>>
    tpu.enqueue_dma source(%dma_start3A_177 : memref<128xi32, #tpu.memory_space<hbm>>) target(%dma_start3A_176 : memref<128xi32, #tpu.memory_space<vmem>>) target_semaphore(%arg12 : memref<!tpu.dma_semaphore, #tpu.memory_space<semaphore_mem>>)
    %add3A_178 = arith.constant 65536 : i32
    %add3A_179 = arith.addi %add3A_178, %mul3A_2 : i32
    %dma_start3A_180 = arith.constant 16 : i32
    %dma_start3A_181 = arith.constant 0 : i32
    %dma_start3A_182 = tpu.memref_slice %arg8[%dma_start3A_180, %dma_start3A_181] : memref<33x128xi32, #tpu.memory_space<vmem>> -> memref<1x128xi32, #tpu.memory_space<vmem>>
    %dma_start3A_183 = tpu.memref_squeeze %dma_start3A_182 : memref<1x128xi32, #tpu.memory_space<vmem>> -> memref<128xi32, #tpu.memory_space<vmem>>
    %dma_start3A_184 = tpu.memref_slice %arg2[%add3A_179] : memref<102400xi32, #tpu.memory_space<hbm>> -> memref<128xi32, #tpu.memory_space<hbm>>
    %dma_start3A_185 = arith.constant 0 : i32
    %dma_start3A_186 = tpu.memref_slice %arg8[%dma_start3A_180, %dma_start3A_185] : memref<33x128xi32, #tpu.memory_space<vmem>> -> memref<1x128xi32, #tpu.memory_space<vmem>>
    %dma_start3A_187 = tpu.memref_squeeze %dma_start3A_186 : memref<1x128xi32, #tpu.memory_space<vmem>> -> memref<128xi32, #tpu.memory_space<vmem>>
    %dma_start3A_188 = tpu.memref_slice %arg2[%add3A_179] : memref<102400xi32, #tpu.memory_space<hbm>> -> memref<128xi32, #tpu.memory_space<hbm>>
    tpu.enqueue_dma source(%dma_start3A_188 : memref<128xi32, #tpu.memory_space<hbm>>) target(%dma_start3A_187 : memref<128xi32, #tpu.memory_space<vmem>>) target_semaphore(%arg12 : memref<!tpu.dma_semaphore, #tpu.memory_space<semaphore_mem>>)
    %add3A_189 = arith.constant 69632 : i32
    %add3A_190 = arith.addi %add3A_189, %mul3A_2 : i32
    %dma_start3A_191 = arith.constant 17 : i32
    %dma_start3A_192 = arith.constant 0 : i32
    %dma_start3A_193 = tpu.memref_slice %arg8[%dma_start3A_191, %dma_start3A_192] : memref<33x128xi32, #tpu.memory_space<vmem>> -> memref<1x128xi32, #tpu.memory_space<vmem>>
    %dma_start3A_194 = tpu.memref_squeeze %dma_start3A_193 : memref<1x128xi32, #tpu.memory_space<vmem>> -> memref<128xi32, #tpu.memory_space<vmem>>
    %dma_start3A_195 = tpu.memref_slice %arg2[%add3A_190] : memref<102400xi32, #tpu.memory_space<hbm>> -> memref<128xi32, #tpu.memory_space<hbm>>
    %dma_start3A_196 = arith.constant 0 : i32
    %dma_start3A_197 = tpu.memref_slice %arg8[%dma_start3A_191, %dma_start3A_196] : memref<33x128xi32, #tpu.memory_space<vmem>> -> memref<1x128xi32, #tpu.memory_space<vmem>>
    %dma_start3A_198 = tpu.memref_squeeze %dma_start3A_197 : memref<1x128xi32, #tpu.memory_space<vmem>> -> memref<128xi32, #tpu.memory_space<vmem>>
    %dma_start3A_199 = tpu.memref_slice %arg2[%add3A_190] : memref<102400xi32, #tpu.memory_space<hbm>> -> memref<128xi32, #tpu.memory_space<hbm>>
    tpu.enqueue_dma source(%dma_start3A_199 : memref<128xi32, #tpu.memory_space<hbm>>) target(%dma_start3A_198 : memref<128xi32, #tpu.memory_space<vmem>>) target_semaphore(%arg12 : memref<!tpu.dma_semaphore, #tpu.memory_space<semaphore_mem>>)
    %add3A_200 = arith.constant 73728 : i32
    %add3A_201 = arith.addi %add3A_200, %mul3A_2 : i32
    %dma_start3A_202 = arith.constant 18 : i32
    %dma_start3A_203 = arith.constant 0 : i32
    %dma_start3A_204 = tpu.memref_slice %arg8[%dma_start3A_202, %dma_start3A_203] : memref<33x128xi32, #tpu.memory_space<vmem>> -> memref<1x128xi32, #tpu.memory_space<vmem>>
    %dma_start3A_205 = tpu.memref_squeeze %dma_start3A_204 : memref<1x128xi32, #tpu.memory_space<vmem>> -> memref<128xi32, #tpu.memory_space<vmem>>
    %dma_start3A_206 = tpu.memref_slice %arg2[%add3A_201] : memref<102400xi32, #tpu.memory_space<hbm>> -> memref<128xi32, #tpu.memory_space<hbm>>
    %dma_start3A_207 = arith.constant 0 : i32
    %dma_start3A_208 = tpu.memref_slice %arg8[%dma_start3A_202, %dma_start3A_207] : memref<33x128xi32, #tpu.memory_space<vmem>> -> memref<1x128xi32, #tpu.memory_space<vmem>>
    %dma_start3A_209 = tpu.memref_squeeze %dma_start3A_208 : memref<1x128xi32, #tpu.memory_space<vmem>> -> memref<128xi32, #tpu.memory_space<vmem>>
    %dma_start3A_210 = tpu.memref_slice %arg2[%add3A_201] : memref<102400xi32, #tpu.memory_space<hbm>> -> memref<128xi32, #tpu.memory_space<hbm>>
    tpu.enqueue_dma source(%dma_start3A_210 : memref<128xi32, #tpu.memory_space<hbm>>) target(%dma_start3A_209 : memref<128xi32, #tpu.memory_space<vmem>>) target_semaphore(%arg12 : memref<!tpu.dma_semaphore, #tpu.memory_space<semaphore_mem>>)
    %add3A_211 = arith.constant 77824 : i32
    %add3A_212 = arith.addi %add3A_211, %mul3A_2 : i32
    %dma_start3A_213 = arith.constant 19 : i32
    %dma_start3A_214 = arith.constant 0 : i32
    %dma_start3A_215 = tpu.memref_slice %arg8[%dma_start3A_213, %dma_start3A_214] : memref<33x128xi32, #tpu.memory_space<vmem>> -> memref<1x128xi32, #tpu.memory_space<vmem>>
    %dma_start3A_216 = tpu.memref_squeeze %dma_start3A_215 : memref<1x128xi32, #tpu.memory_space<vmem>> -> memref<128xi32, #tpu.memory_space<vmem>>
    %dma_start3A_217 = tpu.memref_slice %arg2[%add3A_212] : memref<102400xi32, #tpu.memory_space<hbm>> -> memref<128xi32, #tpu.memory_space<hbm>>
    %dma_start3A_218 = arith.constant 0 : i32
    %dma_start3A_219 = tpu.memref_slice %arg8[%dma_start3A_213, %dma_start3A_218] : memref<33x128xi32, #tpu.memory_space<vmem>> -> memref<1x128xi32, #tpu.memory_space<vmem>>
    %dma_start3A_220 = tpu.memref_squeeze %dma_start3A_219 : memref<1x128xi32, #tpu.memory_space<vmem>> -> memref<128xi32, #tpu.memory_space<vmem>>
    %dma_start3A_221 = tpu.memref_slice %arg2[%add3A_212] : memref<102400xi32, #tpu.memory_space<hbm>> -> memref<128xi32, #tpu.memory_space<hbm>>
    tpu.enqueue_dma source(%dma_start3A_221 : memref<128xi32, #tpu.memory_space<hbm>>) target(%dma_start3A_220 : memref<128xi32, #tpu.memory_space<vmem>>) target_semaphore(%arg12 : memref<!tpu.dma_semaphore, #tpu.memory_space<semaphore_mem>>)
    %add3A_222 = arith.constant 81920 : i32
    %add3A_223 = arith.addi %add3A_222, %mul3A_2 : i32
    %dma_start3A_224 = arith.constant 20 : i32
    %dma_start3A_225 = arith.constant 0 : i32
    %dma_start3A_226 = tpu.memref_slice %arg8[%dma_start3A_224, %dma_start3A_225] : memref<33x128xi32, #tpu.memory_space<vmem>> -> memref<1x128xi32, #tpu.memory_space<vmem>>
    %dma_start3A_227 = tpu.memref_squeeze %dma_start3A_226 : memref<1x128xi32, #tpu.memory_space<vmem>> -> memref<128xi32, #tpu.memory_space<vmem>>
    %dma_start3A_228 = tpu.memref_slice %arg2[%add3A_223] : memref<102400xi32, #tpu.memory_space<hbm>> -> memref<128xi32, #tpu.memory_space<hbm>>
    %dma_start3A_229 = arith.constant 0 : i32
    %dma_start3A_230 = tpu.memref_slice %arg8[%dma_start3A_224, %dma_start3A_229] : memref<33x128xi32, #tpu.memory_space<vmem>> -> memref<1x128xi32, #tpu.memory_space<vmem>>
    %dma_start3A_231 = tpu.memref_squeeze %dma_start3A_230 : memref<1x128xi32, #tpu.memory_space<vmem>> -> memref<128xi32, #tpu.memory_space<vmem>>
    %dma_start3A_232 = tpu.memref_slice %arg2[%add3A_223] : memref<102400xi32, #tpu.memory_space<hbm>> -> memref<128xi32, #tpu.memory_space<hbm>>
    tpu.enqueue_dma source(%dma_start3A_232 : memref<128xi32, #tpu.memory_space<hbm>>) target(%dma_start3A_231 : memref<128xi32, #tpu.memory_space<vmem>>) target_semaphore(%arg12 : memref<!tpu.dma_semaphore, #tpu.memory_space<semaphore_mem>>)
    %add3A_233 = arith.constant 86016 : i32
    %add3A_234 = arith.addi %add3A_233, %mul3A_2 : i32
    %dma_start3A_235 = arith.constant 21 : i32
    %dma_start3A_236 = arith.constant 0 : i32
    %dma_start3A_237 = tpu.memref_slice %arg8[%dma_start3A_235, %dma_start3A_236] : memref<33x128xi32, #tpu.memory_space<vmem>> -> memref<1x128xi32, #tpu.memory_space<vmem>>
    %dma_start3A_238 = tpu.memref_squeeze %dma_start3A_237 : memref<1x128xi32, #tpu.memory_space<vmem>> -> memref<128xi32, #tpu.memory_space<vmem>>
    %dma_start3A_239 = tpu.memref_slice %arg2[%add3A_234] : memref<102400xi32, #tpu.memory_space<hbm>> -> memref<128xi32, #tpu.memory_space<hbm>>
    %dma_start3A_240 = arith.constant 0 : i32
    %dma_start3A_241 = tpu.memref_slice %arg8[%dma_start3A_235, %dma_start3A_240] : memref<33x128xi32, #tpu.memory_space<vmem>> -> memref<1x128xi32, #tpu.memory_space<vmem>>
    %dma_start3A_242 = tpu.memref_squeeze %dma_start3A_241 : memref<1x128xi32, #tpu.memory_space<vmem>> -> memref<128xi32, #tpu.memory_space<vmem>>
    %dma_start3A_243 = tpu.memref_slice %arg2[%add3A_234] : memref<102400xi32, #tpu.memory_space<hbm>> -> memref<128xi32, #tpu.memory_space<hbm>>
    tpu.enqueue_dma source(%dma_start3A_243 : memref<128xi32, #tpu.memory_space<hbm>>) target(%dma_start3A_242 : memref<128xi32, #tpu.memory_space<vmem>>) target_semaphore(%arg12 : memref<!tpu.dma_semaphore, #tpu.memory_space<semaphore_mem>>)
    %add3A_244 = arith.constant 90112 : i32
    %add3A_245 = arith.addi %add3A_244, %mul3A_2 : i32
    %dma_start3A_246 = arith.constant 22 : i32
    %dma_start3A_247 = arith.constant 0 : i32
    %dma_start3A_248 = tpu.memref_slice %arg8[%dma_start3A_246, %dma_start3A_247] : memref<33x128xi32, #tpu.memory_space<vmem>> -> memref<1x128xi32, #tpu.memory_space<vmem>>
    %dma_start3A_249 = tpu.memref_squeeze %dma_start3A_248 : memref<1x128xi32, #tpu.memory_space<vmem>> -> memref<128xi32, #tpu.memory_space<vmem>>
    %dma_start3A_250 = tpu.memref_slice %arg2[%add3A_245] : memref<102400xi32, #tpu.memory_space<hbm>> -> memref<128xi32, #tpu.memory_space<hbm>>
    %dma_start3A_251 = arith.constant 0 : i32
    %dma_start3A_252 = tpu.memref_slice %arg8[%dma_start3A_246, %dma_start3A_251] : memref<33x128xi32, #tpu.memory_space<vmem>> -> memref<1x128xi32, #tpu.memory_space<vmem>>
    %dma_start3A_253 = tpu.memref_squeeze %dma_start3A_252 : memref<1x128xi32, #tpu.memory_space<vmem>> -> memref<128xi32, #tpu.memory_space<vmem>>
    %dma_start3A_254 = tpu.memref_slice %arg2[%add3A_245] : memref<102400xi32, #tpu.memory_space<hbm>> -> memref<128xi32, #tpu.memory_space<hbm>>
    tpu.enqueue_dma source(%dma_start3A_254 : memref<128xi32, #tpu.memory_space<hbm>>) target(%dma_start3A_253 : memref<128xi32, #tpu.memory_space<vmem>>) target_semaphore(%arg12 : memref<!tpu.dma_semaphore, #tpu.memory_space<semaphore_mem>>)
    %add3A_255 = arith.constant 94208 : i32
    %add3A_256 = arith.addi %add3A_255, %mul3A_2 : i32
    %dma_start3A_257 = arith.constant 23 : i32
    %dma_start3A_258 = arith.constant 0 : i32
    %dma_start3A_259 = tpu.memref_slice %arg8[%dma_start3A_257, %dma_start3A_258] : memref<33x128xi32, #tpu.memory_space<vmem>> -> memref<1x128xi32, #tpu.memory_space<vmem>>
    %dma_start3A_260 = tpu.memref_squeeze %dma_start3A_259 : memref<1x128xi32, #tpu.memory_space<vmem>> -> memref<128xi32, #tpu.memory_space<vmem>>
    %dma_start3A_261 = tpu.memref_slice %arg2[%add3A_256] : memref<102400xi32, #tpu.memory_space<hbm>> -> memref<128xi32, #tpu.memory_space<hbm>>
    %dma_start3A_262 = arith.constant 0 : i32
    %dma_start3A_263 = tpu.memref_slice %arg8[%dma_start3A_257, %dma_start3A_262] : memref<33x128xi32, #tpu.memory_space<vmem>> -> memref<1x128xi32, #tpu.memory_space<vmem>>
    %dma_start3A_264 = tpu.memref_squeeze %dma_start3A_263 : memref<1x128xi32, #tpu.memory_space<vmem>> -> memref<128xi32, #tpu.memory_space<vmem>>
    %dma_start3A_265 = tpu.memref_slice %arg2[%add3A_256] : memref<102400xi32, #tpu.memory_space<hbm>> -> memref<128xi32, #tpu.memory_space<hbm>>
    tpu.enqueue_dma source(%dma_start3A_265 : memref<128xi32, #tpu.memory_space<hbm>>) target(%dma_start3A_264 : memref<128xi32, #tpu.memory_space<vmem>>) target_semaphore(%arg12 : memref<!tpu.dma_semaphore, #tpu.memory_space<semaphore_mem>>)
    %add3A_266 = arith.constant 98304 : i32
    %add3A_267 = arith.addi %add3A_266, %mul3A_2 : i32
    %dma_start3A_268 = arith.constant 24 : i32
    %dma_start3A_269 = arith.constant 0 : i32
    %dma_start3A_270 = tpu.memref_slice %arg8[%dma_start3A_268, %dma_start3A_269] : memref<33x128xi32, #tpu.memory_space<vmem>> -> memref<1x128xi32, #tpu.memory_space<vmem>>
    %dma_start3A_271 = tpu.memref_squeeze %dma_start3A_270 : memref<1x128xi32, #tpu.memory_space<vmem>> -> memref<128xi32, #tpu.memory_space<vmem>>
    %dma_start3A_272 = tpu.memref_slice %arg2[%add3A_267] : memref<102400xi32, #tpu.memory_space<hbm>> -> memref<128xi32, #tpu.memory_space<hbm>>
    %dma_start3A_273 = arith.constant 0 : i32
    %dma_start3A_274 = tpu.memref_slice %arg8[%dma_start3A_268, %dma_start3A_273] : memref<33x128xi32, #tpu.memory_space<vmem>> -> memref<1x128xi32, #tpu.memory_space<vmem>>
    %dma_start3A_275 = tpu.memref_squeeze %dma_start3A_274 : memref<1x128xi32, #tpu.memory_space<vmem>> -> memref<128xi32, #tpu.memory_space<vmem>>
    %dma_start3A_276 = tpu.memref_slice %arg2[%add3A_267] : memref<102400xi32, #tpu.memory_space<hbm>> -> memref<128xi32, #tpu.memory_space<hbm>>
    tpu.enqueue_dma source(%dma_start3A_276 : memref<128xi32, #tpu.memory_space<hbm>>) target(%dma_start3A_275 : memref<128xi32, #tpu.memory_space<vmem>>) target_semaphore(%arg12 : memref<!tpu.dma_semaphore, #tpu.memory_space<semaphore_mem>>)
    %add3A_277 = arith.constant 0 : i32
    %add3A_278 = arith.addi %add3A_277, %mul3A_2 : i32
    %dma_start3A_279 = arith.constant 25 : i32
    %dma_start3A_280 = arith.constant 0 : i32
    %dma_start3A_281 = tpu.memref_slice %arg8[%dma_start3A_279, %dma_start3A_280] : memref<33x128xi32, #tpu.memory_space<vmem>> -> memref<1x128xi32, #tpu.memory_space<vmem>>
    %dma_start3A_282 = tpu.memref_squeeze %dma_start3A_281 : memref<1x128xi32, #tpu.memory_space<vmem>> -> memref<128xi32, #tpu.memory_space<vmem>>
    %dma_start3A_283 = tpu.memref_slice %arg3[%add3A_278] : memref<32768xi32, #tpu.memory_space<hbm>> -> memref<128xi32, #tpu.memory_space<hbm>>
    %dma_start3A_284 = arith.constant 0 : i32
    %dma_start3A_285 = tpu.memref_slice %arg8[%dma_start3A_279, %dma_start3A_284] : memref<33x128xi32, #tpu.memory_space<vmem>> -> memref<1x128xi32, #tpu.memory_space<vmem>>
    %dma_start3A_286 = tpu.memref_squeeze %dma_start3A_285 : memref<1x128xi32, #tpu.memory_space<vmem>> -> memref<128xi32, #tpu.memory_space<vmem>>
    %dma_start3A_287 = tpu.memref_slice %arg3[%add3A_278] : memref<32768xi32, #tpu.memory_space<hbm>> -> memref<128xi32, #tpu.memory_space<hbm>>
    tpu.enqueue_dma source(%dma_start3A_287 : memref<128xi32, #tpu.memory_space<hbm>>) target(%dma_start3A_286 : memref<128xi32, #tpu.memory_space<vmem>>) target_semaphore(%arg12 : memref<!tpu.dma_semaphore, #tpu.memory_space<semaphore_mem>>)
    %add3A_288 = arith.constant 4096 : i32
    %add3A_289 = arith.addi %add3A_288, %mul3A_2 : i32
    %dma_start3A_290 = arith.constant 26 : i32
    %dma_start3A_291 = arith.constant 0 : i32
    %dma_start3A_292 = tpu.memref_slice %arg8[%dma_start3A_290, %dma_start3A_291] : memref<33x128xi32, #tpu.memory_space<vmem>> -> memref<1x128xi32, #tpu.memory_space<vmem>>
    %dma_start3A_293 = tpu.memref_squeeze %dma_start3A_292 : memref<1x128xi32, #tpu.memory_space<vmem>> -> memref<128xi32, #tpu.memory_space<vmem>>
    %dma_start3A_294 = tpu.memref_slice %arg3[%add3A_289] : memref<32768xi32, #tpu.memory_space<hbm>> -> memref<128xi32, #tpu.memory_space<hbm>>
    %dma_start3A_295 = arith.constant 0 : i32
    %dma_start3A_296 = tpu.memref_slice %arg8[%dma_start3A_290, %dma_start3A_295] : memref<33x128xi32, #tpu.memory_space<vmem>> -> memref<1x128xi32, #tpu.memory_space<vmem>>
    %dma_start3A_297 = tpu.memref_squeeze %dma_start3A_296 : memref<1x128xi32, #tpu.memory_space<vmem>> -> memref<128xi32, #tpu.memory_space<vmem>>
    %dma_start3A_298 = tpu.memref_slice %arg3[%add3A_289] : memref<32768xi32, #tpu.memory_space<hbm>> -> memref<128xi32, #tpu.memory_space<hbm>>
    tpu.enqueue_dma source(%dma_start3A_298 : memref<128xi32, #tpu.memory_space<hbm>>) target(%dma_start3A_297 : memref<128xi32, #tpu.memory_space<vmem>>) target_semaphore(%arg12 : memref<!tpu.dma_semaphore, #tpu.memory_space<semaphore_mem>>)
    %add3A_299 = arith.constant 8192 : i32
    %add3A_300 = arith.addi %add3A_299, %mul3A_2 : i32
    %dma_start3A_301 = arith.constant 27 : i32
    %dma_start3A_302 = arith.constant 0 : i32
    %dma_start3A_303 = tpu.memref_slice %arg8[%dma_start3A_301, %dma_start3A_302] : memref<33x128xi32, #tpu.memory_space<vmem>> -> memref<1x128xi32, #tpu.memory_space<vmem>>
    %dma_start3A_304 = tpu.memref_squeeze %dma_start3A_303 : memref<1x128xi32, #tpu.memory_space<vmem>> -> memref<128xi32, #tpu.memory_space<vmem>>
    %dma_start3A_305 = tpu.memref_slice %arg3[%add3A_300] : memref<32768xi32, #tpu.memory_space<hbm>> -> memref<128xi32, #tpu.memory_space<hbm>>
    %dma_start3A_306 = arith.constant 0 : i32
    %dma_start3A_307 = tpu.memref_slice %arg8[%dma_start3A_301, %dma_start3A_306] : memref<33x128xi32, #tpu.memory_space<vmem>> -> memref<1x128xi32, #tpu.memory_space<vmem>>
    %dma_start3A_308 = tpu.memref_squeeze %dma_start3A_307 : memref<1x128xi32, #tpu.memory_space<vmem>> -> memref<128xi32, #tpu.memory_space<vmem>>
    %dma_start3A_309 = tpu.memref_slice %arg3[%add3A_300] : memref<32768xi32, #tpu.memory_space<hbm>> -> memref<128xi32, #tpu.memory_space<hbm>>
    tpu.enqueue_dma source(%dma_start3A_309 : memref<128xi32, #tpu.memory_space<hbm>>) target(%dma_start3A_308 : memref<128xi32, #tpu.memory_space<vmem>>) target_semaphore(%arg12 : memref<!tpu.dma_semaphore, #tpu.memory_space<semaphore_mem>>)
    %add3A_310 = arith.constant 12288 : i32
    %add3A_311 = arith.addi %add3A_310, %mul3A_2 : i32
    %dma_start3A_312 = arith.constant 28 : i32
    %dma_start3A_313 = arith.constant 0 : i32
    %dma_start3A_314 = tpu.memref_slice %arg8[%dma_start3A_312, %dma_start3A_313] : memref<33x128xi32, #tpu.memory_space<vmem>> -> memref<1x128xi32, #tpu.memory_space<vmem>>
    %dma_start3A_315 = tpu.memref_squeeze %dma_start3A_314 : memref<1x128xi32, #tpu.memory_space<vmem>> -> memref<128xi32, #tpu.memory_space<vmem>>
    %dma_start3A_316 = tpu.memref_slice %arg3[%add3A_311] : memref<32768xi32, #tpu.memory_space<hbm>> -> memref<128xi32, #tpu.memory_space<hbm>>
    %dma_start3A_317 = arith.constant 0 : i32
    %dma_start3A_318 = tpu.memref_slice %arg8[%dma_start3A_312, %dma_start3A_317] : memref<33x128xi32, #tpu.memory_space<vmem>> -> memref<1x128xi32, #tpu.memory_space<vmem>>
    %dma_start3A_319 = tpu.memref_squeeze %dma_start3A_318 : memref<1x128xi32, #tpu.memory_space<vmem>> -> memref<128xi32, #tpu.memory_space<vmem>>
    %dma_start3A_320 = tpu.memref_slice %arg3[%add3A_311] : memref<32768xi32, #tpu.memory_space<hbm>> -> memref<128xi32, #tpu.memory_space<hbm>>
    tpu.enqueue_dma source(%dma_start3A_320 : memref<128xi32, #tpu.memory_space<hbm>>) target(%dma_start3A_319 : memref<128xi32, #tpu.memory_space<vmem>>) target_semaphore(%arg12 : memref<!tpu.dma_semaphore, #tpu.memory_space<semaphore_mem>>)
    %add3A_321 = arith.constant 16384 : i32
    %add3A_322 = arith.addi %add3A_321, %mul3A_2 : i32
    %dma_start3A_323 = arith.constant 29 : i32
    %dma_start3A_324 = arith.constant 0 : i32
    %dma_start3A_325 = tpu.memref_slice %arg8[%dma_start3A_323, %dma_start3A_324] : memref<33x128xi32, #tpu.memory_space<vmem>> -> memref<1x128xi32, #tpu.memory_space<vmem>>
    %dma_start3A_326 = tpu.memref_squeeze %dma_start3A_325 : memref<1x128xi32, #tpu.memory_space<vmem>> -> memref<128xi32, #tpu.memory_space<vmem>>
    %dma_start3A_327 = tpu.memref_slice %arg3[%add3A_322] : memref<32768xi32, #tpu.memory_space<hbm>> -> memref<128xi32, #tpu.memory_space<hbm>>
    %dma_start3A_328 = arith.constant 0 : i32
    %dma_start3A_329 = tpu.memref_slice %arg8[%dma_start3A_323, %dma_start3A_328] : memref<33x128xi32, #tpu.memory_space<vmem>> -> memref<1x128xi32, #tpu.memory_space<vmem>>
    %dma_start3A_330 = tpu.memref_squeeze %dma_start3A_329 : memref<1x128xi32, #tpu.memory_space<vmem>> -> memref<128xi32, #tpu.memory_space<vmem>>
    %dma_start3A_331 = tpu.memref_slice %arg3[%add3A_322] : memref<32768xi32, #tpu.memory_space<hbm>> -> memref<128xi32, #tpu.memory_space<hbm>>
    tpu.enqueue_dma source(%dma_start3A_331 : memref<128xi32, #tpu.memory_space<hbm>>) target(%dma_start3A_330 : memref<128xi32, #tpu.memory_space<vmem>>) target_semaphore(%arg12 : memref<!tpu.dma_semaphore, #tpu.memory_space<semaphore_mem>>)
    %add3A_332 = arith.constant 20480 : i32
    %add3A_333 = arith.addi %add3A_332, %mul3A_2 : i32
    %dma_start3A_334 = arith.constant 30 : i32
    %dma_start3A_335 = arith.constant 0 : i32
    %dma_start3A_336 = tpu.memref_slice %arg8[%dma_start3A_334, %dma_start3A_335] : memref<33x128xi32, #tpu.memory_space<vmem>> -> memref<1x128xi32, #tpu.memory_space<vmem>>
    %dma_start3A_337 = tpu.memref_squeeze %dma_start3A_336 : memref<1x128xi32, #tpu.memory_space<vmem>> -> memref<128xi32, #tpu.memory_space<vmem>>
    %dma_start3A_338 = tpu.memref_slice %arg3[%add3A_333] : memref<32768xi32, #tpu.memory_space<hbm>> -> memref<128xi32, #tpu.memory_space<hbm>>
    %dma_start3A_339 = arith.constant 0 : i32
    %dma_start3A_340 = tpu.memref_slice %arg8[%dma_start3A_334, %dma_start3A_339] : memref<33x128xi32, #tpu.memory_space<vmem>> -> memref<1x128xi32, #tpu.memory_space<vmem>>
    %dma_start3A_341 = tpu.memref_squeeze %dma_start3A_340 : memref<1x128xi32, #tpu.memory_space<vmem>> -> memref<128xi32, #tpu.memory_space<vmem>>
    %dma_start3A_342 = tpu.memref_slice %arg3[%add3A_333] : memref<32768xi32, #tpu.memory_space<hbm>> -> memref<128xi32, #tpu.memory_space<hbm>>
    tpu.enqueue_dma source(%dma_start3A_342 : memref<128xi32, #tpu.memory_space<hbm>>) target(%dma_start3A_341 : memref<128xi32, #tpu.memory_space<vmem>>) target_semaphore(%arg12 : memref<!tpu.dma_semaphore, #tpu.memory_space<semaphore_mem>>)
    %add3A_343 = arith.constant 24576 : i32
    %add3A_344 = arith.addi %add3A_343, %mul3A_2 : i32
    %dma_start3A_345 = arith.constant 31 : i32
    %dma_start3A_346 = arith.constant 0 : i32
    %dma_start3A_347 = tpu.memref_slice %arg8[%dma_start3A_345, %dma_start3A_346] : memref<33x128xi32, #tpu.memory_space<vmem>> -> memref<1x128xi32, #tpu.memory_space<vmem>>
    %dma_start3A_348 = tpu.memref_squeeze %dma_start3A_347 : memref<1x128xi32, #tpu.memory_space<vmem>> -> memref<128xi32, #tpu.memory_space<vmem>>
    %dma_start3A_349 = tpu.memref_slice %arg3[%add3A_344] : memref<32768xi32, #tpu.memory_space<hbm>> -> memref<128xi32, #tpu.memory_space<hbm>>
    %dma_start3A_350 = arith.constant 0 : i32
    %dma_start3A_351 = tpu.memref_slice %arg8[%dma_start3A_345, %dma_start3A_350] : memref<33x128xi32, #tpu.memory_space<vmem>> -> memref<1x128xi32, #tpu.memory_space<vmem>>
    %dma_start3A_352 = tpu.memref_squeeze %dma_start3A_351 : memref<1x128xi32, #tpu.memory_space<vmem>> -> memref<128xi32, #tpu.memory_space<vmem>>
    %dma_start3A_353 = tpu.memref_slice %arg3[%add3A_344] : memref<32768xi32, #tpu.memory_space<hbm>> -> memref<128xi32, #tpu.memory_space<hbm>>
    tpu.enqueue_dma source(%dma_start3A_353 : memref<128xi32, #tpu.memory_space<hbm>>) target(%dma_start3A_352 : memref<128xi32, #tpu.memory_space<vmem>>) target_semaphore(%arg12 : memref<!tpu.dma_semaphore, #tpu.memory_space<semaphore_mem>>)
    %add3A_354 = arith.constant 28672 : i32
    %add3A_355 = arith.addi %add3A_354, %mul3A_2 : i32
    %dma_start3A_356 = arith.constant 32 : i32
    %dma_start3A_357 = arith.constant 0 : i32
    %dma_start3A_358 = tpu.memref_slice %arg8[%dma_start3A_356, %dma_start3A_357] : memref<33x128xi32, #tpu.memory_space<vmem>> -> memref<1x128xi32, #tpu.memory_space<vmem>>
    %dma_start3A_359 = tpu.memref_squeeze %dma_start3A_358 : memref<1x128xi32, #tpu.memory_space<vmem>> -> memref<128xi32, #tpu.memory_space<vmem>>
    %dma_start3A_360 = tpu.memref_slice %arg3[%add3A_355] : memref<32768xi32, #tpu.memory_space<hbm>> -> memref<128xi32, #tpu.memory_space<hbm>>
    %dma_start3A_361 = arith.constant 0 : i32
    %dma_start3A_362 = tpu.memref_slice %arg8[%dma_start3A_356, %dma_start3A_361] : memref<33x128xi32, #tpu.memory_space<vmem>> -> memref<1x128xi32, #tpu.memory_space<vmem>>
    %dma_start3A_363 = tpu.memref_squeeze %dma_start3A_362 : memref<1x128xi32, #tpu.memory_space<vmem>> -> memref<128xi32, #tpu.memory_space<vmem>>
    %dma_start3A_364 = tpu.memref_slice %arg3[%add3A_355] : memref<32768xi32, #tpu.memory_space<hbm>> -> memref<128xi32, #tpu.memory_space<hbm>>
    tpu.enqueue_dma source(%dma_start3A_364 : memref<128xi32, #tpu.memory_space<hbm>>) target(%dma_start3A_363 : memref<128xi32, #tpu.memory_space<vmem>>) target_semaphore(%arg12 : memref<!tpu.dma_semaphore, #tpu.memory_space<semaphore_mem>>)
    %dma_wait3A = arith.constant 0 : i32
    %dma_wait3A_365 = tpu.memref_slice %arg2[%dma_wait3A] : memref<102400xi32, #tpu.memory_space<hbm>> -> memref<4224xi32, #tpu.memory_space<hbm>>
    %dma_wait3A_366 = arith.constant 0 : i32
    %dma_wait3A_367 = tpu.memref_slice %arg2[%dma_wait3A_366] : memref<102400xi32, #tpu.memory_space<hbm>> -> memref<4224xi32, #tpu.memory_space<hbm>>
    tpu.wait_dma2 semaphore(%arg12 : memref<!tpu.dma_semaphore, #tpu.memory_space<semaphore_mem>>) src(%dma_wait3A_367 : memref<4224xi32, #tpu.memory_space<hbm>>) dst(%arg8 : memref<33x128xi32, #tpu.memory_space<vmem>>)
    %dma_start3A_368 = arith.constant 0 : i32
    %dma_start3A_369 = arith.constant 0 : i32
    %dma_start3A_370 = tpu.memref_slice %arg9[%dma_start3A_369] : memref<4224xf32, #tpu.memory_space<vmem>> -> memref<128xf32, #tpu.memory_space<vmem>>
    %dma_start3A_371 = arith.constant 0 : i32
    %dma_start3A_372 = tpu.memref_slice %arg8[%dma_start3A_368, %dma_start3A_371] : memref<33x128xi32, #tpu.memory_space<vmem>> -> memref<1x128xi32, #tpu.memory_space<vmem>>
    %dma_start3A_373 = tpu.memref_squeeze %dma_start3A_372 : memref<1x128xi32, #tpu.memory_space<vmem>> -> memref<128xi32, #tpu.memory_space<vmem>>
    %dma_start3A_374 = arith.constant 0 : i32
    %dma_start3A_375 = tpu.memref_slice %arg4[%dma_start3A_374] : memref<2560000xf32, #tpu.memory_space<hbm>> -> memref<102400xf32, #tpu.memory_space<hbm>>
    %dma_start3A_376 = arith.constant 0 : i32
    %dma_start3A_377 = tpu.memref_slice %dma_start3A_375[%dma_start3A_376] : memref<102400xf32, #tpu.memory_space<hbm>> -> memref<102400xf32, #tpu.memory_space<hbm>>
    tpu.enqueue_indirect_dma source(%dma_start3A_377 : memref<102400xf32, #tpu.memory_space<hbm>>) target(%dma_start3A_370 : memref<128xf32, #tpu.memory_space<vmem>>) offsets(%dma_start3A_373 : memref<128xi32, #tpu.memory_space<vmem>>) semaphore(%arg13 : memref<!tpu.dma_semaphore, #tpu.memory_space<semaphore_mem>>)
    %dma_start3A_378 = arith.constant 1 : i32
    %dma_start3A_379 = arith.constant 128 : i32
    %dma_start3A_380 = tpu.memref_slice %arg9[%dma_start3A_379] : memref<4224xf32, #tpu.memory_space<vmem>> -> memref<128xf32, #tpu.memory_space<vmem>>
    %dma_start3A_381 = arith.constant 0 : i32
    %dma_start3A_382 = tpu.memref_slice %arg8[%dma_start3A_378, %dma_start3A_381] : memref<33x128xi32, #tpu.memory_space<vmem>> -> memref<1x128xi32, #tpu.memory_space<vmem>>
    %dma_start3A_383 = tpu.memref_squeeze %dma_start3A_382 : memref<1x128xi32, #tpu.memory_space<vmem>> -> memref<128xi32, #tpu.memory_space<vmem>>
    %dma_start3A_384 = arith.constant 102400 : i32
    %dma_start3A_385 = tpu.memref_slice %arg4[%dma_start3A_384] : memref<2560000xf32, #tpu.memory_space<hbm>> -> memref<102400xf32, #tpu.memory_space<hbm>>
    %dma_start3A_386 = arith.constant 0 : i32
    %dma_start3A_387 = tpu.memref_slice %dma_start3A_385[%dma_start3A_386] : memref<102400xf32, #tpu.memory_space<hbm>> -> memref<102400xf32, #tpu.memory_space<hbm>>
    tpu.enqueue_indirect_dma source(%dma_start3A_387 : memref<102400xf32, #tpu.memory_space<hbm>>) target(%dma_start3A_380 : memref<128xf32, #tpu.memory_space<vmem>>) offsets(%dma_start3A_383 : memref<128xi32, #tpu.memory_space<vmem>>) semaphore(%arg13 : memref<!tpu.dma_semaphore, #tpu.memory_space<semaphore_mem>>)
    %dma_start3A_388 = arith.constant 2 : i32
    %dma_start3A_389 = arith.constant 256 : i32
    %dma_start3A_390 = tpu.memref_slice %arg9[%dma_start3A_389] : memref<4224xf32, #tpu.memory_space<vmem>> -> memref<128xf32, #tpu.memory_space<vmem>>
    %dma_start3A_391 = arith.constant 0 : i32
    %dma_start3A_392 = tpu.memref_slice %arg8[%dma_start3A_388, %dma_start3A_391] : memref<33x128xi32, #tpu.memory_space<vmem>> -> memref<1x128xi32, #tpu.memory_space<vmem>>
    %dma_start3A_393 = tpu.memref_squeeze %dma_start3A_392 : memref<1x128xi32, #tpu.memory_space<vmem>> -> memref<128xi32, #tpu.memory_space<vmem>>
    %dma_start3A_394 = arith.constant 204800 : i32
    %dma_start3A_395 = tpu.memref_slice %arg4[%dma_start3A_394] : memref<2560000xf32, #tpu.memory_space<hbm>> -> memref<102400xf32, #tpu.memory_space<hbm>>
    %dma_start3A_396 = arith.constant 0 : i32
    %dma_start3A_397 = tpu.memref_slice %dma_start3A_395[%dma_start3A_396] : memref<102400xf32, #tpu.memory_space<hbm>> -> memref<102400xf32, #tpu.memory_space<hbm>>
    tpu.enqueue_indirect_dma source(%dma_start3A_397 : memref<102400xf32, #tpu.memory_space<hbm>>) target(%dma_start3A_390 : memref<128xf32, #tpu.memory_space<vmem>>) offsets(%dma_start3A_393 : memref<128xi32, #tpu.memory_space<vmem>>) semaphore(%arg13 : memref<!tpu.dma_semaphore, #tpu.memory_space<semaphore_mem>>)
    %dma_start3A_398 = arith.constant 3 : i32
    %dma_start3A_399 = arith.constant 384 : i32
    %dma_start3A_400 = tpu.memref_slice %arg9[%dma_start3A_399] : memref<4224xf32, #tpu.memory_space<vmem>> -> memref<128xf32, #tpu.memory_space<vmem>>
    %dma_start3A_401 = arith.constant 0 : i32
    %dma_start3A_402 = tpu.memref_slice %arg8[%dma_start3A_398, %dma_start3A_401] : memref<33x128xi32, #tpu.memory_space<vmem>> -> memref<1x128xi32, #tpu.memory_space<vmem>>
    %dma_start3A_403 = tpu.memref_squeeze %dma_start3A_402 : memref<1x128xi32, #tpu.memory_space<vmem>> -> memref<128xi32, #tpu.memory_space<vmem>>
    %dma_start3A_404 = arith.constant 307200 : i32
    %dma_start3A_405 = tpu.memref_slice %arg4[%dma_start3A_404] : memref<2560000xf32, #tpu.memory_space<hbm>> -> memref<102400xf32, #tpu.memory_space<hbm>>
    %dma_start3A_406 = arith.constant 0 : i32
    %dma_start3A_407 = tpu.memref_slice %dma_start3A_405[%dma_start3A_406] : memref<102400xf32, #tpu.memory_space<hbm>> -> memref<102400xf32, #tpu.memory_space<hbm>>
    tpu.enqueue_indirect_dma source(%dma_start3A_407 : memref<102400xf32, #tpu.memory_space<hbm>>) target(%dma_start3A_400 : memref<128xf32, #tpu.memory_space<vmem>>) offsets(%dma_start3A_403 : memref<128xi32, #tpu.memory_space<vmem>>) semaphore(%arg13 : memref<!tpu.dma_semaphore, #tpu.memory_space<semaphore_mem>>)
    %dma_start3A_408 = arith.constant 4 : i32
    %dma_start3A_409 = arith.constant 512 : i32
    %dma_start3A_410 = tpu.memref_slice %arg9[%dma_start3A_409] : memref<4224xf32, #tpu.memory_space<vmem>> -> memref<128xf32, #tpu.memory_space<vmem>>
    %dma_start3A_411 = arith.constant 0 : i32
    %dma_start3A_412 = tpu.memref_slice %arg8[%dma_start3A_408, %dma_start3A_411] : memref<33x128xi32, #tpu.memory_space<vmem>> -> memref<1x128xi32, #tpu.memory_space<vmem>>
    %dma_start3A_413 = tpu.memref_squeeze %dma_start3A_412 : memref<1x128xi32, #tpu.memory_space<vmem>> -> memref<128xi32, #tpu.memory_space<vmem>>
    %dma_start3A_414 = arith.constant 409600 : i32
    %dma_start3A_415 = tpu.memref_slice %arg4[%dma_start3A_414] : memref<2560000xf32, #tpu.memory_space<hbm>> -> memref<102400xf32, #tpu.memory_space<hbm>>
    %dma_start3A_416 = arith.constant 0 : i32
    %dma_start3A_417 = tpu.memref_slice %dma_start3A_415[%dma_start3A_416] : memref<102400xf32, #tpu.memory_space<hbm>> -> memref<102400xf32, #tpu.memory_space<hbm>>
    tpu.enqueue_indirect_dma source(%dma_start3A_417 : memref<102400xf32, #tpu.memory_space<hbm>>) target(%dma_start3A_410 : memref<128xf32, #tpu.memory_space<vmem>>) offsets(%dma_start3A_413 : memref<128xi32, #tpu.memory_space<vmem>>) semaphore(%arg13 : memref<!tpu.dma_semaphore, #tpu.memory_space<semaphore_mem>>)
    %dma_start3A_418 = arith.constant 5 : i32
    %dma_start3A_419 = arith.constant 640 : i32
    %dma_start3A_420 = tpu.memref_slice %arg9[%dma_start3A_419] : memref<4224xf32, #tpu.memory_space<vmem>> -> memref<128xf32, #tpu.memory_space<vmem>>
    %dma_start3A_421 = arith.constant 0 : i32
    %dma_start3A_422 = tpu.memref_slice %arg8[%dma_start3A_418, %dma_start3A_421] : memref<33x128xi32, #tpu.memory_space<vmem>> -> memref<1x128xi32, #tpu.memory_space<vmem>>
    %dma_start3A_423 = tpu.memref_squeeze %dma_start3A_422 : memref<1x128xi32, #tpu.memory_space<vmem>> -> memref<128xi32, #tpu.memory_space<vmem>>
    %dma_start3A_424 = arith.constant 512000 : i32
    %dma_start3A_425 = tpu.memref_slice %arg4[%dma_start3A_424] : memref<2560000xf32, #tpu.memory_space<hbm>> -> memref<102400xf32, #tpu.memory_space<hbm>>
    %dma_start3A_426 = arith.constant 0 : i32
    %dma_start3A_427 = tpu.memref_slice %dma_start3A_425[%dma_start3A_426] : memref<102400xf32, #tpu.memory_space<hbm>> -> memref<102400xf32, #tpu.memory_space<hbm>>
    tpu.enqueue_indirect_dma source(%dma_start3A_427 : memref<102400xf32, #tpu.memory_space<hbm>>) target(%dma_start3A_420 : memref<128xf32, #tpu.memory_space<vmem>>) offsets(%dma_start3A_423 : memref<128xi32, #tpu.memory_space<vmem>>) semaphore(%arg13 : memref<!tpu.dma_semaphore, #tpu.memory_space<semaphore_mem>>)
    %dma_start3A_428 = arith.constant 6 : i32
    %dma_start3A_429 = arith.constant 768 : i32
    %dma_start3A_430 = tpu.memref_slice %arg9[%dma_start3A_429] : memref<4224xf32, #tpu.memory_space<vmem>> -> memref<128xf32, #tpu.memory_space<vmem>>
    %dma_start3A_431 = arith.constant 0 : i32
    %dma_start3A_432 = tpu.memref_slice %arg8[%dma_start3A_428, %dma_start3A_431] : memref<33x128xi32, #tpu.memory_space<vmem>> -> memref<1x128xi32, #tpu.memory_space<vmem>>
    %dma_start3A_433 = tpu.memref_squeeze %dma_start3A_432 : memref<1x128xi32, #tpu.memory_space<vmem>> -> memref<128xi32, #tpu.memory_space<vmem>>
    %dma_start3A_434 = arith.constant 614400 : i32
    %dma_start3A_435 = tpu.memref_slice %arg4[%dma_start3A_434] : memref<2560000xf32, #tpu.memory_space<hbm>> -> memref<102400xf32, #tpu.memory_space<hbm>>
    %dma_start3A_436 = arith.constant 0 : i32
    %dma_start3A_437 = tpu.memref_slice %dma_start3A_435[%dma_start3A_436] : memref<102400xf32, #tpu.memory_space<hbm>> -> memref<102400xf32, #tpu.memory_space<hbm>>
    tpu.enqueue_indirect_dma source(%dma_start3A_437 : memref<102400xf32, #tpu.memory_space<hbm>>) target(%dma_start3A_430 : memref<128xf32, #tpu.memory_space<vmem>>) offsets(%dma_start3A_433 : memref<128xi32, #tpu.memory_space<vmem>>) semaphore(%arg13 : memref<!tpu.dma_semaphore, #tpu.memory_space<semaphore_mem>>)
    %dma_start3A_438 = arith.constant 7 : i32
    %dma_start3A_439 = arith.constant 896 : i32
    %dma_start3A_440 = tpu.memref_slice %arg9[%dma_start3A_439] : memref<4224xf32, #tpu.memory_space<vmem>> -> memref<128xf32, #tpu.memory_space<vmem>>
    %dma_start3A_441 = arith.constant 0 : i32
    %dma_start3A_442 = tpu.memref_slice %arg8[%dma_start3A_438, %dma_start3A_441] : memref<33x128xi32, #tpu.memory_space<vmem>> -> memref<1x128xi32, #tpu.memory_space<vmem>>
    %dma_start3A_443 = tpu.memref_squeeze %dma_start3A_442 : memref<1x128xi32, #tpu.memory_space<vmem>> -> memref<128xi32, #tpu.memory_space<vmem>>
    %dma_start3A_444 = arith.constant 716800 : i32
    %dma_start3A_445 = tpu.memref_slice %arg4[%dma_start3A_444] : memref<2560000xf32, #tpu.memory_space<hbm>> -> memref<102400xf32, #tpu.memory_space<hbm>>
    %dma_start3A_446 = arith.constant 0 : i32
    %dma_start3A_447 = tpu.memref_slice %dma_start3A_445[%dma_start3A_446] : memref<102400xf32, #tpu.memory_space<hbm>> -> memref<102400xf32, #tpu.memory_space<hbm>>
    tpu.enqueue_indirect_dma source(%dma_start3A_447 : memref<102400xf32, #tpu.memory_space<hbm>>) target(%dma_start3A_440 : memref<128xf32, #tpu.memory_space<vmem>>) offsets(%dma_start3A_443 : memref<128xi32, #tpu.memory_space<vmem>>) semaphore(%arg13 : memref<!tpu.dma_semaphore, #tpu.memory_space<semaphore_mem>>)
    %dma_start3A_448 = arith.constant 8 : i32
    %dma_start3A_449 = arith.constant 1024 : i32
    %dma_start3A_450 = tpu.memref_slice %arg9[%dma_start3A_449] : memref<4224xf32, #tpu.memory_space<vmem>> -> memref<128xf32, #tpu.memory_space<vmem>>
    %dma_start3A_451 = arith.constant 0 : i32
    %dma_start3A_452 = tpu.memref_slice %arg8[%dma_start3A_448, %dma_start3A_451] : memref<33x128xi32, #tpu.memory_space<vmem>> -> memref<1x128xi32, #tpu.memory_space<vmem>>
    %dma_start3A_453 = tpu.memref_squeeze %dma_start3A_452 : memref<1x128xi32, #tpu.memory_space<vmem>> -> memref<128xi32, #tpu.memory_space<vmem>>
    %dma_start3A_454 = arith.constant 819200 : i32
    %dma_start3A_455 = tpu.memref_slice %arg4[%dma_start3A_454] : memref<2560000xf32, #tpu.memory_space<hbm>> -> memref<102400xf32, #tpu.memory_space<hbm>>
    %dma_start3A_456 = arith.constant 0 : i32
    %dma_start3A_457 = tpu.memref_slice %dma_start3A_455[%dma_start3A_456] : memref<102400xf32, #tpu.memory_space<hbm>> -> memref<102400xf32, #tpu.memory_space<hbm>>
    tpu.enqueue_indirect_dma source(%dma_start3A_457 : memref<102400xf32, #tpu.memory_space<hbm>>) target(%dma_start3A_450 : memref<128xf32, #tpu.memory_space<vmem>>) offsets(%dma_start3A_453 : memref<128xi32, #tpu.memory_space<vmem>>) semaphore(%arg13 : memref<!tpu.dma_semaphore, #tpu.memory_space<semaphore_mem>>)
    %dma_start3A_458 = arith.constant 9 : i32
    %dma_start3A_459 = arith.constant 1152 : i32
    %dma_start3A_460 = tpu.memref_slice %arg9[%dma_start3A_459] : memref<4224xf32, #tpu.memory_space<vmem>> -> memref<128xf32, #tpu.memory_space<vmem>>
    %dma_start3A_461 = arith.constant 0 : i32
    %dma_start3A_462 = tpu.memref_slice %arg8[%dma_start3A_458, %dma_start3A_461] : memref<33x128xi32, #tpu.memory_space<vmem>> -> memref<1x128xi32, #tpu.memory_space<vmem>>
    %dma_start3A_463 = tpu.memref_squeeze %dma_start3A_462 : memref<1x128xi32, #tpu.memory_space<vmem>> -> memref<128xi32, #tpu.memory_space<vmem>>
    %dma_start3A_464 = arith.constant 921600 : i32
    %dma_start3A_465 = tpu.memref_slice %arg4[%dma_start3A_464] : memref<2560000xf32, #tpu.memory_space<hbm>> -> memref<102400xf32, #tpu.memory_space<hbm>>
    %dma_start3A_466 = arith.constant 0 : i32
    %dma_start3A_467 = tpu.memref_slice %dma_start3A_465[%dma_start3A_466] : memref<102400xf32, #tpu.memory_space<hbm>> -> memref<102400xf32, #tpu.memory_space<hbm>>
    tpu.enqueue_indirect_dma source(%dma_start3A_467 : memref<102400xf32, #tpu.memory_space<hbm>>) target(%dma_start3A_460 : memref<128xf32, #tpu.memory_space<vmem>>) offsets(%dma_start3A_463 : memref<128xi32, #tpu.memory_space<vmem>>) semaphore(%arg13 : memref<!tpu.dma_semaphore, #tpu.memory_space<semaphore_mem>>)
    %dma_start3A_468 = arith.constant 10 : i32
    %dma_start3A_469 = arith.constant 1280 : i32
    %dma_start3A_470 = tpu.memref_slice %arg9[%dma_start3A_469] : memref<4224xf32, #tpu.memory_space<vmem>> -> memref<128xf32, #tpu.memory_space<vmem>>
    %dma_start3A_471 = arith.constant 0 : i32
    %dma_start3A_472 = tpu.memref_slice %arg8[%dma_start3A_468, %dma_start3A_471] : memref<33x128xi32, #tpu.memory_space<vmem>> -> memref<1x128xi32, #tpu.memory_space<vmem>>
    %dma_start3A_473 = tpu.memref_squeeze %dma_start3A_472 : memref<1x128xi32, #tpu.memory_space<vmem>> -> memref<128xi32, #tpu.memory_space<vmem>>
    %dma_start3A_474 = arith.constant 1024000 : i32
    %dma_start3A_475 = tpu.memref_slice %arg4[%dma_start3A_474] : memref<2560000xf32, #tpu.memory_space<hbm>> -> memref<102400xf32, #tpu.memory_space<hbm>>
    %dma_start3A_476 = arith.constant 0 : i32
    %dma_start3A_477 = tpu.memref_slice %dma_start3A_475[%dma_start3A_476] : memref<102400xf32, #tpu.memory_space<hbm>> -> memref<102400xf32, #tpu.memory_space<hbm>>
    tpu.enqueue_indirect_dma source(%dma_start3A_477 : memref<102400xf32, #tpu.memory_space<hbm>>) target(%dma_start3A_470 : memref<128xf32, #tpu.memory_space<vmem>>) offsets(%dma_start3A_473 : memref<128xi32, #tpu.memory_space<vmem>>) semaphore(%arg13 : memref<!tpu.dma_semaphore, #tpu.memory_space<semaphore_mem>>)
    %dma_start3A_478 = arith.constant 11 : i32
    %dma_start3A_479 = arith.constant 1408 : i32
    %dma_start3A_480 = tpu.memref_slice %arg9[%dma_start3A_479] : memref<4224xf32, #tpu.memory_space<vmem>> -> memref<128xf32, #tpu.memory_space<vmem>>
    %dma_start3A_481 = arith.constant 0 : i32
    %dma_start3A_482 = tpu.memref_slice %arg8[%dma_start3A_478, %dma_start3A_481] : memref<33x128xi32, #tpu.memory_space<vmem>> -> memref<1x128xi32, #tpu.memory_space<vmem>>
    %dma_start3A_483 = tpu.memref_squeeze %dma_start3A_482 : memref<1x128xi32, #tpu.memory_space<vmem>> -> memref<128xi32, #tpu.memory_space<vmem>>
    %dma_start3A_484 = arith.constant 1126400 : i32
    %dma_start3A_485 = tpu.memref_slice %arg4[%dma_start3A_484] : memref<2560000xf32, #tpu.memory_space<hbm>> -> memref<102400xf32, #tpu.memory_space<hbm>>
    %dma_start3A_486 = arith.constant 0 : i32
    %dma_start3A_487 = tpu.memref_slice %dma_start3A_485[%dma_start3A_486] : memref<102400xf32, #tpu.memory_space<hbm>> -> memref<102400xf32, #tpu.memory_space<hbm>>
    tpu.enqueue_indirect_dma source(%dma_start3A_487 : memref<102400xf32, #tpu.memory_space<hbm>>) target(%dma_start3A_480 : memref<128xf32, #tpu.memory_space<vmem>>) offsets(%dma_start3A_483 : memref<128xi32, #tpu.memory_space<vmem>>) semaphore(%arg13 : memref<!tpu.dma_semaphore, #tpu.memory_space<semaphore_mem>>)
    %dma_start3A_488 = arith.constant 12 : i32
    %dma_start3A_489 = arith.constant 1536 : i32
    %dma_start3A_490 = tpu.memref_slice %arg9[%dma_start3A_489] : memref<4224xf32, #tpu.memory_space<vmem>> -> memref<128xf32, #tpu.memory_space<vmem>>
    %dma_start3A_491 = arith.constant 0 : i32
    %dma_start3A_492 = tpu.memref_slice %arg8[%dma_start3A_488, %dma_start3A_491] : memref<33x128xi32, #tpu.memory_space<vmem>> -> memref<1x128xi32, #tpu.memory_space<vmem>>
    %dma_start3A_493 = tpu.memref_squeeze %dma_start3A_492 : memref<1x128xi32, #tpu.memory_space<vmem>> -> memref<128xi32, #tpu.memory_space<vmem>>
    %dma_start3A_494 = arith.constant 1228800 : i32
    %dma_start3A_495 = tpu.memref_slice %arg4[%dma_start3A_494] : memref<2560000xf32, #tpu.memory_space<hbm>> -> memref<102400xf32, #tpu.memory_space<hbm>>
    %dma_start3A_496 = arith.constant 0 : i32
    %dma_start3A_497 = tpu.memref_slice %dma_start3A_495[%dma_start3A_496] : memref<102400xf32, #tpu.memory_space<hbm>> -> memref<102400xf32, #tpu.memory_space<hbm>>
    tpu.enqueue_indirect_dma source(%dma_start3A_497 : memref<102400xf32, #tpu.memory_space<hbm>>) target(%dma_start3A_490 : memref<128xf32, #tpu.memory_space<vmem>>) offsets(%dma_start3A_493 : memref<128xi32, #tpu.memory_space<vmem>>) semaphore(%arg13 : memref<!tpu.dma_semaphore, #tpu.memory_space<semaphore_mem>>)
    %dma_start3A_498 = arith.constant 13 : i32
    %dma_start3A_499 = arith.constant 1664 : i32
    %dma_start3A_500 = tpu.memref_slice %arg9[%dma_start3A_499] : memref<4224xf32, #tpu.memory_space<vmem>> -> memref<128xf32, #tpu.memory_space<vmem>>
    %dma_start3A_501 = arith.constant 0 : i32
    %dma_start3A_502 = tpu.memref_slice %arg8[%dma_start3A_498, %dma_start3A_501] : memref<33x128xi32, #tpu.memory_space<vmem>> -> memref<1x128xi32, #tpu.memory_space<vmem>>
    %dma_start3A_503 = tpu.memref_squeeze %dma_start3A_502 : memref<1x128xi32, #tpu.memory_space<vmem>> -> memref<128xi32, #tpu.memory_space<vmem>>
    %dma_start3A_504 = arith.constant 1331200 : i32
    %dma_start3A_505 = tpu.memref_slice %arg4[%dma_start3A_504] : memref<2560000xf32, #tpu.memory_space<hbm>> -> memref<102400xf32, #tpu.memory_space<hbm>>
    %dma_start3A_506 = arith.constant 0 : i32
    %dma_start3A_507 = tpu.memref_slice %dma_start3A_505[%dma_start3A_506] : memref<102400xf32, #tpu.memory_space<hbm>> -> memref<102400xf32, #tpu.memory_space<hbm>>
    tpu.enqueue_indirect_dma source(%dma_start3A_507 : memref<102400xf32, #tpu.memory_space<hbm>>) target(%dma_start3A_500 : memref<128xf32, #tpu.memory_space<vmem>>) offsets(%dma_start3A_503 : memref<128xi32, #tpu.memory_space<vmem>>) semaphore(%arg13 : memref<!tpu.dma_semaphore, #tpu.memory_space<semaphore_mem>>)
    %dma_start3A_508 = arith.constant 14 : i32
    %dma_start3A_509 = arith.constant 1792 : i32
    %dma_start3A_510 = tpu.memref_slice %arg9[%dma_start3A_509] : memref<4224xf32, #tpu.memory_space<vmem>> -> memref<128xf32, #tpu.memory_space<vmem>>
    %dma_start3A_511 = arith.constant 0 : i32
    %dma_start3A_512 = tpu.memref_slice %arg8[%dma_start3A_508, %dma_start3A_511] : memref<33x128xi32, #tpu.memory_space<vmem>> -> memref<1x128xi32, #tpu.memory_space<vmem>>
    %dma_start3A_513 = tpu.memref_squeeze %dma_start3A_512 : memref<1x128xi32, #tpu.memory_space<vmem>> -> memref<128xi32, #tpu.memory_space<vmem>>
    %dma_start3A_514 = arith.constant 1433600 : i32
    %dma_start3A_515 = tpu.memref_slice %arg4[%dma_start3A_514] : memref<2560000xf32, #tpu.memory_space<hbm>> -> memref<102400xf32, #tpu.memory_space<hbm>>
    %dma_start3A_516 = arith.constant 0 : i32
    %dma_start3A_517 = tpu.memref_slice %dma_start3A_515[%dma_start3A_516] : memref<102400xf32, #tpu.memory_space<hbm>> -> memref<102400xf32, #tpu.memory_space<hbm>>
    tpu.enqueue_indirect_dma source(%dma_start3A_517 : memref<102400xf32, #tpu.memory_space<hbm>>) target(%dma_start3A_510 : memref<128xf32, #tpu.memory_space<vmem>>) offsets(%dma_start3A_513 : memref<128xi32, #tpu.memory_space<vmem>>) semaphore(%arg13 : memref<!tpu.dma_semaphore, #tpu.memory_space<semaphore_mem>>)
    %dma_start3A_518 = arith.constant 15 : i32
    %dma_start3A_519 = arith.constant 1920 : i32
    %dma_start3A_520 = tpu.memref_slice %arg9[%dma_start3A_519] : memref<4224xf32, #tpu.memory_space<vmem>> -> memref<128xf32, #tpu.memory_space<vmem>>
    %dma_start3A_521 = arith.constant 0 : i32
    %dma_start3A_522 = tpu.memref_slice %arg8[%dma_start3A_518, %dma_start3A_521] : memref<33x128xi32, #tpu.memory_space<vmem>> -> memref<1x128xi32, #tpu.memory_space<vmem>>
    %dma_start3A_523 = tpu.memref_squeeze %dma_start3A_522 : memref<1x128xi32, #tpu.memory_space<vmem>> -> memref<128xi32, #tpu.memory_space<vmem>>
    %dma_start3A_524 = arith.constant 1536000 : i32
    %dma_start3A_525 = tpu.memref_slice %arg4[%dma_start3A_524] : memref<2560000xf32, #tpu.memory_space<hbm>> -> memref<102400xf32, #tpu.memory_space<hbm>>
    %dma_start3A_526 = arith.constant 0 : i32
    %dma_start3A_527 = tpu.memref_slice %dma_start3A_525[%dma_start3A_526] : memref<102400xf32, #tpu.memory_space<hbm>> -> memref<102400xf32, #tpu.memory_space<hbm>>
    tpu.enqueue_indirect_dma source(%dma_start3A_527 : memref<102400xf32, #tpu.memory_space<hbm>>) target(%dma_start3A_520 : memref<128xf32, #tpu.memory_space<vmem>>) offsets(%dma_start3A_523 : memref<128xi32, #tpu.memory_space<vmem>>) semaphore(%arg13 : memref<!tpu.dma_semaphore, #tpu.memory_space<semaphore_mem>>)
    %dma_start3A_528 = arith.constant 16 : i32
    %dma_start3A_529 = arith.constant 2048 : i32
    %dma_start3A_530 = tpu.memref_slice %arg9[%dma_start3A_529] : memref<4224xf32, #tpu.memory_space<vmem>> -> memref<128xf32, #tpu.memory_space<vmem>>
    %dma_start3A_531 = arith.constant 0 : i32
    %dma_start3A_532 = tpu.memref_slice %arg8[%dma_start3A_528, %dma_start3A_531] : memref<33x128xi32, #tpu.memory_space<vmem>> -> memref<1x128xi32, #tpu.memory_space<vmem>>
    %dma_start3A_533 = tpu.memref_squeeze %dma_start3A_532 : memref<1x128xi32, #tpu.memory_space<vmem>> -> memref<128xi32, #tpu.memory_space<vmem>>
    %dma_start3A_534 = arith.constant 1638400 : i32
    %dma_start3A_535 = tpu.memref_slice %arg4[%dma_start3A_534] : memref<2560000xf32, #tpu.memory_space<hbm>> -> memref<102400xf32, #tpu.memory_space<hbm>>
    %dma_start3A_536 = arith.constant 0 : i32
    %dma_start3A_537 = tpu.memref_slice %dma_start3A_535[%dma_start3A_536] : memref<102400xf32, #tpu.memory_space<hbm>> -> memref<102400xf32, #tpu.memory_space<hbm>>
    tpu.enqueue_indirect_dma source(%dma_start3A_537 : memref<102400xf32, #tpu.memory_space<hbm>>) target(%dma_start3A_530 : memref<128xf32, #tpu.memory_space<vmem>>) offsets(%dma_start3A_533 : memref<128xi32, #tpu.memory_space<vmem>>) semaphore(%arg13 : memref<!tpu.dma_semaphore, #tpu.memory_space<semaphore_mem>>)
    %dma_start3A_538 = arith.constant 17 : i32
    %dma_start3A_539 = arith.constant 2176 : i32
    %dma_start3A_540 = tpu.memref_slice %arg9[%dma_start3A_539] : memref<4224xf32, #tpu.memory_space<vmem>> -> memref<128xf32, #tpu.memory_space<vmem>>
    %dma_start3A_541 = arith.constant 0 : i32
    %dma_start3A_542 = tpu.memref_slice %arg8[%dma_start3A_538, %dma_start3A_541] : memref<33x128xi32, #tpu.memory_space<vmem>> -> memref<1x128xi32, #tpu.memory_space<vmem>>
    %dma_start3A_543 = tpu.memref_squeeze %dma_start3A_542 : memref<1x128xi32, #tpu.memory_space<vmem>> -> memref<128xi32, #tpu.memory_space<vmem>>
    %dma_start3A_544 = arith.constant 1740800 : i32
    %dma_start3A_545 = tpu.memref_slice %arg4[%dma_start3A_544] : memref<2560000xf32, #tpu.memory_space<hbm>> -> memref<102400xf32, #tpu.memory_space<hbm>>
    %dma_start3A_546 = arith.constant 0 : i32
    %dma_start3A_547 = tpu.memref_slice %dma_start3A_545[%dma_start3A_546] : memref<102400xf32, #tpu.memory_space<hbm>> -> memref<102400xf32, #tpu.memory_space<hbm>>
    tpu.enqueue_indirect_dma source(%dma_start3A_547 : memref<102400xf32, #tpu.memory_space<hbm>>) target(%dma_start3A_540 : memref<128xf32, #tpu.memory_space<vmem>>) offsets(%dma_start3A_543 : memref<128xi32, #tpu.memory_space<vmem>>) semaphore(%arg13 : memref<!tpu.dma_semaphore, #tpu.memory_space<semaphore_mem>>)
    %dma_start3A_548 = arith.constant 18 : i32
    %dma_start3A_549 = arith.constant 2304 : i32
    %dma_start3A_550 = tpu.memref_slice %arg9[%dma_start3A_549] : memref<4224xf32, #tpu.memory_space<vmem>> -> memref<128xf32, #tpu.memory_space<vmem>>
    %dma_start3A_551 = arith.constant 0 : i32
    %dma_start3A_552 = tpu.memref_slice %arg8[%dma_start3A_548, %dma_start3A_551] : memref<33x128xi32, #tpu.memory_space<vmem>> -> memref<1x128xi32, #tpu.memory_space<vmem>>
    %dma_start3A_553 = tpu.memref_squeeze %dma_start3A_552 : memref<1x128xi32, #tpu.memory_space<vmem>> -> memref<128xi32, #tpu.memory_space<vmem>>
    %dma_start3A_554 = arith.constant 1843200 : i32
    %dma_start3A_555 = tpu.memref_slice %arg4[%dma_start3A_554] : memref<2560000xf32, #tpu.memory_space<hbm>> -> memref<102400xf32, #tpu.memory_space<hbm>>
    %dma_start3A_556 = arith.constant 0 : i32
    %dma_start3A_557 = tpu.memref_slice %dma_start3A_555[%dma_start3A_556] : memref<102400xf32, #tpu.memory_space<hbm>> -> memref<102400xf32, #tpu.memory_space<hbm>>
    tpu.enqueue_indirect_dma source(%dma_start3A_557 : memref<102400xf32, #tpu.memory_space<hbm>>) target(%dma_start3A_550 : memref<128xf32, #tpu.memory_space<vmem>>) offsets(%dma_start3A_553 : memref<128xi32, #tpu.memory_space<vmem>>) semaphore(%arg13 : memref<!tpu.dma_semaphore, #tpu.memory_space<semaphore_mem>>)
    %dma_start3A_558 = arith.constant 19 : i32
    %dma_start3A_559 = arith.constant 2432 : i32
    %dma_start3A_560 = tpu.memref_slice %arg9[%dma_start3A_559] : memref<4224xf32, #tpu.memory_space<vmem>> -> memref<128xf32, #tpu.memory_space<vmem>>
    %dma_start3A_561 = arith.constant 0 : i32
    %dma_start3A_562 = tpu.memref_slice %arg8[%dma_start3A_558, %dma_start3A_561] : memref<33x128xi32, #tpu.memory_space<vmem>> -> memref<1x128xi32, #tpu.memory_space<vmem>>
    %dma_start3A_563 = tpu.memref_squeeze %dma_start3A_562 : memref<1x128xi32, #tpu.memory_space<vmem>> -> memref<128xi32, #tpu.memory_space<vmem>>
    %dma_start3A_564 = arith.constant 1945600 : i32
    %dma_start3A_565 = tpu.memref_slice %arg4[%dma_start3A_564] : memref<2560000xf32, #tpu.memory_space<hbm>> -> memref<102400xf32, #tpu.memory_space<hbm>>
    %dma_start3A_566 = arith.constant 0 : i32
    %dma_start3A_567 = tpu.memref_slice %dma_start3A_565[%dma_start3A_566] : memref<102400xf32, #tpu.memory_space<hbm>> -> memref<102400xf32, #tpu.memory_space<hbm>>
    tpu.enqueue_indirect_dma source(%dma_start3A_567 : memref<102400xf32, #tpu.memory_space<hbm>>) target(%dma_start3A_560 : memref<128xf32, #tpu.memory_space<vmem>>) offsets(%dma_start3A_563 : memref<128xi32, #tpu.memory_space<vmem>>) semaphore(%arg13 : memref<!tpu.dma_semaphore, #tpu.memory_space<semaphore_mem>>)
    %dma_start3A_568 = arith.constant 20 : i32
    %dma_start3A_569 = arith.constant 2560 : i32
    %dma_start3A_570 = tpu.memref_slice %arg9[%dma_start3A_569] : memref<4224xf32, #tpu.memory_space<vmem>> -> memref<128xf32, #tpu.memory_space<vmem>>
    %dma_start3A_571 = arith.constant 0 : i32
    %dma_start3A_572 = tpu.memref_slice %arg8[%dma_start3A_568, %dma_start3A_571] : memref<33x128xi32, #tpu.memory_space<vmem>> -> memref<1x128xi32, #tpu.memory_space<vmem>>
    %dma_start3A_573 = tpu.memref_squeeze %dma_start3A_572 : memref<1x128xi32, #tpu.memory_space<vmem>> -> memref<128xi32, #tpu.memory_space<vmem>>
    %dma_start3A_574 = arith.constant 2048000 : i32
    %dma_start3A_575 = tpu.memref_slice %arg4[%dma_start3A_574] : memref<2560000xf32, #tpu.memory_space<hbm>> -> memref<102400xf32, #tpu.memory_space<hbm>>
    %dma_start3A_576 = arith.constant 0 : i32
    %dma_start3A_577 = tpu.memref_slice %dma_start3A_575[%dma_start3A_576] : memref<102400xf32, #tpu.memory_space<hbm>> -> memref<102400xf32, #tpu.memory_space<hbm>>
    tpu.enqueue_indirect_dma source(%dma_start3A_577 : memref<102400xf32, #tpu.memory_space<hbm>>) target(%dma_start3A_570 : memref<128xf32, #tpu.memory_space<vmem>>) offsets(%dma_start3A_573 : memref<128xi32, #tpu.memory_space<vmem>>) semaphore(%arg13 : memref<!tpu.dma_semaphore, #tpu.memory_space<semaphore_mem>>)
    %dma_start3A_578 = arith.constant 21 : i32
    %dma_start3A_579 = arith.constant 2688 : i32
    %dma_start3A_580 = tpu.memref_slice %arg9[%dma_start3A_579] : memref<4224xf32, #tpu.memory_space<vmem>> -> memref<128xf32, #tpu.memory_space<vmem>>
    %dma_start3A_581 = arith.constant 0 : i32
    %dma_start3A_582 = tpu.memref_slice %arg8[%dma_start3A_578, %dma_start3A_581] : memref<33x128xi32, #tpu.memory_space<vmem>> -> memref<1x128xi32, #tpu.memory_space<vmem>>
    %dma_start3A_583 = tpu.memref_squeeze %dma_start3A_582 : memref<1x128xi32, #tpu.memory_space<vmem>> -> memref<128xi32, #tpu.memory_space<vmem>>
    %dma_start3A_584 = arith.constant 2150400 : i32
    %dma_start3A_585 = tpu.memref_slice %arg4[%dma_start3A_584] : memref<2560000xf32, #tpu.memory_space<hbm>> -> memref<102400xf32, #tpu.memory_space<hbm>>
    %dma_start3A_586 = arith.constant 0 : i32
    %dma_start3A_587 = tpu.memref_slice %dma_start3A_585[%dma_start3A_586] : memref<102400xf32, #tpu.memory_space<hbm>> -> memref<102400xf32, #tpu.memory_space<hbm>>
    tpu.enqueue_indirect_dma source(%dma_start3A_587 : memref<102400xf32, #tpu.memory_space<hbm>>) target(%dma_start3A_580 : memref<128xf32, #tpu.memory_space<vmem>>) offsets(%dma_start3A_583 : memref<128xi32, #tpu.memory_space<vmem>>) semaphore(%arg13 : memref<!tpu.dma_semaphore, #tpu.memory_space<semaphore_mem>>)
    %dma_start3A_588 = arith.constant 22 : i32
    %dma_start3A_589 = arith.constant 2816 : i32
    %dma_start3A_590 = tpu.memref_slice %arg9[%dma_start3A_589] : memref<4224xf32, #tpu.memory_space<vmem>> -> memref<128xf32, #tpu.memory_space<vmem>>
    %dma_start3A_591 = arith.constant 0 : i32
    %dma_start3A_592 = tpu.memref_slice %arg8[%dma_start3A_588, %dma_start3A_591] : memref<33x128xi32, #tpu.memory_space<vmem>> -> memref<1x128xi32, #tpu.memory_space<vmem>>
    %dma_start3A_593 = tpu.memref_squeeze %dma_start3A_592 : memref<1x128xi32, #tpu.memory_space<vmem>> -> memref<128xi32, #tpu.memory_space<vmem>>
    %dma_start3A_594 = arith.constant 2252800 : i32
    %dma_start3A_595 = tpu.memref_slice %arg4[%dma_start3A_594] : memref<2560000xf32, #tpu.memory_space<hbm>> -> memref<102400xf32, #tpu.memory_space<hbm>>
    %dma_start3A_596 = arith.constant 0 : i32
    %dma_start3A_597 = tpu.memref_slice %dma_start3A_595[%dma_start3A_596] : memref<102400xf32, #tpu.memory_space<hbm>> -> memref<102400xf32, #tpu.memory_space<hbm>>
    tpu.enqueue_indirect_dma source(%dma_start3A_597 : memref<102400xf32, #tpu.memory_space<hbm>>) target(%dma_start3A_590 : memref<128xf32, #tpu.memory_space<vmem>>) offsets(%dma_start3A_593 : memref<128xi32, #tpu.memory_space<vmem>>) semaphore(%arg13 : memref<!tpu.dma_semaphore, #tpu.memory_space<semaphore_mem>>)
    %dma_start3A_598 = arith.constant 23 : i32
    %dma_start3A_599 = arith.constant 2944 : i32
    %dma_start3A_600 = tpu.memref_slice %arg9[%dma_start3A_599] : memref<4224xf32, #tpu.memory_space<vmem>> -> memref<128xf32, #tpu.memory_space<vmem>>
    %dma_start3A_601 = arith.constant 0 : i32
    %dma_start3A_602 = tpu.memref_slice %arg8[%dma_start3A_598, %dma_start3A_601] : memref<33x128xi32, #tpu.memory_space<vmem>> -> memref<1x128xi32, #tpu.memory_space<vmem>>
    %dma_start3A_603 = tpu.memref_squeeze %dma_start3A_602 : memref<1x128xi32, #tpu.memory_space<vmem>> -> memref<128xi32, #tpu.memory_space<vmem>>
    %dma_start3A_604 = arith.constant 2355200 : i32
    %dma_start3A_605 = tpu.memref_slice %arg4[%dma_start3A_604] : memref<2560000xf32, #tpu.memory_space<hbm>> -> memref<102400xf32, #tpu.memory_space<hbm>>
    %dma_start3A_606 = arith.constant 0 : i32
    %dma_start3A_607 = tpu.memref_slice %dma_start3A_605[%dma_start3A_606] : memref<102400xf32, #tpu.memory_space<hbm>> -> memref<102400xf32, #tpu.memory_space<hbm>>
    tpu.enqueue_indirect_dma source(%dma_start3A_607 : memref<102400xf32, #tpu.memory_space<hbm>>) target(%dma_start3A_600 : memref<128xf32, #tpu.memory_space<vmem>>) offsets(%dma_start3A_603 : memref<128xi32, #tpu.memory_space<vmem>>) semaphore(%arg13 : memref<!tpu.dma_semaphore, #tpu.memory_space<semaphore_mem>>)
    %dma_start3A_608 = arith.constant 24 : i32
    %dma_start3A_609 = arith.constant 3072 : i32
    %dma_start3A_610 = tpu.memref_slice %arg9[%dma_start3A_609] : memref<4224xf32, #tpu.memory_space<vmem>> -> memref<128xf32, #tpu.memory_space<vmem>>
    %dma_start3A_611 = arith.constant 0 : i32
    %dma_start3A_612 = tpu.memref_slice %arg8[%dma_start3A_608, %dma_start3A_611] : memref<33x128xi32, #tpu.memory_space<vmem>> -> memref<1x128xi32, #tpu.memory_space<vmem>>
    %dma_start3A_613 = tpu.memref_squeeze %dma_start3A_612 : memref<1x128xi32, #tpu.memory_space<vmem>> -> memref<128xi32, #tpu.memory_space<vmem>>
    %dma_start3A_614 = arith.constant 2457600 : i32
    %dma_start3A_615 = tpu.memref_slice %arg4[%dma_start3A_614] : memref<2560000xf32, #tpu.memory_space<hbm>> -> memref<102400xf32, #tpu.memory_space<hbm>>
    %dma_start3A_616 = arith.constant 0 : i32
    %dma_start3A_617 = tpu.memref_slice %dma_start3A_615[%dma_start3A_616] : memref<102400xf32, #tpu.memory_space<hbm>> -> memref<102400xf32, #tpu.memory_space<hbm>>
    tpu.enqueue_indirect_dma source(%dma_start3A_617 : memref<102400xf32, #tpu.memory_space<hbm>>) target(%dma_start3A_610 : memref<128xf32, #tpu.memory_space<vmem>>) offsets(%dma_start3A_613 : memref<128xi32, #tpu.memory_space<vmem>>) semaphore(%arg13 : memref<!tpu.dma_semaphore, #tpu.memory_space<semaphore_mem>>)
    %dma_start3A_618 = arith.constant 25 : i32
    %dma_start3A_619 = arith.constant 3200 : i32
    %dma_start3A_620 = tpu.memref_slice %arg9[%dma_start3A_619] : memref<4224xf32, #tpu.memory_space<vmem>> -> memref<128xf32, #tpu.memory_space<vmem>>
    %dma_start3A_621 = arith.constant 0 : i32
    %dma_start3A_622 = tpu.memref_slice %arg8[%dma_start3A_618, %dma_start3A_621] : memref<33x128xi32, #tpu.memory_space<vmem>> -> memref<1x128xi32, #tpu.memory_space<vmem>>
    %dma_start3A_623 = tpu.memref_squeeze %dma_start3A_622 : memref<1x128xi32, #tpu.memory_space<vmem>> -> memref<128xi32, #tpu.memory_space<vmem>>
    %dma_start3A_624 = arith.constant 0 : i32
    %dma_start3A_625 = tpu.memref_slice %arg5[%dma_start3A_624] : memref<2560000xf32, #tpu.memory_space<hbm>> -> memref<102400xf32, #tpu.memory_space<hbm>>
    %dma_start3A_626 = arith.constant 0 : i32
    %dma_start3A_627 = tpu.memref_slice %dma_start3A_625[%dma_start3A_626] : memref<102400xf32, #tpu.memory_space<hbm>> -> memref<102400xf32, #tpu.memory_space<hbm>>
    tpu.enqueue_indirect_dma source(%dma_start3A_627 : memref<102400xf32, #tpu.memory_space<hbm>>) target(%dma_start3A_620 : memref<128xf32, #tpu.memory_space<vmem>>) offsets(%dma_start3A_623 : memref<128xi32, #tpu.memory_space<vmem>>) semaphore(%arg13 : memref<!tpu.dma_semaphore, #tpu.memory_space<semaphore_mem>>)
    %dma_start3A_628 = arith.constant 26 : i32
    %dma_start3A_629 = arith.constant 3328 : i32
    %dma_start3A_630 = tpu.memref_slice %arg9[%dma_start3A_629] : memref<4224xf32, #tpu.memory_space<vmem>> -> memref<128xf32, #tpu.memory_space<vmem>>
    %dma_start3A_631 = arith.constant 0 : i32
    %dma_start3A_632 = tpu.memref_slice %arg8[%dma_start3A_628, %dma_start3A_631] : memref<33x128xi32, #tpu.memory_space<vmem>> -> memref<1x128xi32, #tpu.memory_space<vmem>>
    %dma_start3A_633 = tpu.memref_squeeze %dma_start3A_632 : memref<1x128xi32, #tpu.memory_space<vmem>> -> memref<128xi32, #tpu.memory_space<vmem>>
    %dma_start3A_634 = arith.constant 102400 : i32
    %dma_start3A_635 = tpu.memref_slice %arg5[%dma_start3A_634] : memref<2560000xf32, #tpu.memory_space<hbm>> -> memref<102400xf32, #tpu.memory_space<hbm>>
    %dma_start3A_636 = arith.constant 0 : i32
    %dma_start3A_637 = tpu.memref_slice %dma_start3A_635[%dma_start3A_636] : memref<102400xf32, #tpu.memory_space<hbm>> -> memref<102400xf32, #tpu.memory_space<hbm>>
    tpu.enqueue_indirect_dma source(%dma_start3A_637 : memref<102400xf32, #tpu.memory_space<hbm>>) target(%dma_start3A_630 : memref<128xf32, #tpu.memory_space<vmem>>) offsets(%dma_start3A_633 : memref<128xi32, #tpu.memory_space<vmem>>) semaphore(%arg13 : memref<!tpu.dma_semaphore, #tpu.memory_space<semaphore_mem>>)
    %dma_start3A_638 = arith.constant 27 : i32
    %dma_start3A_639 = arith.constant 3456 : i32
    %dma_start3A_640 = tpu.memref_slice %arg9[%dma_start3A_639] : memref<4224xf32, #tpu.memory_space<vmem>> -> memref<128xf32, #tpu.memory_space<vmem>>
    %dma_start3A_641 = arith.constant 0 : i32
    %dma_start3A_642 = tpu.memref_slice %arg8[%dma_start3A_638, %dma_start3A_641] : memref<33x128xi32, #tpu.memory_space<vmem>> -> memref<1x128xi32, #tpu.memory_space<vmem>>
    %dma_start3A_643 = tpu.memref_squeeze %dma_start3A_642 : memref<1x128xi32, #tpu.memory_space<vmem>> -> memref<128xi32, #tpu.memory_space<vmem>>
    %dma_start3A_644 = arith.constant 204800 : i32
    %dma_start3A_645 = tpu.memref_slice %arg5[%dma_start3A_644] : memref<2560000xf32, #tpu.memory_space<hbm>> -> memref<102400xf32, #tpu.memory_space<hbm>>
    %dma_start3A_646 = arith.constant 0 : i32
    %dma_start3A_647 = tpu.memref_slice %dma_start3A_645[%dma_start3A_646] : memref<102400xf32, #tpu.memory_space<hbm>> -> memref<102400xf32, #tpu.memory_space<hbm>>
    tpu.enqueue_indirect_dma source(%dma_start3A_647 : memref<102400xf32, #tpu.memory_space<hbm>>) target(%dma_start3A_640 : memref<128xf32, #tpu.memory_space<vmem>>) offsets(%dma_start3A_643 : memref<128xi32, #tpu.memory_space<vmem>>) semaphore(%arg13 : memref<!tpu.dma_semaphore, #tpu.memory_space<semaphore_mem>>)
    %dma_start3A_648 = arith.constant 28 : i32
    %dma_start3A_649 = arith.constant 3584 : i32
    %dma_start3A_650 = tpu.memref_slice %arg9[%dma_start3A_649] : memref<4224xf32, #tpu.memory_space<vmem>> -> memref<128xf32, #tpu.memory_space<vmem>>
    %dma_start3A_651 = arith.constant 0 : i32
    %dma_start3A_652 = tpu.memref_slice %arg8[%dma_start3A_648, %dma_start3A_651] : memref<33x128xi32, #tpu.memory_space<vmem>> -> memref<1x128xi32, #tpu.memory_space<vmem>>
    %dma_start3A_653 = tpu.memref_squeeze %dma_start3A_652 : memref<1x128xi32, #tpu.memory_space<vmem>> -> memref<128xi32, #tpu.memory_space<vmem>>
    %dma_start3A_654 = arith.constant 307200 : i32
    %dma_start3A_655 = tpu.memref_slice %arg5[%dma_start3A_654] : memref<2560000xf32, #tpu.memory_space<hbm>> -> memref<102400xf32, #tpu.memory_space<hbm>>
    %dma_start3A_656 = arith.constant 0 : i32
    %dma_start3A_657 = tpu.memref_slice %dma_start3A_655[%dma_start3A_656] : memref<102400xf32, #tpu.memory_space<hbm>> -> memref<102400xf32, #tpu.memory_space<hbm>>
    tpu.enqueue_indirect_dma source(%dma_start3A_657 : memref<102400xf32, #tpu.memory_space<hbm>>) target(%dma_start3A_650 : memref<128xf32, #tpu.memory_space<vmem>>) offsets(%dma_start3A_653 : memref<128xi32, #tpu.memory_space<vmem>>) semaphore(%arg13 : memref<!tpu.dma_semaphore, #tpu.memory_space<semaphore_mem>>)
    %dma_start3A_658 = arith.constant 29 : i32
    %dma_start3A_659 = arith.constant 3712 : i32
    %dma_start3A_660 = tpu.memref_slice %arg9[%dma_start3A_659] : memref<4224xf32, #tpu.memory_space<vmem>> -> memref<128xf32, #tpu.memory_space<vmem>>
    %dma_start3A_661 = arith.constant 0 : i32
    %dma_start3A_662 = tpu.memref_slice %arg8[%dma_start3A_658, %dma_start3A_661] : memref<33x128xi32, #tpu.memory_space<vmem>> -> memref<1x128xi32, #tpu.memory_space<vmem>>
    %dma_start3A_663 = tpu.memref_squeeze %dma_start3A_662 : memref<1x128xi32, #tpu.memory_space<vmem>> -> memref<128xi32, #tpu.memory_space<vmem>>
    %dma_start3A_664 = arith.constant 409600 : i32
    %dma_start3A_665 = tpu.memref_slice %arg5[%dma_start3A_664] : memref<2560000xf32, #tpu.memory_space<hbm>> -> memref<102400xf32, #tpu.memory_space<hbm>>
    %dma_start3A_666 = arith.constant 0 : i32
    %dma_start3A_667 = tpu.memref_slice %dma_start3A_665[%dma_start3A_666] : memref<102400xf32, #tpu.memory_space<hbm>> -> memref<102400xf32, #tpu.memory_space<hbm>>
    tpu.enqueue_indirect_dma source(%dma_start3A_667 : memref<102400xf32, #tpu.memory_space<hbm>>) target(%dma_start3A_660 : memref<128xf32, #tpu.memory_space<vmem>>) offsets(%dma_start3A_663 : memref<128xi32, #tpu.memory_space<vmem>>) semaphore(%arg13 : memref<!tpu.dma_semaphore, #tpu.memory_space<semaphore_mem>>)
    %dma_start3A_668 = arith.constant 30 : i32
    %dma_start3A_669 = arith.constant 3840 : i32
    %dma_start3A_670 = tpu.memref_slice %arg9[%dma_start3A_669] : memref<4224xf32, #tpu.memory_space<vmem>> -> memref<128xf32, #tpu.memory_space<vmem>>
    %dma_start3A_671 = arith.constant 0 : i32
    %dma_start3A_672 = tpu.memref_slice %arg8[%dma_start3A_668, %dma_start3A_671] : memref<33x128xi32, #tpu.memory_space<vmem>> -> memref<1x128xi32, #tpu.memory_space<vmem>>
    %dma_start3A_673 = tpu.memref_squeeze %dma_start3A_672 : memref<1x128xi32, #tpu.memory_space<vmem>> -> memref<128xi32, #tpu.memory_space<vmem>>
    %dma_start3A_674 = arith.constant 512000 : i32
    %dma_start3A_675 = tpu.memref_slice %arg5[%dma_start3A_674] : memref<2560000xf32, #tpu.memory_space<hbm>> -> memref<102400xf32, #tpu.memory_space<hbm>>
    %dma_start3A_676 = arith.constant 0 : i32
    %dma_start3A_677 = tpu.memref_slice %dma_start3A_675[%dma_start3A_676] : memref<102400xf32, #tpu.memory_space<hbm>> -> memref<102400xf32, #tpu.memory_space<hbm>>
    tpu.enqueue_indirect_dma source(%dma_start3A_677 : memref<102400xf32, #tpu.memory_space<hbm>>) target(%dma_start3A_670 : memref<128xf32, #tpu.memory_space<vmem>>) offsets(%dma_start3A_673 : memref<128xi32, #tpu.memory_space<vmem>>) semaphore(%arg13 : memref<!tpu.dma_semaphore, #tpu.memory_space<semaphore_mem>>)
    %dma_start3A_678 = arith.constant 31 : i32
    %dma_start3A_679 = arith.constant 3968 : i32
    %dma_start3A_680 = tpu.memref_slice %arg9[%dma_start3A_679] : memref<4224xf32, #tpu.memory_space<vmem>> -> memref<128xf32, #tpu.memory_space<vmem>>
    %dma_start3A_681 = arith.constant 0 : i32
    %dma_start3A_682 = tpu.memref_slice %arg8[%dma_start3A_678, %dma_start3A_681] : memref<33x128xi32, #tpu.memory_space<vmem>> -> memref<1x128xi32, #tpu.memory_space<vmem>>
    %dma_start3A_683 = tpu.memref_squeeze %dma_start3A_682 : memref<1x128xi32, #tpu.memory_space<vmem>> -> memref<128xi32, #tpu.memory_space<vmem>>
    %dma_start3A_684 = arith.constant 614400 : i32
    %dma_start3A_685 = tpu.memref_slice %arg5[%dma_start3A_684] : memref<2560000xf32, #tpu.memory_space<hbm>> -> memref<102400xf32, #tpu.memory_space<hbm>>
    %dma_start3A_686 = arith.constant 0 : i32
    %dma_start3A_687 = tpu.memref_slice %dma_start3A_685[%dma_start3A_686] : memref<102400xf32, #tpu.memory_space<hbm>> -> memref<102400xf32, #tpu.memory_space<hbm>>
    tpu.enqueue_indirect_dma source(%dma_start3A_687 : memref<102400xf32, #tpu.memory_space<hbm>>) target(%dma_start3A_680 : memref<128xf32, #tpu.memory_space<vmem>>) offsets(%dma_start3A_683 : memref<128xi32, #tpu.memory_space<vmem>>) semaphore(%arg13 : memref<!tpu.dma_semaphore, #tpu.memory_space<semaphore_mem>>)
    %dma_start3A_688 = arith.constant 32 : i32
    %dma_start3A_689 = arith.constant 4096 : i32
    %dma_start3A_690 = tpu.memref_slice %arg9[%dma_start3A_689] : memref<4224xf32, #tpu.memory_space<vmem>> -> memref<128xf32, #tpu.memory_space<vmem>>
    %dma_start3A_691 = arith.constant 0 : i32
    %dma_start3A_692 = tpu.memref_slice %arg8[%dma_start3A_688, %dma_start3A_691] : memref<33x128xi32, #tpu.memory_space<vmem>> -> memref<1x128xi32, #tpu.memory_space<vmem>>
    %dma_start3A_693 = tpu.memref_squeeze %dma_start3A_692 : memref<1x128xi32, #tpu.memory_space<vmem>> -> memref<128xi32, #tpu.memory_space<vmem>>
    %dma_start3A_694 = arith.constant 716800 : i32
    %dma_start3A_695 = tpu.memref_slice %arg5[%dma_start3A_694] : memref<2560000xf32, #tpu.memory_space<hbm>> -> memref<102400xf32, #tpu.memory_space<hbm>>
    %dma_start3A_696 = arith.constant 0 : i32
    %dma_start3A_697 = tpu.memref_slice %dma_start3A_695[%dma_start3A_696] : memref<102400xf32, #tpu.memory_space<hbm>> -> memref<102400xf32, #tpu.memory_space<hbm>>
    tpu.enqueue_indirect_dma source(%dma_start3A_697 : memref<102400xf32, #tpu.memory_space<hbm>>) target(%dma_start3A_690 : memref<128xf32, #tpu.memory_space<vmem>>) offsets(%dma_start3A_693 : memref<128xi32, #tpu.memory_space<vmem>>) semaphore(%arg13 : memref<!tpu.dma_semaphore, #tpu.memory_space<semaphore_mem>>)
    %dma_wait3A_698 = arith.constant 0 : i32
    %dma_wait3A_699 = tpu.memref_slice %arg4[%dma_wait3A_698] : memref<2560000xf32, #tpu.memory_space<hbm>> -> memref<4224xf32, #tpu.memory_space<hbm>>
    %dma_wait3A_700 = arith.constant 0 : i32
    %dma_wait3A_701 = tpu.memref_slice %arg4[%dma_wait3A_700] : memref<2560000xf32, #tpu.memory_space<hbm>> -> memref<4224xf32, #tpu.memory_space<hbm>>
    tpu.wait_dma2 semaphore(%arg13 : memref<!tpu.dma_semaphore, #tpu.memory_space<semaphore_mem>>) src(%dma_wait3A_701 : memref<4224xf32, #tpu.memory_space<hbm>>) dst(%arg9 : memref<4224xf32, #tpu.memory_space<vmem>>)
    %get3A = arith.constant 0 : index
    %get3A_702 = tpu.vector_load %arg11[%get3A] {strides = array<i32>} : memref<16xf32, #tpu.memory_space<vmem>>, vector<16xf32>,
    %get3A_703 = arith.constant 0 : index
    %get3A_704 = tpu.vector_load %arg9[%get3A_703] {strides = array<i32>} : memref<4224xf32, #tpu.memory_space<vmem>>, vector<16xf32>,
    %get3A_705 = arith.constant 128 : index
    %get3A_706 = tpu.vector_load %arg9[%get3A_705] {strides = array<i32>} : memref<4224xf32, #tpu.memory_space<vmem>>, vector<16xf32>,
    %add3A_707 = arith.addf %get3A_704, %get3A_706 : vector<16xf32>
    %get3A_708 = arith.constant 256 : index
    %get3A_709 = tpu.vector_load %arg9[%get3A_708] {strides = array<i32>} : memref<4224xf32, #tpu.memory_space<vmem>>, vector<16xf32>,
    %add3A_710 = arith.addf %add3A_707, %get3A_709 : vector<16xf32>
    %get3A_711 = arith.constant 384 : index
    %get3A_712 = tpu.vector_load %arg9[%get3A_711] {strides = array<i32>} : memref<4224xf32, #tpu.memory_space<vmem>>, vector<16xf32>,
    %add3A_713 = arith.addf %add3A_710, %get3A_712 : vector<16xf32>
    %get3A_714 = arith.constant 512 : index
    %get3A_715 = tpu.vector_load %arg9[%get3A_714] {strides = array<i32>} : memref<4224xf32, #tpu.memory_space<vmem>>, vector<16xf32>,
    %add3A_716 = arith.addf %add3A_713, %get3A_715 : vector<16xf32>
    %get3A_717 = arith.constant 640 : index
    %get3A_718 = tpu.vector_load %arg9[%get3A_717] {strides = array<i32>} : memref<4224xf32, #tpu.memory_space<vmem>>, vector<16xf32>,
    %add3A_719 = arith.addf %add3A_716, %get3A_718 : vector<16xf32>
    %get3A_720 = arith.constant 768 : index
    %get3A_721 = tpu.vector_load %arg9[%get3A_720] {strides = array<i32>} : memref<4224xf32, #tpu.memory_space<vmem>>, vector<16xf32>,
    %add3A_722 = arith.addf %add3A_719, %get3A_721 : vector<16xf32>
    %get3A_723 = arith.constant 896 : index
    %get3A_724 = tpu.vector_load %arg9[%get3A_723] {strides = array<i32>} : memref<4224xf32, #tpu.memory_space<vmem>>, vector<16xf32>,
    %add3A_725 = arith.addf %add3A_722, %get3A_724 : vector<16xf32>
    %get3A_726 = arith.constant 1024 : index
    %get3A_727 = tpu.vector_load %arg9[%get3A_726] {strides = array<i32>} : memref<4224xf32, #tpu.memory_space<vmem>>, vector<16xf32>,
    %add3A_728 = arith.addf %add3A_725, %get3A_727 : vector<16xf32>
    %get3A_729 = arith.constant 1152 : index
    %get3A_730 = tpu.vector_load %arg9[%get3A_729] {strides = array<i32>} : memref<4224xf32, #tpu.memory_space<vmem>>, vector<16xf32>,
    %add3A_731 = arith.addf %add3A_728, %get3A_730 : vector<16xf32>
    %get3A_732 = arith.constant 1280 : index
    %get3A_733 = tpu.vector_load %arg9[%get3A_732] {strides = array<i32>} : memref<4224xf32, #tpu.memory_space<vmem>>, vector<16xf32>,
    %add3A_734 = arith.addf %add3A_731, %get3A_733 : vector<16xf32>
    %get3A_735 = arith.constant 1408 : index
    %get3A_736 = tpu.vector_load %arg9[%get3A_735] {strides = array<i32>} : memref<4224xf32, #tpu.memory_space<vmem>>, vector<16xf32>,
    %add3A_737 = arith.addf %add3A_734, %get3A_736 : vector<16xf32>
    %get3A_738 = arith.constant 1536 : index
    %get3A_739 = tpu.vector_load %arg9[%get3A_738] {strides = array<i32>} : memref<4224xf32, #tpu.memory_space<vmem>>, vector<16xf32>,
    %add3A_740 = arith.addf %add3A_737, %get3A_739 : vector<16xf32>
    %get3A_741 = arith.constant 1664 : index
    %get3A_742 = tpu.vector_load %arg9[%get3A_741] {strides = array<i32>} : memref<4224xf32, #tpu.memory_space<vmem>>, vector<16xf32>,
    %add3A_743 = arith.addf %add3A_740, %get3A_742 : vector<16xf32>
    %get3A_744 = arith.constant 1792 : index
    %get3A_745 = tpu.vector_load %arg9[%get3A_744] {strides = array<i32>} : memref<4224xf32, #tpu.memory_space<vmem>>, vector<16xf32>,
    %add3A_746 = arith.addf %add3A_743, %get3A_745 : vector<16xf32>
    %get3A_747 = arith.constant 1920 : index
    %get3A_748 = tpu.vector_load %arg9[%get3A_747] {strides = array<i32>} : memref<4224xf32, #tpu.memory_space<vmem>>, vector<16xf32>,
    %add3A_749 = arith.addf %add3A_746, %get3A_748 : vector<16xf32>
    %get3A_750 = arith.constant 2048 : index
    %get3A_751 = tpu.vector_load %arg9[%get3A_750] {strides = array<i32>} : memref<4224xf32, #tpu.memory_space<vmem>>, vector<16xf32>,
    %add3A_752 = arith.addf %add3A_749, %get3A_751 : vector<16xf32>
    %get3A_753 = arith.constant 2176 : index
    %get3A_754 = tpu.vector_load %arg9[%get3A_753] {strides = array<i32>} : memref<4224xf32, #tpu.memory_space<vmem>>, vector<16xf32>,
    %add3A_755 = arith.addf %add3A_752, %get3A_754 : vector<16xf32>
    %get3A_756 = arith.constant 2304 : index
    %get3A_757 = tpu.vector_load %arg9[%get3A_756] {strides = array<i32>} : memref<4224xf32, #tpu.memory_space<vmem>>, vector<16xf32>,
    %add3A_758 = arith.addf %add3A_755, %get3A_757 : vector<16xf32>
    %get3A_759 = arith.constant 2432 : index
    %get3A_760 = tpu.vector_load %arg9[%get3A_759] {strides = array<i32>} : memref<4224xf32, #tpu.memory_space<vmem>>, vector<16xf32>,
    %add3A_761 = arith.addf %add3A_758, %get3A_760 : vector<16xf32>
    %get3A_762 = arith.constant 2560 : index
    %get3A_763 = tpu.vector_load %arg9[%get3A_762] {strides = array<i32>} : memref<4224xf32, #tpu.memory_space<vmem>>, vector<16xf32>,
    %add3A_764 = arith.addf %add3A_761, %get3A_763 : vector<16xf32>
    %get3A_765 = arith.constant 2688 : index
    %get3A_766 = tpu.vector_load %arg9[%get3A_765] {strides = array<i32>} : memref<4224xf32, #tpu.memory_space<vmem>>, vector<16xf32>,
    %add3A_767 = arith.addf %add3A_764, %get3A_766 : vector<16xf32>
    %get3A_768 = arith.constant 2816 : index
    %get3A_769 = tpu.vector_load %arg9[%get3A_768] {strides = array<i32>} : memref<4224xf32, #tpu.memory_space<vmem>>, vector<16xf32>,
    %add3A_770 = arith.addf %add3A_767, %get3A_769 : vector<16xf32>
    %get3A_771 = arith.constant 2944 : index
    %get3A_772 = tpu.vector_load %arg9[%get3A_771] {strides = array<i32>} : memref<4224xf32, #tpu.memory_space<vmem>>, vector<16xf32>,
    %add3A_773 = arith.addf %add3A_770, %get3A_772 : vector<16xf32>
    %get3A_774 = arith.constant 3072 : index
    %get3A_775 = tpu.vector_load %arg9[%get3A_774] {strides = array<i32>} : memref<4224xf32, #tpu.memory_space<vmem>>, vector<16xf32>,
    %add3A_776 = arith.addf %add3A_773, %get3A_775 : vector<16xf32>
    %get3A_777 = arith.constant 3200 : index
    %get3A_778 = tpu.vector_load %arg9[%get3A_777] {strides = array<i32>} : memref<4224xf32, #tpu.memory_space<vmem>>, vector<16xf32>,
    %add3A_779 = arith.addf %add3A_776, %get3A_778 : vector<16xf32>
    %get3A_780 = arith.constant 3328 : index
    %get3A_781 = tpu.vector_load %arg9[%get3A_780] {strides = array<i32>} : memref<4224xf32, #tpu.memory_space<vmem>>, vector<16xf32>,
    %add3A_782 = arith.addf %add3A_779, %get3A_781 : vector<16xf32>
    %get3A_783 = arith.constant 3456 : index
    %get3A_784 = tpu.vector_load %arg9[%get3A_783] {strides = array<i32>} : memref<4224xf32, #tpu.memory_space<vmem>>, vector<16xf32>,
    %add3A_785 = arith.addf %add3A_782, %get3A_784 : vector<16xf32>
    %get3A_786 = arith.constant 3584 : index
    %get3A_787 = tpu.vector_load %arg9[%get3A_786] {strides = array<i32>} : memref<4224xf32, #tpu.memory_space<vmem>>, vector<16xf32>,
    %add3A_788 = arith.addf %add3A_785, %get3A_787 : vector<16xf32>
    %get3A_789 = arith.constant 3712 : index
    %get3A_790 = tpu.vector_load %arg9[%get3A_789] {strides = array<i32>} : memref<4224xf32, #tpu.memory_space<vmem>>, vector<16xf32>,
    %add3A_791 = arith.addf %add3A_788, %get3A_790 : vector<16xf32>
    %get3A_792 = arith.constant 3840 : index
    %get3A_793 = tpu.vector_load %arg9[%get3A_792] {strides = array<i32>} : memref<4224xf32, #tpu.memory_space<vmem>>, vector<16xf32>,
    %add3A_794 = arith.addf %add3A_791, %get3A_793 : vector<16xf32>
    %get3A_795 = arith.constant 3968 : index
    %get3A_796 = tpu.vector_load %arg9[%get3A_795] {strides = array<i32>} : memref<4224xf32, #tpu.memory_space<vmem>>, vector<16xf32>,
    %add3A_797 = arith.addf %add3A_794, %get3A_796 : vector<16xf32>
    %get3A_798 = arith.constant 4096 : index
    %get3A_799 = tpu.vector_load %arg9[%get3A_798] {strides = array<i32>} : memref<4224xf32, #tpu.memory_space<vmem>>, vector<16xf32>,
    %add3A_800 = arith.addf %add3A_797, %get3A_799 : vector<16xf32>
    %add3A_801 = arith.addf %add3A_800, %get3A_702 : vector<16xf32>
    %neg3A = arith.constant 0.000000e+00 : f32
    %neg3A_802 = vector.broadcast %neg3A : f32 to vector<16xf32>
    %neg3A_803 = arith.subf %neg3A_802, %add3A_801 : vector<16xf32>
    %exp3A = math.exp %neg3A_803 : vector<16xf32>
    %add3A_804 = arith.constant 1.000000e+00 : f32
    %add3A_805 = vector.broadcast %add3A_804 : f32 to vector<16xf32>
    %add3A_806 = arith.addf %add3A_805, %exp3A : vector<16xf32>
    %div3A = arith.constant 1.000000e+00 : f32
    %div3A_807 = vector.broadcast %div3A : f32 to vector<16xf32>
    %div3A_808 = arith.divf %div3A_807, %add3A_806 : vector<16xf32>
    %swap3A = arith.constant 0 : index
    %swap3A_809 = tpu.vector_load %arg10[%swap3A] {strides = array<i32>} : memref<128xf32, #tpu.memory_space<vmem>>, vector<16xf32>,
    tpu.vector_store %arg10[%swap3A], %div3A_808 {strides = array<i32>} : memref<128xf32, #tpu.memory_space<vmem>>, vector<16xf32>,
    %get3A_810 = arith.constant 16 : index
    %get3A_811 = tpu.vector_load %arg9[%get3A_810] {strides = array<i32>} : memref<4224xf32, #tpu.memory_space<vmem>>, vector<16xf32>,
    %get3A_812 = arith.constant 144 : index
    %get3A_813 = tpu.vector_load %arg9[%get3A_812] {strides = array<i32>} : memref<4224xf32, #tpu.memory_space<vmem>>, vector<16xf32>,
    %add3A_814 = arith.addf %get3A_811, %get3A_813 : vector<16xf32>
    %get3A_815 = arith.constant 272 : index
    %get3A_816 = tpu.vector_load %arg9[%get3A_815] {strides = array<i32>} : memref<4224xf32, #tpu.memory_space<vmem>>, vector<16xf32>,
    %add3A_817 = arith.addf %add3A_814, %get3A_816 : vector<16xf32>
    %get3A_818 = arith.constant 400 : index
    %get3A_819 = tpu.vector_load %arg9[%get3A_818] {strides = array<i32>} : memref<4224xf32, #tpu.memory_space<vmem>>, vector<16xf32>,
    %add3A_820 = arith.addf %add3A_817, %get3A_819 : vector<16xf32>
    %get3A_821 = arith.constant 528 : index
    %get3A_822 = tpu.vector_load %arg9[%get3A_821] {strides = array<i32>} : memref<4224xf32, #tpu.memory_space<vmem>>, vector<16xf32>,
    %add3A_823 = arith.addf %add3A_820, %get3A_822 : vector<16xf32>
    %get3A_824 = arith.constant 656 : index
    %get3A_825 = tpu.vector_load %arg9[%get3A_824] {strides = array<i32>} : memref<4224xf32, #tpu.memory_space<vmem>>, vector<16xf32>,
    %add3A_826 = arith.addf %add3A_823, %get3A_825 : vector<16xf32>
    %get3A_827 = arith.constant 784 : index
    %get3A_828 = tpu.vector_load %arg9[%get3A_827] {strides = array<i32>} : memref<4224xf32, #tpu.memory_space<vmem>>, vector<16xf32>,
    %add3A_829 = arith.addf %add3A_826, %get3A_828 : vector<16xf32>
    %get3A_830 = arith.constant 912 : index
    %get3A_831 = tpu.vector_load %arg9[%get3A_830] {strides = array<i32>} : memref<4224xf32, #tpu.memory_space<vmem>>, vector<16xf32>,
    %add3A_832 = arith.addf %add3A_829, %get3A_831 : vector<16xf32>
    %get3A_833 = arith.constant 1040 : index
    %get3A_834 = tpu.vector_load %arg9[%get3A_833] {strides = array<i32>} : memref<4224xf32, #tpu.memory_space<vmem>>, vector<16xf32>,
    %add3A_835 = arith.addf %add3A_832, %get3A_834 : vector<16xf32>
    %get3A_836 = arith.constant 1168 : index
    %get3A_837 = tpu.vector_load %arg9[%get3A_836] {strides = array<i32>} : memref<4224xf32, #tpu.memory_space<vmem>>, vector<16xf32>,
    %add3A_838 = arith.addf %add3A_835, %get3A_837 : vector<16xf32>
    %get3A_839 = arith.constant 1296 : index
    %get3A_840 = tpu.vector_load %arg9[%get3A_839] {strides = array<i32>} : memref<4224xf32, #tpu.memory_space<vmem>>, vector<16xf32>,
    %add3A_841 = arith.addf %add3A_838, %get3A_840 : vector<16xf32>
    %get3A_842 = arith.constant 1424 : index
    %get3A_843 = tpu.vector_load %arg9[%get3A_842] {strides = array<i32>} : memref<4224xf32, #tpu.memory_space<vmem>>, vector<16xf32>,
    %add3A_844 = arith.addf %add3A_841, %get3A_843 : vector<16xf32>
    %get3A_845 = arith.constant 1552 : index
    %get3A_846 = tpu.vector_load %arg9[%get3A_845] {strides = array<i32>} : memref<4224xf32, #tpu.memory_space<vmem>>, vector<16xf32>,
    %add3A_847 = arith.addf %add3A_844, %get3A_846 : vector<16xf32>
    %get3A_848 = arith.constant 1680 : index
    %get3A_849 = tpu.vector_load %arg9[%get3A_848] {strides = array<i32>} : memref<4224xf32, #tpu.memory_space<vmem>>, vector<16xf32>,
    %add3A_850 = arith.addf %add3A_847, %get3A_849 : vector<16xf32>
    %get3A_851 = arith.constant 1808 : index
    %get3A_852 = tpu.vector_load %arg9[%get3A_851] {strides = array<i32>} : memref<4224xf32, #tpu.memory_space<vmem>>, vector<16xf32>,
    %add3A_853 = arith.addf %add3A_850, %get3A_852 : vector<16xf32>
    %get3A_854 = arith.constant 1936 : index
    %get3A_855 = tpu.vector_load %arg9[%get3A_854] {strides = array<i32>} : memref<4224xf32, #tpu.memory_space<vmem>>, vector<16xf32>,
    %add3A_856 = arith.addf %add3A_853, %get3A_855 : vector<16xf32>
    %get3A_857 = arith.constant 2064 : index
    %get3A_858 = tpu.vector_load %arg9[%get3A_857] {strides = array<i32>} : memref<4224xf32, #tpu.memory_space<vmem>>, vector<16xf32>,
    %add3A_859 = arith.addf %add3A_856, %get3A_858 : vector<16xf32>
    %get3A_860 = arith.constant 2192 : index
    %get3A_861 = tpu.vector_load %arg9[%get3A_860] {strides = array<i32>} : memref<4224xf32, #tpu.memory_space<vmem>>, vector<16xf32>,
    %add3A_862 = arith.addf %add3A_859, %get3A_861 : vector<16xf32>
    %get3A_863 = arith.constant 2320 : index
    %get3A_864 = tpu.vector_load %arg9[%get3A_863] {strides = array<i32>} : memref<4224xf32, #tpu.memory_space<vmem>>, vector<16xf32>,
    %add3A_865 = arith.addf %add3A_862, %get3A_864 : vector<16xf32>
    %get3A_866 = arith.constant 2448 : index
    %get3A_867 = tpu.vector_load %arg9[%get3A_866] {strides = array<i32>} : memref<4224xf32, #tpu.memory_space<vmem>>, vector<16xf32>,
    %add3A_868 = arith.addf %add3A_865, %get3A_867 : vector<16xf32>
    %get3A_869 = arith.constant 2576 : index
    %get3A_870 = tpu.vector_load %arg9[%get3A_869] {strides = array<i32>} : memref<4224xf32, #tpu.memory_space<vmem>>, vector<16xf32>,
    %add3A_871 = arith.addf %add3A_868, %get3A_870 : vector<16xf32>
    %get3A_872 = arith.constant 2704 : index
    %get3A_873 = tpu.vector_load %arg9[%get3A_872] {strides = array<i32>} : memref<4224xf32, #tpu.memory_space<vmem>>, vector<16xf32>,
    %add3A_874 = arith.addf %add3A_871, %get3A_873 : vector<16xf32>
    %get3A_875 = arith.constant 2832 : index
    %get3A_876 = tpu.vector_load %arg9[%get3A_875] {strides = array<i32>} : memref<4224xf32, #tpu.memory_space<vmem>>, vector<16xf32>,
    %add3A_877 = arith.addf %add3A_874, %get3A_876 : vector<16xf32>
    %get3A_878 = arith.constant 2960 : index
    %get3A_879 = tpu.vector_load %arg9[%get3A_878] {strides = array<i32>} : memref<4224xf32, #tpu.memory_space<vmem>>, vector<16xf32>,
    %add3A_880 = arith.addf %add3A_877, %get3A_879 : vector<16xf32>
    %get3A_881 = arith.constant 3088 : index
    %get3A_882 = tpu.vector_load %arg9[%get3A_881] {strides = array<i32>} : memref<4224xf32, #tpu.memory_space<vmem>>, vector<16xf32>,
    %add3A_883 = arith.addf %add3A_880, %get3A_882 : vector<16xf32>
    %get3A_884 = arith.constant 3216 : index
    %get3A_885 = tpu.vector_load %arg9[%get3A_884] {strides = array<i32>} : memref<4224xf32, #tpu.memory_space<vmem>>, vector<16xf32>,
    %add3A_886 = arith.addf %add3A_883, %get3A_885 : vector<16xf32>
    %get3A_887 = arith.constant 3344 : index
    %get3A_888 = tpu.vector_load %arg9[%get3A_887] {strides = array<i32>} : memref<4224xf32, #tpu.memory_space<vmem>>, vector<16xf32>,
    %add3A_889 = arith.addf %add3A_886, %get3A_888 : vector<16xf32>
    %get3A_890 = arith.constant 3472 : index
    %get3A_891 = tpu.vector_load %arg9[%get3A_890] {strides = array<i32>} : memref<4224xf32, #tpu.memory_space<vmem>>, vector<16xf32>,
    %add3A_892 = arith.addf %add3A_889, %get3A_891 : vector<16xf32>
    %get3A_893 = arith.constant 3600 : index
    %get3A_894 = tpu.vector_load %arg9[%get3A_893] {strides = array<i32>} : memref<4224xf32, #tpu.memory_space<vmem>>, vector<16xf32>,
    %add3A_895 = arith.addf %add3A_892, %get3A_894 : vector<16xf32>
    %get3A_896 = arith.constant 3728 : index
    %get3A_897 = tpu.vector_load %arg9[%get3A_896] {strides = array<i32>} : memref<4224xf32, #tpu.memory_space<vmem>>, vector<16xf32>,
    %add3A_898 = arith.addf %add3A_895, %get3A_897 : vector<16xf32>
    %get3A_899 = arith.constant 3856 : index
    %get3A_900 = tpu.vector_load %arg9[%get3A_899] {strides = array<i32>} : memref<4224xf32, #tpu.memory_space<vmem>>, vector<16xf32>,
    %add3A_901 = arith.addf %add3A_898, %get3A_900 : vector<16xf32>
    %get3A_902 = arith.constant 3984 : index
    %get3A_903 = tpu.vector_load %arg9[%get3A_902] {strides = array<i32>} : memref<4224xf32, #tpu.memory_space<vmem>>, vector<16xf32>,
    %add3A_904 = arith.addf %add3A_901, %get3A_903 : vector<16xf32>
    %get3A_905 = arith.constant 4112 : index
    %get3A_906 = tpu.vector_load %arg9[%get3A_905] {strides = array<i32>} : memref<4224xf32, #tpu.memory_space<vmem>>, vector<16xf32>,
    %add3A_907 = arith.addf %add3A_904, %get3A_906 : vector<16xf32>
    %add3A_908 = arith.addf %add3A_907, %get3A_702 : vector<16xf32>
    %neg3A_909 = arith.constant 0.000000e+00 : f32
    %neg3A_910 = vector.broadcast %neg3A_909 : f32 to vector<16xf32>
    %neg3A_911 = arith.subf %neg3A_910, %add3A_908 : vector<16xf32>
    %exp3A_912 = math.exp %neg3A_911 : vector<16xf32>
    %add3A_913 = arith.constant 1.000000e+00 : f32
    %add3A_914 = vector.broadcast %add3A_913 : f32 to vector<16xf32>
    %add3A_915 = arith.addf %add3A_914, %exp3A_912 : vector<16xf32>
    %div3A_916 = arith.constant 1.000000e+00 : f32
    %div3A_917 = vector.broadcast %div3A_916 : f32 to vector<16xf32>
    %div3A_918 = arith.divf %div3A_917, %add3A_915 : vector<16xf32>
    %swap3A_919 = arith.constant 16 : index
    %swap3A_920 = tpu.vector_load %arg10[%swap3A_919] {strides = array<i32>} : memref<128xf32, #tpu.memory_space<vmem>>, vector<16xf32>,
    tpu.vector_store %arg10[%swap3A_919], %div3A_918 {strides = array<i32>} : memref<128xf32, #tpu.memory_space<vmem>>, vector<16xf32>,
    %get3A_921 = arith.constant 32 : index
    %get3A_922 = tpu.vector_load %arg9[%get3A_921] {strides = array<i32>} : memref<4224xf32, #tpu.memory_space<vmem>>, vector<16xf32>,
    %get3A_923 = arith.constant 160 : index
    %get3A_924 = tpu.vector_load %arg9[%get3A_923] {strides = array<i32>} : memref<4224xf32, #tpu.memory_space<vmem>>, vector<16xf32>,
    %add3A_925 = arith.addf %get3A_922, %get3A_924 : vector<16xf32>
    %get3A_926 = arith.constant 288 : index
    %get3A_927 = tpu.vector_load %arg9[%get3A_926] {strides = array<i32>} : memref<4224xf32, #tpu.memory_space<vmem>>, vector<16xf32>,
    %add3A_928 = arith.addf %add3A_925, %get3A_927 : vector<16xf32>
    %get3A_929 = arith.constant 416 : index
    %get3A_930 = tpu.vector_load %arg9[%get3A_929] {strides = array<i32>} : memref<4224xf32, #tpu.memory_space<vmem>>, vector<16xf32>,
    %add3A_931 = arith.addf %add3A_928, %get3A_930 : vector<16xf32>
    %get3A_932 = arith.constant 544 : index
    %get3A_933 = tpu.vector_load %arg9[%get3A_932] {strides = array<i32>} : memref<4224xf32, #tpu.memory_space<vmem>>, vector<16xf32>,
    %add3A_934 = arith.addf %add3A_931, %get3A_933 : vector<16xf32>
    %get3A_935 = arith.constant 672 : index
    %get3A_936 = tpu.vector_load %arg9[%get3A_935] {strides = array<i32>} : memref<4224xf32, #tpu.memory_space<vmem>>, vector<16xf32>,
    %add3A_937 = arith.addf %add3A_934, %get3A_936 : vector<16xf32>
    %get3A_938 = arith.constant 800 : index
    %get3A_939 = tpu.vector_load %arg9[%get3A_938] {strides = array<i32>} : memref<4224xf32, #tpu.memory_space<vmem>>, vector<16xf32>,
    %add3A_940 = arith.addf %add3A_937, %get3A_939 : vector<16xf32>
    %get3A_941 = arith.constant 928 : index
    %get3A_942 = tpu.vector_load %arg9[%get3A_941] {strides = array<i32>} : memref<4224xf32, #tpu.memory_space<vmem>>, vector<16xf32>,
    %add3A_943 = arith.addf %add3A_940, %get3A_942 : vector<16xf32>
    %get3A_944 = arith.constant 1056 : index
    %get3A_945 = tpu.vector_load %arg9[%get3A_944] {strides = array<i32>} : memref<4224xf32, #tpu.memory_space<vmem>>, vector<16xf32>,
    %add3A_946 = arith.addf %add3A_943, %get3A_945 : vector<16xf32>
    %get3A_947 = arith.constant 1184 : index
    %get3A_948 = tpu.vector_load %arg9[%get3A_947] {strides = array<i32>} : memref<4224xf32, #tpu.memory_space<vmem>>, vector<16xf32>,
    %add3A_949 = arith.addf %add3A_946, %get3A_948 : vector<16xf32>
    %get3A_950 = arith.constant 1312 : index
    %get3A_951 = tpu.vector_load %arg9[%get3A_950] {strides = array<i32>} : memref<4224xf32, #tpu.memory_space<vmem>>, vector<16xf32>,
    %add3A_952 = arith.addf %add3A_949, %get3A_951 : vector<16xf32>
    %get3A_953 = arith.constant 1440 : index
    %get3A_954 = tpu.vector_load %arg9[%get3A_953] {strides = array<i32>} : memref<4224xf32, #tpu.memory_space<vmem>>, vector<16xf32>,
    %add3A_955 = arith.addf %add3A_952, %get3A_954 : vector<16xf32>
    %get3A_956 = arith.constant 1568 : index
    %get3A_957 = tpu.vector_load %arg9[%get3A_956] {strides = array<i32>} : memref<4224xf32, #tpu.memory_space<vmem>>, vector<16xf32>,
    %add3A_958 = arith.addf %add3A_955, %get3A_957 : vector<16xf32>
    %get3A_959 = arith.constant 1696 : index
    %get3A_960 = tpu.vector_load %arg9[%get3A_959] {strides = array<i32>} : memref<4224xf32, #tpu.memory_space<vmem>>, vector<16xf32>,
    %add3A_961 = arith.addf %add3A_958, %get3A_960 : vector<16xf32>
    %get3A_962 = arith.constant 1824 : index
    %get3A_963 = tpu.vector_load %arg9[%get3A_962] {strides = array<i32>} : memref<4224xf32, #tpu.memory_space<vmem>>, vector<16xf32>,
    %add3A_964 = arith.addf %add3A_961, %get3A_963 : vector<16xf32>
    %get3A_965 = arith.constant 1952 : index
    %get3A_966 = tpu.vector_load %arg9[%get3A_965] {strides = array<i32>} : memref<4224xf32, #tpu.memory_space<vmem>>, vector<16xf32>,
    %add3A_967 = arith.addf %add3A_964, %get3A_966 : vector<16xf32>
    %get3A_968 = arith.constant 2080 : index
    %get3A_969 = tpu.vector_load %arg9[%get3A_968] {strides = array<i32>} : memref<4224xf32, #tpu.memory_space<vmem>>, vector<16xf32>,
    %add3A_970 = arith.addf %add3A_967, %get3A_969 : vector<16xf32>
    %get3A_971 = arith.constant 2208 : index
    %get3A_972 = tpu.vector_load %arg9[%get3A_971] {strides = array<i32>} : memref<4224xf32, #tpu.memory_space<vmem>>, vector<16xf32>,
    %add3A_973 = arith.addf %add3A_970, %get3A_972 : vector<16xf32>
    %get3A_974 = arith.constant 2336 : index
    %get3A_975 = tpu.vector_load %arg9[%get3A_974] {strides = array<i32>} : memref<4224xf32, #tpu.memory_space<vmem>>, vector<16xf32>,
    %add3A_976 = arith.addf %add3A_973, %get3A_975 : vector<16xf32>
    %get3A_977 = arith.constant 2464 : index
    %get3A_978 = tpu.vector_load %arg9[%get3A_977] {strides = array<i32>} : memref<4224xf32, #tpu.memory_space<vmem>>, vector<16xf32>,
    %add3A_979 = arith.addf %add3A_976, %get3A_978 : vector<16xf32>
    %get3A_980 = arith.constant 2592 : index
    %get3A_981 = tpu.vector_load %arg9[%get3A_980] {strides = array<i32>} : memref<4224xf32, #tpu.memory_space<vmem>>, vector<16xf32>,
    %add3A_982 = arith.addf %add3A_979, %get3A_981 : vector<16xf32>
    %get3A_983 = arith.constant 2720 : index
    %get3A_984 = tpu.vector_load %arg9[%get3A_983] {strides = array<i32>} : memref<4224xf32, #tpu.memory_space<vmem>>, vector<16xf32>,
    %add3A_985 = arith.addf %add3A_982, %get3A_984 : vector<16xf32>
    %get3A_986 = arith.constant 2848 : index
    %get3A_987 = tpu.vector_load %arg9[%get3A_986] {strides = array<i32>} : memref<4224xf32, #tpu.memory_space<vmem>>, vector<16xf32>,
    %add3A_988 = arith.addf %add3A_985, %get3A_987 : vector<16xf32>
    %get3A_989 = arith.constant 2976 : index
    %get3A_990 = tpu.vector_load %arg9[%get3A_989] {strides = array<i32>} : memref<4224xf32, #tpu.memory_space<vmem>>, vector<16xf32>,
    %add3A_991 = arith.addf %add3A_988, %get3A_990 : vector<16xf32>
    %get3A_992 = arith.constant 3104 : index
    %get3A_993 = tpu.vector_load %arg9[%get3A_992] {strides = array<i32>} : memref<4224xf32, #tpu.memory_space<vmem>>, vector<16xf32>,
    %add3A_994 = arith.addf %add3A_991, %get3A_993 : vector<16xf32>
    %get3A_995 = arith.constant 3232 : index
    %get3A_996 = tpu.vector_load %arg9[%get3A_995] {strides = array<i32>} : memref<4224xf32, #tpu.memory_space<vmem>>, vector<16xf32>,
    %add3A_997 = arith.addf %add3A_994, %get3A_996 : vector<16xf32>
    %get3A_998 = arith.constant 3360 : index
    %get3A_999 = tpu.vector_load %arg9[%get3A_998] {strides = array<i32>} : memref<4224xf32, #tpu.memory_space<vmem>>, vector<16xf32>,
    %add3A_1000 = arith.addf %add3A_997, %get3A_999 : vector<16xf32>
    %get3A_1001 = arith.constant 3488 : index
    %get3A_1002 = tpu.vector_load %arg9[%get3A_1001] {strides = array<i32>} : memref<4224xf32, #tpu.memory_space<vmem>>, vector<16xf32>,
    %add3A_1003 = arith.addf %add3A_1000, %get3A_1002 : vector<16xf32>
    %get3A_1004 = arith.constant 3616 : index
    %get3A_1005 = tpu.vector_load %arg9[%get3A_1004] {strides = array<i32>} : memref<4224xf32, #tpu.memory_space<vmem>>, vector<16xf32>,
    %add3A_1006 = arith.addf %add3A_1003, %get3A_1005 : vector<16xf32>
    %get3A_1007 = arith.constant 3744 : index
    %get3A_1008 = tpu.vector_load %arg9[%get3A_1007] {strides = array<i32>} : memref<4224xf32, #tpu.memory_space<vmem>>, vector<16xf32>,
    %add3A_1009 = arith.addf %add3A_1006, %get3A_1008 : vector<16xf32>
    %get3A_1010 = arith.constant 3872 : index
    %get3A_1011 = tpu.vector_load %arg9[%get3A_1010] {strides = array<i32>} : memref<4224xf32, #tpu.memory_space<vmem>>, vector<16xf32>,
    %add3A_1012 = arith.addf %add3A_1009, %get3A_1011 : vector<16xf32>
    %get3A_1013 = arith.constant 4000 : index
    %get3A_1014 = tpu.vector_load %arg9[%get3A_1013] {strides = array<i32>} : memref<4224xf32, #tpu.memory_space<vmem>>, vector<16xf32>,
    %add3A_1015 = arith.addf %add3A_1012, %get3A_1014 : vector<16xf32>
    %get3A_1016 = arith.constant 4128 : index
    %get3A_1017 = tpu.vector_load %arg9[%get3A_1016] {strides = array<i32>} : memref<4224xf32, #tpu.memory_space<vmem>>, vector<16xf32>,
    %add3A_1018 = arith.addf %add3A_1015, %get3A_1017 : vector<16xf32>
    %add3A_1019 = arith.addf %add3A_1018, %get3A_702 : vector<16xf32>
    %neg3A_1020 = arith.constant 0.000000e+00 : f32
    %neg3A_1021 = vector.broadcast %neg3A_1020 : f32 to vector<16xf32>
    %neg3A_1022 = arith.subf %neg3A_1021, %add3A_1019 : vector<16xf32>
    %exp3A_1023 = math.exp %neg3A_1022 : vector<16xf32>
    %add3A_1024 = arith.constant 1.000000e+00 : f32
    %add3A_1025 = vector.broadcast %add3A_1024 : f32 to vector<16xf32>
    %add3A_1026 = arith.addf %add3A_1025, %exp3A_1023 : vector<16xf32>
    %div3A_1027 = arith.constant 1.000000e+00 : f32
    %div3A_1028 = vector.broadcast %div3A_1027 : f32 to vector<16xf32>
    %div3A_1029 = arith.divf %div3A_1028, %add3A_1026 : vector<16xf32>
    %swap3A_1030 = arith.constant 32 : index
    %swap3A_1031 = tpu.vector_load %arg10[%swap3A_1030] {strides = array<i32>} : memref<128xf32, #tpu.memory_space<vmem>>, vector<16xf32>,
    tpu.vector_store %arg10[%swap3A_1030], %div3A_1029 {strides = array<i32>} : memref<128xf32, #tpu.memory_space<vmem>>, vector<16xf32>,
    %get3A_1032 = arith.constant 48 : index
    %get3A_1033 = tpu.vector_load %arg9[%get3A_1032] {strides = array<i32>} : memref<4224xf32, #tpu.memory_space<vmem>>, vector<16xf32>,
    %get3A_1034 = arith.constant 176 : index
    %get3A_1035 = tpu.vector_load %arg9[%get3A_1034] {strides = array<i32>} : memref<4224xf32, #tpu.memory_space<vmem>>, vector<16xf32>,
    %add3A_1036 = arith.addf %get3A_1033, %get3A_1035 : vector<16xf32>
    %get3A_1037 = arith.constant 304 : index
    %get3A_1038 = tpu.vector_load %arg9[%get3A_1037] {strides = array<i32>} : memref<4224xf32, #tpu.memory_space<vmem>>, vector<16xf32>,
    %add3A_1039 = arith.addf %add3A_1036, %get3A_1038 : vector<16xf32>
    %get3A_1040 = arith.constant 432 : index
    %get3A_1041 = tpu.vector_load %arg9[%get3A_1040] {strides = array<i32>} : memref<4224xf32, #tpu.memory_space<vmem>>, vector<16xf32>,
    %add3A_1042 = arith.addf %add3A_1039, %get3A_1041 : vector<16xf32>
    %get3A_1043 = arith.constant 560 : index
    %get3A_1044 = tpu.vector_load %arg9[%get3A_1043] {strides = array<i32>} : memref<4224xf32, #tpu.memory_space<vmem>>, vector<16xf32>,
    %add3A_1045 = arith.addf %add3A_1042, %get3A_1044 : vector<16xf32>
    %get3A_1046 = arith.constant 688 : index
    %get3A_1047 = tpu.vector_load %arg9[%get3A_1046] {strides = array<i32>} : memref<4224xf32, #tpu.memory_space<vmem>>, vector<16xf32>,
    %add3A_1048 = arith.addf %add3A_1045, %get3A_1047 : vector<16xf32>
    %get3A_1049 = arith.constant 816 : index
    %get3A_1050 = tpu.vector_load %arg9[%get3A_1049] {strides = array<i32>} : memref<4224xf32, #tpu.memory_space<vmem>>, vector<16xf32>,
    %add3A_1051 = arith.addf %add3A_1048, %get3A_1050 : vector<16xf32>
    %get3A_1052 = arith.constant 944 : index
    %get3A_1053 = tpu.vector_load %arg9[%get3A_1052] {strides = array<i32>} : memref<4224xf32, #tpu.memory_space<vmem>>, vector<16xf32>,
    %add3A_1054 = arith.addf %add3A_1051, %get3A_1053 : vector<16xf32>
    %get3A_1055 = arith.constant 1072 : index
    %get3A_1056 = tpu.vector_load %arg9[%get3A_1055] {strides = array<i32>} : memref<4224xf32, #tpu.memory_space<vmem>>, vector<16xf32>,
    %add3A_1057 = arith.addf %add3A_1054, %get3A_1056 : vector<16xf32>
    %get3A_1058 = arith.constant 1200 : index
    %get3A_1059 = tpu.vector_load %arg9[%get3A_1058] {strides = array<i32>} : memref<4224xf32, #tpu.memory_space<vmem>>, vector<16xf32>,
    %add3A_1060 = arith.addf %add3A_1057, %get3A_1059 : vector<16xf32>
    %get3A_1061 = arith.constant 1328 : index
    %get3A_1062 = tpu.vector_load %arg9[%get3A_1061] {strides = array<i32>} : memref<4224xf32, #tpu.memory_space<vmem>>, vector<16xf32>,
    %add3A_1063 = arith.addf %add3A_1060, %get3A_1062 : vector<16xf32>
    %get3A_1064 = arith.constant 1456 : index
    %get3A_1065 = tpu.vector_load %arg9[%get3A_1064] {strides = array<i32>} : memref<4224xf32, #tpu.memory_space<vmem>>, vector<16xf32>,
    %add3A_1066 = arith.addf %add3A_1063, %get3A_1065 : vector<16xf32>
    %get3A_1067 = arith.constant 1584 : index
    %get3A_1068 = tpu.vector_load %arg9[%get3A_1067] {strides = array<i32>} : memref<4224xf32, #tpu.memory_space<vmem>>, vector<16xf32>,
    %add3A_1069 = arith.addf %add3A_1066, %get3A_1068 : vector<16xf32>
    %get3A_1070 = arith.constant 1712 : index
    %get3A_1071 = tpu.vector_load %arg9[%get3A_1070] {strides = array<i32>} : memref<4224xf32, #tpu.memory_space<vmem>>, vector<16xf32>,
    %add3A_1072 = arith.addf %add3A_1069, %get3A_1071 : vector<16xf32>
    %get3A_1073 = arith.constant 1840 : index
    %get3A_1074 = tpu.vector_load %arg9[%get3A_1073] {strides = array<i32>} : memref<4224xf32, #tpu.memory_space<vmem>>, vector<16xf32>,
    %add3A_1075 = arith.addf %add3A_1072, %get3A_1074 : vector<16xf32>
    %get3A_1076 = arith.constant 1968 : index
    %get3A_1077 = tpu.vector_load %arg9[%get3A_1076] {strides = array<i32>} : memref<4224xf32, #tpu.memory_space<vmem>>, vector<16xf32>,
    %add3A_1078 = arith.addf %add3A_1075, %get3A_1077 : vector<16xf32>
    %get3A_1079 = arith.constant 2096 : index
    %get3A_1080 = tpu.vector_load %arg9[%get3A_1079] {strides = array<i32>} : memref<4224xf32, #tpu.memory_space<vmem>>, vector<16xf32>,
    %add3A_1081 = arith.addf %add3A_1078, %get3A_1080 : vector<16xf32>
    %get3A_1082 = arith.constant 2224 : index
    %get3A_1083 = tpu.vector_load %arg9[%get3A_1082] {strides = array<i32>} : memref<4224xf32, #tpu.memory_space<vmem>>, vector<16xf32>,
    %add3A_1084 = arith.addf %add3A_1081, %get3A_1083 : vector<16xf32>
    %get3A_1085 = arith.constant 2352 : index
    %get3A_1086 = tpu.vector_load %arg9[%get3A_1085] {strides = array<i32>} : memref<4224xf32, #tpu.memory_space<vmem>>, vector<16xf32>,
    %add3A_1087 = arith.addf %add3A_1084, %get3A_1086 : vector<16xf32>
    %get3A_1088 = arith.constant 2480 : index
    %get3A_1089 = tpu.vector_load %arg9[%get3A_1088] {strides = array<i32>} : memref<4224xf32, #tpu.memory_space<vmem>>, vector<16xf32>,
    %add3A_1090 = arith.addf %add3A_1087, %get3A_1089 : vector<16xf32>
    %get3A_1091 = arith.constant 2608 : index
    %get3A_1092 = tpu.vector_load %arg9[%get3A_1091] {strides = array<i32>} : memref<4224xf32, #tpu.memory_space<vmem>>, vector<16xf32>,
    %add3A_1093 = arith.addf %add3A_1090, %get3A_1092 : vector<16xf32>
    %get3A_1094 = arith.constant 2736 : index
    %get3A_1095 = tpu.vector_load %arg9[%get3A_1094] {strides = array<i32>} : memref<4224xf32, #tpu.memory_space<vmem>>, vector<16xf32>,
    %add3A_1096 = arith.addf %add3A_1093, %get3A_1095 : vector<16xf32>
    %get3A_1097 = arith.constant 2864 : index
    %get3A_1098 = tpu.vector_load %arg9[%get3A_1097] {strides = array<i32>} : memref<4224xf32, #tpu.memory_space<vmem>>, vector<16xf32>,
    %add3A_1099 = arith.addf %add3A_1096, %get3A_1098 : vector<16xf32>
    %get3A_1100 = arith.constant 2992 : index
    %get3A_1101 = tpu.vector_load %arg9[%get3A_1100] {strides = array<i32>} : memref<4224xf32, #tpu.memory_space<vmem>>, vector<16xf32>,
    %add3A_1102 = arith.addf %add3A_1099, %get3A_1101 : vector<16xf32>
    %get3A_1103 = arith.constant 3120 : index
    %get3A_1104 = tpu.vector_load %arg9[%get3A_1103] {strides = array<i32>} : memref<4224xf32, #tpu.memory_space<vmem>>, vector<16xf32>,
    %add3A_1105 = arith.addf %add3A_1102, %get3A_1104 : vector<16xf32>
    %get3A_1106 = arith.constant 3248 : index
    %get3A_1107 = tpu.vector_load %arg9[%get3A_1106] {strides = array<i32>} : memref<4224xf32, #tpu.memory_space<vmem>>, vector<16xf32>,
    %add3A_1108 = arith.addf %add3A_1105, %get3A_1107 : vector<16xf32>
    %get3A_1109 = arith.constant 3376 : index
    %get3A_1110 = tpu.vector_load %arg9[%get3A_1109] {strides = array<i32>} : memref<4224xf32, #tpu.memory_space<vmem>>, vector<16xf32>,
    %add3A_1111 = arith.addf %add3A_1108, %get3A_1110 : vector<16xf32>
    %get3A_1112 = arith.constant 3504 : index
    %get3A_1113 = tpu.vector_load %arg9[%get3A_1112] {strides = array<i32>} : memref<4224xf32, #tpu.memory_space<vmem>>, vector<16xf32>,
    %add3A_1114 = arith.addf %add3A_1111, %get3A_1113 : vector<16xf32>
    %get3A_1115 = arith.constant 3632 : index
    %get3A_1116 = tpu.vector_load %arg9[%get3A_1115] {strides = array<i32>} : memref<4224xf32, #tpu.memory_space<vmem>>, vector<16xf32>,
    %add3A_1117 = arith.addf %add3A_1114, %get3A_1116 : vector<16xf32>
    %get3A_1118 = arith.constant 3760 : index
    %get3A_1119 = tpu.vector_load %arg9[%get3A_1118] {strides = array<i32>} : memref<4224xf32, #tpu.memory_space<vmem>>, vector<16xf32>,
    %add3A_1120 = arith.addf %add3A_1117, %get3A_1119 : vector<16xf32>
    %get3A_1121 = arith.constant 3888 : index
    %get3A_1122 = tpu.vector_load %arg9[%get3A_1121] {strides = array<i32>} : memref<4224xf32, #tpu.memory_space<vmem>>, vector<16xf32>,
    %add3A_1123 = arith.addf %add3A_1120, %get3A_1122 : vector<16xf32>
    %get3A_1124 = arith.constant 4016 : index
    %get3A_1125 = tpu.vector_load %arg9[%get3A_1124] {strides = array<i32>} : memref<4224xf32, #tpu.memory_space<vmem>>, vector<16xf32>,
    %add3A_1126 = arith.addf %add3A_1123, %get3A_1125 : vector<16xf32>
    %get3A_1127 = arith.constant 4144 : index
    %get3A_1128 = tpu.vector_load %arg9[%get3A_1127] {strides = array<i32>} : memref<4224xf32, #tpu.memory_space<vmem>>, vector<16xf32>,
    %add3A_1129 = arith.addf %add3A_1126, %get3A_1128 : vector<16xf32>
    %add3A_1130 = arith.addf %add3A_1129, %get3A_702 : vector<16xf32>
    %neg3A_1131 = arith.constant 0.000000e+00 : f32
    %neg3A_1132 = vector.broadcast %neg3A_1131 : f32 to vector<16xf32>
    %neg3A_1133 = arith.subf %neg3A_1132, %add3A_1130 : vector<16xf32>
    %exp3A_1134 = math.exp %neg3A_1133 : vector<16xf32>
    %add3A_1135 = arith.constant 1.000000e+00 : f32
    %add3A_1136 = vector.broadcast %add3A_1135 : f32 to vector<16xf32>
    %add3A_1137 = arith.addf %add3A_1136, %exp3A_1134 : vector<16xf32>
    %div3A_1138 = arith.constant 1.000000e+00 : f32
    %div3A_1139 = vector.broadcast %div3A_1138 : f32 to vector<16xf32>
    %div3A_1140 = arith.divf %div3A_1139, %add3A_1137 : vector<16xf32>
    %swap3A_1141 = arith.constant 48 : index
    %swap3A_1142 = tpu.vector_load %arg10[%swap3A_1141] {strides = array<i32>} : memref<128xf32, #tpu.memory_space<vmem>>, vector<16xf32>,
    tpu.vector_store %arg10[%swap3A_1141], %div3A_1140 {strides = array<i32>} : memref<128xf32, #tpu.memory_space<vmem>>, vector<16xf32>,
    %get3A_1143 = arith.constant 64 : index
    %get3A_1144 = tpu.vector_load %arg9[%get3A_1143] {strides = array<i32>} : memref<4224xf32, #tpu.memory_space<vmem>>, vector<16xf32>,
    %get3A_1145 = arith.constant 192 : index
    %get3A_1146 = tpu.vector_load %arg9[%get3A_1145] {strides = array<i32>} : memref<4224xf32, #tpu.memory_space<vmem>>, vector<16xf32>,
    %add3A_1147 = arith.addf %get3A_1144, %get3A_1146 : vector<16xf32>
    %get3A_1148 = arith.constant 320 : index
    %get3A_1149 = tpu.vector_load %arg9[%get3A_1148] {strides = array<i32>} : memref<4224xf32, #tpu.memory_space<vmem>>, vector<16xf32>,
    %add3A_1150 = arith.addf %add3A_1147, %get3A_1149 : vector<16xf32>
    %get3A_1151 = arith.constant 448 : index
    %get3A_1152 = tpu.vector_load %arg9[%get3A_1151] {strides = array<i32>} : memref<4224xf32, #tpu.memory_space<vmem>>, vector<16xf32>,
    %add3A_1153 = arith.addf %add3A_1150, %get3A_1152 : vector<16xf32>
    %get3A_1154 = arith.constant 576 : index
    %get3A_1155 = tpu.vector_load %arg9[%get3A_1154] {strides = array<i32>} : memref<4224xf32, #tpu.memory_space<vmem>>, vector<16xf32>,
    %add3A_1156 = arith.addf %add3A_1153, %get3A_1155 : vector<16xf32>
    %get3A_1157 = arith.constant 704 : index
    %get3A_1158 = tpu.vector_load %arg9[%get3A_1157] {strides = array<i32>} : memref<4224xf32, #tpu.memory_space<vmem>>, vector<16xf32>,
    %add3A_1159 = arith.addf %add3A_1156, %get3A_1158 : vector<16xf32>
    %get3A_1160 = arith.constant 832 : index
    %get3A_1161 = tpu.vector_load %arg9[%get3A_1160] {strides = array<i32>} : memref<4224xf32, #tpu.memory_space<vmem>>, vector<16xf32>,
    %add3A_1162 = arith.addf %add3A_1159, %get3A_1161 : vector<16xf32>
    %get3A_1163 = arith.constant 960 : index
    %get3A_1164 = tpu.vector_load %arg9[%get3A_1163] {strides = array<i32>} : memref<4224xf32, #tpu.memory_space<vmem>>, vector<16xf32>,
    %add3A_1165 = arith.addf %add3A_1162, %get3A_1164 : vector<16xf32>
    %get3A_1166 = arith.constant 1088 : index
    %get3A_1167 = tpu.vector_load %arg9[%get3A_1166] {strides = array<i32>} : memref<4224xf32, #tpu.memory_space<vmem>>, vector<16xf32>,
    %add3A_1168 = arith.addf %add3A_1165, %get3A_1167 : vector<16xf32>
    %get3A_1169 = arith.constant 1216 : index
    %get3A_1170 = tpu.vector_load %arg9[%get3A_1169] {strides = array<i32>} : memref<4224xf32, #tpu.memory_space<vmem>>, vector<16xf32>,
    %add3A_1171 = arith.addf %add3A_1168, %get3A_1170 : vector<16xf32>
    %get3A_1172 = arith.constant 1344 : index
    %get3A_1173 = tpu.vector_load %arg9[%get3A_1172] {strides = array<i32>} : memref<4224xf32, #tpu.memory_space<vmem>>, vector<16xf32>,
    %add3A_1174 = arith.addf %add3A_1171, %get3A_1173 : vector<16xf32>
    %get3A_1175 = arith.constant 1472 : index
    %get3A_1176 = tpu.vector_load %arg9[%get3A_1175] {strides = array<i32>} : memref<4224xf32, #tpu.memory_space<vmem>>, vector<16xf32>,
    %add3A_1177 = arith.addf %add3A_1174, %get3A_1176 : vector<16xf32>
    %get3A_1178 = arith.constant 1600 : index
    %get3A_1179 = tpu.vector_load %arg9[%get3A_1178] {strides = array<i32>} : memref<4224xf32, #tpu.memory_space<vmem>>, vector<16xf32>,
    %add3A_1180 = arith.addf %add3A_1177, %get3A_1179 : vector<16xf32>
    %get3A_1181 = arith.constant 1728 : index
    %get3A_1182 = tpu.vector_load %arg9[%get3A_1181] {strides = array<i32>} : memref<4224xf32, #tpu.memory_space<vmem>>, vector<16xf32>,
    %add3A_1183 = arith.addf %add3A_1180, %get3A_1182 : vector<16xf32>
    %get3A_1184 = arith.constant 1856 : index
    %get3A_1185 = tpu.vector_load %arg9[%get3A_1184] {strides = array<i32>} : memref<4224xf32, #tpu.memory_space<vmem>>, vector<16xf32>,
    %add3A_1186 = arith.addf %add3A_1183, %get3A_1185 : vector<16xf32>
    %get3A_1187 = arith.constant 1984 : index
    %get3A_1188 = tpu.vector_load %arg9[%get3A_1187] {strides = array<i32>} : memref<4224xf32, #tpu.memory_space<vmem>>, vector<16xf32>,
    %add3A_1189 = arith.addf %add3A_1186, %get3A_1188 : vector<16xf32>
    %get3A_1190 = arith.constant 2112 : index
    %get3A_1191 = tpu.vector_load %arg9[%get3A_1190] {strides = array<i32>} : memref<4224xf32, #tpu.memory_space<vmem>>, vector<16xf32>,
    %add3A_1192 = arith.addf %add3A_1189, %get3A_1191 : vector<16xf32>
    %get3A_1193 = arith.constant 2240 : index
    %get3A_1194 = tpu.vector_load %arg9[%get3A_1193] {strides = array<i32>} : memref<4224xf32, #tpu.memory_space<vmem>>, vector<16xf32>,
    %add3A_1195 = arith.addf %add3A_1192, %get3A_1194 : vector<16xf32>
    %get3A_1196 = arith.constant 2368 : index
    %get3A_1197 = tpu.vector_load %arg9[%get3A_1196] {strides = array<i32>} : memref<4224xf32, #tpu.memory_space<vmem>>, vector<16xf32>,
    %add3A_1198 = arith.addf %add3A_1195, %get3A_1197 : vector<16xf32>
    %get3A_1199 = arith.constant 2496 : index
    %get3A_1200 = tpu.vector_load %arg9[%get3A_1199] {strides = array<i32>} : memref<4224xf32, #tpu.memory_space<vmem>>, vector<16xf32>,
    %add3A_1201 = arith.addf %add3A_1198, %get3A_1200 : vector<16xf32>
    %get3A_1202 = arith.constant 2624 : index
    %get3A_1203 = tpu.vector_load %arg9[%get3A_1202] {strides = array<i32>} : memref<4224xf32, #tpu.memory_space<vmem>>, vector<16xf32>,
    %add3A_1204 = arith.addf %add3A_1201, %get3A_1203 : vector<16xf32>
    %get3A_1205 = arith.constant 2752 : index
    %get3A_1206 = tpu.vector_load %arg9[%get3A_1205] {strides = array<i32>} : memref<4224xf32, #tpu.memory_space<vmem>>, vector<16xf32>,
    %add3A_1207 = arith.addf %add3A_1204, %get3A_1206 : vector<16xf32>
    %get3A_1208 = arith.constant 2880 : index
    %get3A_1209 = tpu.vector_load %arg9[%get3A_1208] {strides = array<i32>} : memref<4224xf32, #tpu.memory_space<vmem>>, vector<16xf32>,
    %add3A_1210 = arith.addf %add3A_1207, %get3A_1209 : vector<16xf32>
    %get3A_1211 = arith.constant 3008 : index
    %get3A_1212 = tpu.vector_load %arg9[%get3A_1211] {strides = array<i32>} : memref<4224xf32, #tpu.memory_space<vmem>>, vector<16xf32>,
    %add3A_1213 = arith.addf %add3A_1210, %get3A_1212 : vector<16xf32>
    %get3A_1214 = arith.constant 3136 : index
    %get3A_1215 = tpu.vector_load %arg9[%get3A_1214] {strides = array<i32>} : memref<4224xf32, #tpu.memory_space<vmem>>, vector<16xf32>,
    %add3A_1216 = arith.addf %add3A_1213, %get3A_1215 : vector<16xf32>
    %get3A_1217 = arith.constant 3264 : index
    %get3A_1218 = tpu.vector_load %arg9[%get3A_1217] {strides = array<i32>} : memref<4224xf32, #tpu.memory_space<vmem>>, vector<16xf32>,
    %add3A_1219 = arith.addf %add3A_1216, %get3A_1218 : vector<16xf32>
    %get3A_1220 = arith.constant 3392 : index
    %get3A_1221 = tpu.vector_load %arg9[%get3A_1220] {strides = array<i32>} : memref<4224xf32, #tpu.memory_space<vmem>>, vector<16xf32>,
    %add3A_1222 = arith.addf %add3A_1219, %get3A_1221 : vector<16xf32>
    %get3A_1223 = arith.constant 3520 : index
    %get3A_1224 = tpu.vector_load %arg9[%get3A_1223] {strides = array<i32>} : memref<4224xf32, #tpu.memory_space<vmem>>, vector<16xf32>,
    %add3A_1225 = arith.addf %add3A_1222, %get3A_1224 : vector<16xf32>
    %get3A_1226 = arith.constant 3648 : index
    %get3A_1227 = tpu.vector_load %arg9[%get3A_1226] {strides = array<i32>} : memref<4224xf32, #tpu.memory_space<vmem>>, vector<16xf32>,
    %add3A_1228 = arith.addf %add3A_1225, %get3A_1227 : vector<16xf32>
    %get3A_1229 = arith.constant 3776 : index
    %get3A_1230 = tpu.vector_load %arg9[%get3A_1229] {strides = array<i32>} : memref<4224xf32, #tpu.memory_space<vmem>>, vector<16xf32>,
    %add3A_1231 = arith.addf %add3A_1228, %get3A_1230 : vector<16xf32>
    %get3A_1232 = arith.constant 3904 : index
    %get3A_1233 = tpu.vector_load %arg9[%get3A_1232] {strides = array<i32>} : memref<4224xf32, #tpu.memory_space<vmem>>, vector<16xf32>,
    %add3A_1234 = arith.addf %add3A_1231, %get3A_1233 : vector<16xf32>
    %get3A_1235 = arith.constant 4032 : index
    %get3A_1236 = tpu.vector_load %arg9[%get3A_1235] {strides = array<i32>} : memref<4224xf32, #tpu.memory_space<vmem>>, vector<16xf32>,
    %add3A_1237 = arith.addf %add3A_1234, %get3A_1236 : vector<16xf32>
    %get3A_1238 = arith.constant 4160 : index
    %get3A_1239 = tpu.vector_load %arg9[%get3A_1238] {strides = array<i32>} : memref<4224xf32, #tpu.memory_space<vmem>>, vector<16xf32>,
    %add3A_1240 = arith.addf %add3A_1237, %get3A_1239 : vector<16xf32>
    %add3A_1241 = arith.addf %add3A_1240, %get3A_702 : vector<16xf32>
    %neg3A_1242 = arith.constant 0.000000e+00 : f32
    %neg3A_1243 = vector.broadcast %neg3A_1242 : f32 to vector<16xf32>
    %neg3A_1244 = arith.subf %neg3A_1243, %add3A_1241 : vector<16xf32>
    %exp3A_1245 = math.exp %neg3A_1244 : vector<16xf32>
    %add3A_1246 = arith.constant 1.000000e+00 : f32
    %add3A_1247 = vector.broadcast %add3A_1246 : f32 to vector<16xf32>
    %add3A_1248 = arith.addf %add3A_1247, %exp3A_1245 : vector<16xf32>
    %div3A_1249 = arith.constant 1.000000e+00 : f32
    %div3A_1250 = vector.broadcast %div3A_1249 : f32 to vector<16xf32>
    %div3A_1251 = arith.divf %div3A_1250, %add3A_1248 : vector<16xf32>
    %swap3A_1252 = arith.constant 64 : index
    %swap3A_1253 = tpu.vector_load %arg10[%swap3A_1252] {strides = array<i32>} : memref<128xf32, #tpu.memory_space<vmem>>, vector<16xf32>,
    tpu.vector_store %arg10[%swap3A_1252], %div3A_1251 {strides = array<i32>} : memref<128xf32, #tpu.memory_space<vmem>>, vector<16xf32>,
    %get3A_1254 = arith.constant 80 : index
    %get3A_1255 = tpu.vector_load %arg9[%get3A_1254] {strides = array<i32>} : memref<4224xf32, #tpu.memory_space<vmem>>, vector<16xf32>,
    %get3A_1256 = arith.constant 208 : index
    %get3A_1257 = tpu.vector_load %arg9[%get3A_1256] {strides = array<i32>} : memref<4224xf32, #tpu.memory_space<vmem>>, vector<16xf32>,
    %add3A_1258 = arith.addf %get3A_1255, %get3A_1257 : vector<16xf32>
    %get3A_1259 = arith.constant 336 : index
    %get3A_1260 = tpu.vector_load %arg9[%get3A_1259] {strides = array<i32>} : memref<4224xf32, #tpu.memory_space<vmem>>, vector<16xf32>,
    %add3A_1261 = arith.addf %add3A_1258, %get3A_1260 : vector<16xf32>
    %get3A_1262 = arith.constant 464 : index
    %get3A_1263 = tpu.vector_load %arg9[%get3A_1262] {strides = array<i32>} : memref<4224xf32, #tpu.memory_space<vmem>>, vector<16xf32>,
    %add3A_1264 = arith.addf %add3A_1261, %get3A_1263 : vector<16xf32>
    %get3A_1265 = arith.constant 592 : index
    %get3A_1266 = tpu.vector_load %arg9[%get3A_1265] {strides = array<i32>} : memref<4224xf32, #tpu.memory_space<vmem>>, vector<16xf32>,
    %add3A_1267 = arith.addf %add3A_1264, %get3A_1266 : vector<16xf32>
    %get3A_1268 = arith.constant 720 : index
    %get3A_1269 = tpu.vector_load %arg9[%get3A_1268] {strides = array<i32>} : memref<4224xf32, #tpu.memory_space<vmem>>, vector<16xf32>,
    %add3A_1270 = arith.addf %add3A_1267, %get3A_1269 : vector<16xf32>
    %get3A_1271 = arith.constant 848 : index
    %get3A_1272 = tpu.vector_load %arg9[%get3A_1271] {strides = array<i32>} : memref<4224xf32, #tpu.memory_space<vmem>>, vector<16xf32>,
    %add3A_1273 = arith.addf %add3A_1270, %get3A_1272 : vector<16xf32>
    %get3A_1274 = arith.constant 976 : index
    %get3A_1275 = tpu.vector_load %arg9[%get3A_1274] {strides = array<i32>} : memref<4224xf32, #tpu.memory_space<vmem>>, vector<16xf32>,
    %add3A_1276 = arith.addf %add3A_1273, %get3A_1275 : vector<16xf32>
    %get3A_1277 = arith.constant 1104 : index
    %get3A_1278 = tpu.vector_load %arg9[%get3A_1277] {strides = array<i32>} : memref<4224xf32, #tpu.memory_space<vmem>>, vector<16xf32>,
    %add3A_1279 = arith.addf %add3A_1276, %get3A_1278 : vector<16xf32>
    %get3A_1280 = arith.constant 1232 : index
    %get3A_1281 = tpu.vector_load %arg9[%get3A_1280] {strides = array<i32>} : memref<4224xf32, #tpu.memory_space<vmem>>, vector<16xf32>,
    %add3A_1282 = arith.addf %add3A_1279, %get3A_1281 : vector<16xf32>
    %get3A_1283 = arith.constant 1360 : index
    %get3A_1284 = tpu.vector_load %arg9[%get3A_1283] {strides = array<i32>} : memref<4224xf32, #tpu.memory_space<vmem>>, vector<16xf32>,
    %add3A_1285 = arith.addf %add3A_1282, %get3A_1284 : vector<16xf32>
    %get3A_1286 = arith.constant 1488 : index
    %get3A_1287 = tpu.vector_load %arg9[%get3A_1286] {strides = array<i32>} : memref<4224xf32, #tpu.memory_space<vmem>>, vector<16xf32>,
    %add3A_1288 = arith.addf %add3A_1285, %get3A_1287 : vector<16xf32>
    %get3A_1289 = arith.constant 1616 : index
    %get3A_1290 = tpu.vector_load %arg9[%get3A_1289] {strides = array<i32>} : memref<4224xf32, #tpu.memory_space<vmem>>, vector<16xf32>,
    %add3A_1291 = arith.addf %add3A_1288, %get3A_1290 : vector<16xf32>
    %get3A_1292 = arith.constant 1744 : index
    %get3A_1293 = tpu.vector_load %arg9[%get3A_1292] {strides = array<i32>} : memref<4224xf32, #tpu.memory_space<vmem>>, vector<16xf32>,
    %add3A_1294 = arith.addf %add3A_1291, %get3A_1293 : vector<16xf32>
    %get3A_1295 = arith.constant 1872 : index
    %get3A_1296 = tpu.vector_load %arg9[%get3A_1295] {strides = array<i32>} : memref<4224xf32, #tpu.memory_space<vmem>>, vector<16xf32>,
    %add3A_1297 = arith.addf %add3A_1294, %get3A_1296 : vector<16xf32>
    %get3A_1298 = arith.constant 2000 : index
    %get3A_1299 = tpu.vector_load %arg9[%get3A_1298] {strides = array<i32>} : memref<4224xf32, #tpu.memory_space<vmem>>, vector<16xf32>,
    %add3A_1300 = arith.addf %add3A_1297, %get3A_1299 : vector<16xf32>
    %get3A_1301 = arith.constant 2128 : index
    %get3A_1302 = tpu.vector_load %arg9[%get3A_1301] {strides = array<i32>} : memref<4224xf32, #tpu.memory_space<vmem>>, vector<16xf32>,
    %add3A_1303 = arith.addf %add3A_1300, %get3A_1302 : vector<16xf32>
    %get3A_1304 = arith.constant 2256 : index
    %get3A_1305 = tpu.vector_load %arg9[%get3A_1304] {strides = array<i32>} : memref<4224xf32, #tpu.memory_space<vmem>>, vector<16xf32>,
    %add3A_1306 = arith.addf %add3A_1303, %get3A_1305 : vector<16xf32>
    %get3A_1307 = arith.constant 2384 : index
    %get3A_1308 = tpu.vector_load %arg9[%get3A_1307] {strides = array<i32>} : memref<4224xf32, #tpu.memory_space<vmem>>, vector<16xf32>,
    %add3A_1309 = arith.addf %add3A_1306, %get3A_1308 : vector<16xf32>
    %get3A_1310 = arith.constant 2512 : index
    %get3A_1311 = tpu.vector_load %arg9[%get3A_1310] {strides = array<i32>} : memref<4224xf32, #tpu.memory_space<vmem>>, vector<16xf32>,
    %add3A_1312 = arith.addf %add3A_1309, %get3A_1311 : vector<16xf32>
    %get3A_1313 = arith.constant 2640 : index
    %get3A_1314 = tpu.vector_load %arg9[%get3A_1313] {strides = array<i32>} : memref<4224xf32, #tpu.memory_space<vmem>>, vector<16xf32>,
    %add3A_1315 = arith.addf %add3A_1312, %get3A_1314 : vector<16xf32>
    %get3A_1316 = arith.constant 2768 : index
    %get3A_1317 = tpu.vector_load %arg9[%get3A_1316] {strides = array<i32>} : memref<4224xf32, #tpu.memory_space<vmem>>, vector<16xf32>,
    %add3A_1318 = arith.addf %add3A_1315, %get3A_1317 : vector<16xf32>
    %get3A_1319 = arith.constant 2896 : index
    %get3A_1320 = tpu.vector_load %arg9[%get3A_1319] {strides = array<i32>} : memref<4224xf32, #tpu.memory_space<vmem>>, vector<16xf32>,
    %add3A_1321 = arith.addf %add3A_1318, %get3A_1320 : vector<16xf32>
    %get3A_1322 = arith.constant 3024 : index
    %get3A_1323 = tpu.vector_load %arg9[%get3A_1322] {strides = array<i32>} : memref<4224xf32, #tpu.memory_space<vmem>>, vector<16xf32>,
    %add3A_1324 = arith.addf %add3A_1321, %get3A_1323 : vector<16xf32>
    %get3A_1325 = arith.constant 3152 : index
    %get3A_1326 = tpu.vector_load %arg9[%get3A_1325] {strides = array<i32>} : memref<4224xf32, #tpu.memory_space<vmem>>, vector<16xf32>,
    %add3A_1327 = arith.addf %add3A_1324, %get3A_1326 : vector<16xf32>
    %get3A_1328 = arith.constant 3280 : index
    %get3A_1329 = tpu.vector_load %arg9[%get3A_1328] {strides = array<i32>} : memref<4224xf32, #tpu.memory_space<vmem>>, vector<16xf32>,
    %add3A_1330 = arith.addf %add3A_1327, %get3A_1329 : vector<16xf32>
    %get3A_1331 = arith.constant 3408 : index
    %get3A_1332 = tpu.vector_load %arg9[%get3A_1331] {strides = array<i32>} : memref<4224xf32, #tpu.memory_space<vmem>>, vector<16xf32>,
    %add3A_1333 = arith.addf %add3A_1330, %get3A_1332 : vector<16xf32>
    %get3A_1334 = arith.constant 3536 : index
    %get3A_1335 = tpu.vector_load %arg9[%get3A_1334] {strides = array<i32>} : memref<4224xf32, #tpu.memory_space<vmem>>, vector<16xf32>,
    %add3A_1336 = arith.addf %add3A_1333, %get3A_1335 : vector<16xf32>
    %get3A_1337 = arith.constant 3664 : index
    %get3A_1338 = tpu.vector_load %arg9[%get3A_1337] {strides = array<i32>} : memref<4224xf32, #tpu.memory_space<vmem>>, vector<16xf32>,
    %add3A_1339 = arith.addf %add3A_1336, %get3A_1338 : vector<16xf32>
    %get3A_1340 = arith.constant 3792 : index
    %get3A_1341 = tpu.vector_load %arg9[%get3A_1340] {strides = array<i32>} : memref<4224xf32, #tpu.memory_space<vmem>>, vector<16xf32>,
    %add3A_1342 = arith.addf %add3A_1339, %get3A_1341 : vector<16xf32>
    %get3A_1343 = arith.constant 3920 : index
    %get3A_1344 = tpu.vector_load %arg9[%get3A_1343] {strides = array<i32>} : memref<4224xf32, #tpu.memory_space<vmem>>, vector<16xf32>,
    %add3A_1345 = arith.addf %add3A_1342, %get3A_1344 : vector<16xf32>
    %get3A_1346 = arith.constant 4048 : index
    %get3A_1347 = tpu.vector_load %arg9[%get3A_1346] {strides = array<i32>} : memref<4224xf32, #tpu.memory_space<vmem>>, vector<16xf32>,
    %add3A_1348 = arith.addf %add3A_1345, %get3A_1347 : vector<16xf32>
    %get3A_1349 = arith.constant 4176 : index
    %get3A_1350 = tpu.vector_load %arg9[%get3A_1349] {strides = array<i32>} : memref<4224xf32, #tpu.memory_space<vmem>>, vector<16xf32>,
    %add3A_1351 = arith.addf %add3A_1348, %get3A_1350 : vector<16xf32>
    %add3A_1352 = arith.addf %add3A_1351, %get3A_702 : vector<16xf32>
    %neg3A_1353 = arith.constant 0.000000e+00 : f32
    %neg3A_1354 = vector.broadcast %neg3A_1353 : f32 to vector<16xf32>
    %neg3A_1355 = arith.subf %neg3A_1354, %add3A_1352 : vector<16xf32>
    %exp3A_1356 = math.exp %neg3A_1355 : vector<16xf32>
    %add3A_1357 = arith.constant 1.000000e+00 : f32
    %add3A_1358 = vector.broadcast %add3A_1357 : f32 to vector<16xf32>
    %add3A_1359 = arith.addf %add3A_1358, %exp3A_1356 : vector<16xf32>
    %div3A_1360 = arith.constant 1.000000e+00 : f32
    %div3A_1361 = vector.broadcast %div3A_1360 : f32 to vector<16xf32>
    %div3A_1362 = arith.divf %div3A_1361, %add3A_1359 : vector<16xf32>
    %swap3A_1363 = arith.constant 80 : index
    %swap3A_1364 = tpu.vector_load %arg10[%swap3A_1363] {strides = array<i32>} : memref<128xf32, #tpu.memory_space<vmem>>, vector<16xf32>,
    tpu.vector_store %arg10[%swap3A_1363], %div3A_1362 {strides = array<i32>} : memref<128xf32, #tpu.memory_space<vmem>>, vector<16xf32>,
    %get3A_1365 = arith.constant 96 : index
    %get3A_1366 = tpu.vector_load %arg9[%get3A_1365] {strides = array<i32>} : memref<4224xf32, #tpu.memory_space<vmem>>, vector<16xf32>,
    %get3A_1367 = arith.constant 224 : index
    %get3A_1368 = tpu.vector_load %arg9[%get3A_1367] {strides = array<i32>} : memref<4224xf32, #tpu.memory_space<vmem>>, vector<16xf32>,
    %add3A_1369 = arith.addf %get3A_1366, %get3A_1368 : vector<16xf32>
    %get3A_1370 = arith.constant 352 : index
    %get3A_1371 = tpu.vector_load %arg9[%get3A_1370] {strides = array<i32>} : memref<4224xf32, #tpu.memory_space<vmem>>, vector<16xf32>,
    %add3A_1372 = arith.addf %add3A_1369, %get3A_1371 : vector<16xf32>
    %get3A_1373 = arith.constant 480 : index
    %get3A_1374 = tpu.vector_load %arg9[%get3A_1373] {strides = array<i32>} : memref<4224xf32, #tpu.memory_space<vmem>>, vector<16xf32>,
    %add3A_1375 = arith.addf %add3A_1372, %get3A_1374 : vector<16xf32>
    %get3A_1376 = arith.constant 608 : index
    %get3A_1377 = tpu.vector_load %arg9[%get3A_1376] {strides = array<i32>} : memref<4224xf32, #tpu.memory_space<vmem>>, vector<16xf32>,
    %add3A_1378 = arith.addf %add3A_1375, %get3A_1377 : vector<16xf32>
    %get3A_1379 = arith.constant 736 : index
    %get3A_1380 = tpu.vector_load %arg9[%get3A_1379] {strides = array<i32>} : memref<4224xf32, #tpu.memory_space<vmem>>, vector<16xf32>,
    %add3A_1381 = arith.addf %add3A_1378, %get3A_1380 : vector<16xf32>
    %get3A_1382 = arith.constant 864 : index
    %get3A_1383 = tpu.vector_load %arg9[%get3A_1382] {strides = array<i32>} : memref<4224xf32, #tpu.memory_space<vmem>>, vector<16xf32>,
    %add3A_1384 = arith.addf %add3A_1381, %get3A_1383 : vector<16xf32>
    %get3A_1385 = arith.constant 992 : index
    %get3A_1386 = tpu.vector_load %arg9[%get3A_1385] {strides = array<i32>} : memref<4224xf32, #tpu.memory_space<vmem>>, vector<16xf32>,
    %add3A_1387 = arith.addf %add3A_1384, %get3A_1386 : vector<16xf32>
    %get3A_1388 = arith.constant 1120 : index
    %get3A_1389 = tpu.vector_load %arg9[%get3A_1388] {strides = array<i32>} : memref<4224xf32, #tpu.memory_space<vmem>>, vector<16xf32>,
    %add3A_1390 = arith.addf %add3A_1387, %get3A_1389 : vector<16xf32>
    %get3A_1391 = arith.constant 1248 : index
    %get3A_1392 = tpu.vector_load %arg9[%get3A_1391] {strides = array<i32>} : memref<4224xf32, #tpu.memory_space<vmem>>, vector<16xf32>,
    %add3A_1393 = arith.addf %add3A_1390, %get3A_1392 : vector<16xf32>
    %get3A_1394 = arith.constant 1376 : index
    %get3A_1395 = tpu.vector_load %arg9[%get3A_1394] {strides = array<i32>} : memref<4224xf32, #tpu.memory_space<vmem>>, vector<16xf32>,
    %add3A_1396 = arith.addf %add3A_1393, %get3A_1395 : vector<16xf32>
    %get3A_1397 = arith.constant 1504 : index
    %get3A_1398 = tpu.vector_load %arg9[%get3A_1397] {strides = array<i32>} : memref<4224xf32, #tpu.memory_space<vmem>>, vector<16xf32>,
    %add3A_1399 = arith.addf %add3A_1396, %get3A_1398 : vector<16xf32>
    %get3A_1400 = arith.constant 1632 : index
    %get3A_1401 = tpu.vector_load %arg9[%get3A_1400] {strides = array<i32>} : memref<4224xf32, #tpu.memory_space<vmem>>, vector<16xf32>,
    %add3A_1402 = arith.addf %add3A_1399, %get3A_1401 : vector<16xf32>
    %get3A_1403 = arith.constant 1760 : index
    %get3A_1404 = tpu.vector_load %arg9[%get3A_1403] {strides = array<i32>} : memref<4224xf32, #tpu.memory_space<vmem>>, vector<16xf32>,
    %add3A_1405 = arith.addf %add3A_1402, %get3A_1404 : vector<16xf32>
    %get3A_1406 = arith.constant 1888 : index
    %get3A_1407 = tpu.vector_load %arg9[%get3A_1406] {strides = array<i32>} : memref<4224xf32, #tpu.memory_space<vmem>>, vector<16xf32>,
    %add3A_1408 = arith.addf %add3A_1405, %get3A_1407 : vector<16xf32>
    %get3A_1409 = arith.constant 2016 : index
    %get3A_1410 = tpu.vector_load %arg9[%get3A_1409] {strides = array<i32>} : memref<4224xf32, #tpu.memory_space<vmem>>, vector<16xf32>,
    %add3A_1411 = arith.addf %add3A_1408, %get3A_1410 : vector<16xf32>
    %get3A_1412 = arith.constant 2144 : index
    %get3A_1413 = tpu.vector_load %arg9[%get3A_1412] {strides = array<i32>} : memref<4224xf32, #tpu.memory_space<vmem>>, vector<16xf32>,
    %add3A_1414 = arith.addf %add3A_1411, %get3A_1413 : vector<16xf32>
    %get3A_1415 = arith.constant 2272 : index
    %get3A_1416 = tpu.vector_load %arg9[%get3A_1415] {strides = array<i32>} : memref<4224xf32, #tpu.memory_space<vmem>>, vector<16xf32>,
    %add3A_1417 = arith.addf %add3A_1414, %get3A_1416 : vector<16xf32>
    %get3A_1418 = arith.constant 2400 : index
    %get3A_1419 = tpu.vector_load %arg9[%get3A_1418] {strides = array<i32>} : memref<4224xf32, #tpu.memory_space<vmem>>, vector<16xf32>,
    %add3A_1420 = arith.addf %add3A_1417, %get3A_1419 : vector<16xf32>
    %get3A_1421 = arith.constant 2528 : index
    %get3A_1422 = tpu.vector_load %arg9[%get3A_1421] {strides = array<i32>} : memref<4224xf32, #tpu.memory_space<vmem>>, vector<16xf32>,
    %add3A_1423 = arith.addf %add3A_1420, %get3A_1422 : vector<16xf32>
    %get3A_1424 = arith.constant 2656 : index
    %get3A_1425 = tpu.vector_load %arg9[%get3A_1424] {strides = array<i32>} : memref<4224xf32, #tpu.memory_space<vmem>>, vector<16xf32>,
    %add3A_1426 = arith.addf %add3A_1423, %get3A_1425 : vector<16xf32>
    %get3A_1427 = arith.constant 2784 : index
    %get3A_1428 = tpu.vector_load %arg9[%get3A_1427] {strides = array<i32>} : memref<4224xf32, #tpu.memory_space<vmem>>, vector<16xf32>,
    %add3A_1429 = arith.addf %add3A_1426, %get3A_1428 : vector<16xf32>
    %get3A_1430 = arith.constant 2912 : index
    %get3A_1431 = tpu.vector_load %arg9[%get3A_1430] {strides = array<i32>} : memref<4224xf32, #tpu.memory_space<vmem>>, vector<16xf32>,
    %add3A_1432 = arith.addf %add3A_1429, %get3A_1431 : vector<16xf32>
    %get3A_1433 = arith.constant 3040 : index
    %get3A_1434 = tpu.vector_load %arg9[%get3A_1433] {strides = array<i32>} : memref<4224xf32, #tpu.memory_space<vmem>>, vector<16xf32>,
    %add3A_1435 = arith.addf %add3A_1432, %get3A_1434 : vector<16xf32>
    %get3A_1436 = arith.constant 3168 : index
    %get3A_1437 = tpu.vector_load %arg9[%get3A_1436] {strides = array<i32>} : memref<4224xf32, #tpu.memory_space<vmem>>, vector<16xf32>,
    %add3A_1438 = arith.addf %add3A_1435, %get3A_1437 : vector<16xf32>
    %get3A_1439 = arith.constant 3296 : index
    %get3A_1440 = tpu.vector_load %arg9[%get3A_1439] {strides = array<i32>} : memref<4224xf32, #tpu.memory_space<vmem>>, vector<16xf32>,
    %add3A_1441 = arith.addf %add3A_1438, %get3A_1440 : vector<16xf32>
    %get3A_1442 = arith.constant 3424 : index
    %get3A_1443 = tpu.vector_load %arg9[%get3A_1442] {strides = array<i32>} : memref<4224xf32, #tpu.memory_space<vmem>>, vector<16xf32>,
    %add3A_1444 = arith.addf %add3A_1441, %get3A_1443 : vector<16xf32>
    %get3A_1445 = arith.constant 3552 : index
    %get3A_1446 = tpu.vector_load %arg9[%get3A_1445] {strides = array<i32>} : memref<4224xf32, #tpu.memory_space<vmem>>, vector<16xf32>,
    %add3A_1447 = arith.addf %add3A_1444, %get3A_1446 : vector<16xf32>
    %get3A_1448 = arith.constant 3680 : index
    %get3A_1449 = tpu.vector_load %arg9[%get3A_1448] {strides = array<i32>} : memref<4224xf32, #tpu.memory_space<vmem>>, vector<16xf32>,
    %add3A_1450 = arith.addf %add3A_1447, %get3A_1449 : vector<16xf32>
    %get3A_1451 = arith.constant 3808 : index
    %get3A_1452 = tpu.vector_load %arg9[%get3A_1451] {strides = array<i32>} : memref<4224xf32, #tpu.memory_space<vmem>>, vector<16xf32>,
    %add3A_1453 = arith.addf %add3A_1450, %get3A_1452 : vector<16xf32>
    %get3A_1454 = arith.constant 3936 : index
    %get3A_1455 = tpu.vector_load %arg9[%get3A_1454] {strides = array<i32>} : memref<4224xf32, #tpu.memory_space<vmem>>, vector<16xf32>,
    %add3A_1456 = arith.addf %add3A_1453, %get3A_1455 : vector<16xf32>
    %get3A_1457 = arith.constant 4064 : index
    %get3A_1458 = tpu.vector_load %arg9[%get3A_1457] {strides = array<i32>} : memref<4224xf32, #tpu.memory_space<vmem>>, vector<16xf32>,
    %add3A_1459 = arith.addf %add3A_1456, %get3A_1458 : vector<16xf32>
    %get3A_1460 = arith.constant 4192 : index
    %get3A_1461 = tpu.vector_load %arg9[%get3A_1460] {strides = array<i32>} : memref<4224xf32, #tpu.memory_space<vmem>>, vector<16xf32>,
    %add3A_1462 = arith.addf %add3A_1459, %get3A_1461 : vector<16xf32>
    %add3A_1463 = arith.addf %add3A_1462, %get3A_702 : vector<16xf32>
    %neg3A_1464 = arith.constant 0.000000e+00 : f32
    %neg3A_1465 = vector.broadcast %neg3A_1464 : f32 to vector<16xf32>
    %neg3A_1466 = arith.subf %neg3A_1465, %add3A_1463 : vector<16xf32>
    %exp3A_1467 = math.exp %neg3A_1466 : vector<16xf32>
    %add3A_1468 = arith.constant 1.000000e+00 : f32
    %add3A_1469 = vector.broadcast %add3A_1468 : f32 to vector<16xf32>
    %add3A_1470 = arith.addf %add3A_1469, %exp3A_1467 : vector<16xf32>
    %div3A_1471 = arith.constant 1.000000e+00 : f32
    %div3A_1472 = vector.broadcast %div3A_1471 : f32 to vector<16xf32>
    %div3A_1473 = arith.divf %div3A_1472, %add3A_1470 : vector<16xf32>
    %swap3A_1474 = arith.constant 96 : index
    %swap3A_1475 = tpu.vector_load %arg10[%swap3A_1474] {strides = array<i32>} : memref<128xf32, #tpu.memory_space<vmem>>, vector<16xf32>,
    tpu.vector_store %arg10[%swap3A_1474], %div3A_1473 {strides = array<i32>} : memref<128xf32, #tpu.memory_space<vmem>>, vector<16xf32>,
    %get3A_1476 = arith.constant 112 : index
    %get3A_1477 = tpu.vector_load %arg9[%get3A_1476] {strides = array<i32>} : memref<4224xf32, #tpu.memory_space<vmem>>, vector<16xf32>,
    %get3A_1478 = arith.constant 240 : index
    %get3A_1479 = tpu.vector_load %arg9[%get3A_1478] {strides = array<i32>} : memref<4224xf32, #tpu.memory_space<vmem>>, vector<16xf32>,
    %add3A_1480 = arith.addf %get3A_1477, %get3A_1479 : vector<16xf32>
    %get3A_1481 = arith.constant 368 : index
    %get3A_1482 = tpu.vector_load %arg9[%get3A_1481] {strides = array<i32>} : memref<4224xf32, #tpu.memory_space<vmem>>, vector<16xf32>,
    %add3A_1483 = arith.addf %add3A_1480, %get3A_1482 : vector<16xf32>
    %get3A_1484 = arith.constant 496 : index
    %get3A_1485 = tpu.vector_load %arg9[%get3A_1484] {strides = array<i32>} : memref<4224xf32, #tpu.memory_space<vmem>>, vector<16xf32>,
    %add3A_1486 = arith.addf %add3A_1483, %get3A_1485 : vector<16xf32>
    %get3A_1487 = arith.constant 624 : index
    %get3A_1488 = tpu.vector_load %arg9[%get3A_1487] {strides = array<i32>} : memref<4224xf32, #tpu.memory_space<vmem>>, vector<16xf32>,
    %add3A_1489 = arith.addf %add3A_1486, %get3A_1488 : vector<16xf32>
    %get3A_1490 = arith.constant 752 : index
    %get3A_1491 = tpu.vector_load %arg9[%get3A_1490] {strides = array<i32>} : memref<4224xf32, #tpu.memory_space<vmem>>, vector<16xf32>,
    %add3A_1492 = arith.addf %add3A_1489, %get3A_1491 : vector<16xf32>
    %get3A_1493 = arith.constant 880 : index
    %get3A_1494 = tpu.vector_load %arg9[%get3A_1493] {strides = array<i32>} : memref<4224xf32, #tpu.memory_space<vmem>>, vector<16xf32>,
    %add3A_1495 = arith.addf %add3A_1492, %get3A_1494 : vector<16xf32>
    %get3A_1496 = arith.constant 1008 : index
    %get3A_1497 = tpu.vector_load %arg9[%get3A_1496] {strides = array<i32>} : memref<4224xf32, #tpu.memory_space<vmem>>, vector<16xf32>,
    %add3A_1498 = arith.addf %add3A_1495, %get3A_1497 : vector<16xf32>
    %get3A_1499 = arith.constant 1136 : index
    %get3A_1500 = tpu.vector_load %arg9[%get3A_1499] {strides = array<i32>} : memref<4224xf32, #tpu.memory_space<vmem>>, vector<16xf32>,
    %add3A_1501 = arith.addf %add3A_1498, %get3A_1500 : vector<16xf32>
    %get3A_1502 = arith.constant 1264 : index
    %get3A_1503 = tpu.vector_load %arg9[%get3A_1502] {strides = array<i32>} : memref<4224xf32, #tpu.memory_space<vmem>>, vector<16xf32>,
    %add3A_1504 = arith.addf %add3A_1501, %get3A_1503 : vector<16xf32>
    %get3A_1505 = arith.constant 1392 : index
    %get3A_1506 = tpu.vector_load %arg9[%get3A_1505] {strides = array<i32>} : memref<4224xf32, #tpu.memory_space<vmem>>, vector<16xf32>,
    %add3A_1507 = arith.addf %add3A_1504, %get3A_1506 : vector<16xf32>
    %get3A_1508 = arith.constant 1520 : index
    %get3A_1509 = tpu.vector_load %arg9[%get3A_1508] {strides = array<i32>} : memref<4224xf32, #tpu.memory_space<vmem>>, vector<16xf32>,
    %add3A_1510 = arith.addf %add3A_1507, %get3A_1509 : vector<16xf32>
    %get3A_1511 = arith.constant 1648 : index
    %get3A_1512 = tpu.vector_load %arg9[%get3A_1511] {strides = array<i32>} : memref<4224xf32, #tpu.memory_space<vmem>>, vector<16xf32>,
    %add3A_1513 = arith.addf %add3A_1510, %get3A_1512 : vector<16xf32>
    %get3A_1514 = arith.constant 1776 : index
    %get3A_1515 = tpu.vector_load %arg9[%get3A_1514] {strides = array<i32>} : memref<4224xf32, #tpu.memory_space<vmem>>, vector<16xf32>,
    %add3A_1516 = arith.addf %add3A_1513, %get3A_1515 : vector<16xf32>
    %get3A_1517 = arith.constant 1904 : index
    %get3A_1518 = tpu.vector_load %arg9[%get3A_1517] {strides = array<i32>} : memref<4224xf32, #tpu.memory_space<vmem>>, vector<16xf32>,
    %add3A_1519 = arith.addf %add3A_1516, %get3A_1518 : vector<16xf32>
    %get3A_1520 = arith.constant 2032 : index
    %get3A_1521 = tpu.vector_load %arg9[%get3A_1520] {strides = array<i32>} : memref<4224xf32, #tpu.memory_space<vmem>>, vector<16xf32>,
    %add3A_1522 = arith.addf %add3A_1519, %get3A_1521 : vector<16xf32>
    %get3A_1523 = arith.constant 2160 : index
    %get3A_1524 = tpu.vector_load %arg9[%get3A_1523] {strides = array<i32>} : memref<4224xf32, #tpu.memory_space<vmem>>, vector<16xf32>,
    %add3A_1525 = arith.addf %add3A_1522, %get3A_1524 : vector<16xf32>
    %get3A_1526 = arith.constant 2288 : index
    %get3A_1527 = tpu.vector_load %arg9[%get3A_1526] {strides = array<i32>} : memref<4224xf32, #tpu.memory_space<vmem>>, vector<16xf32>,
    %add3A_1528 = arith.addf %add3A_1525, %get3A_1527 : vector<16xf32>
    %get3A_1529 = arith.constant 2416 : index
    %get3A_1530 = tpu.vector_load %arg9[%get3A_1529] {strides = array<i32>} : memref<4224xf32, #tpu.memory_space<vmem>>, vector<16xf32>,
    %add3A_1531 = arith.addf %add3A_1528, %get3A_1530 : vector<16xf32>
    %get3A_1532 = arith.constant 2544 : index
    %get3A_1533 = tpu.vector_load %arg9[%get3A_1532] {strides = array<i32>} : memref<4224xf32, #tpu.memory_space<vmem>>, vector<16xf32>,
    %add3A_1534 = arith.addf %add3A_1531, %get3A_1533 : vector<16xf32>
    %get3A_1535 = arith.constant 2672 : index
    %get3A_1536 = tpu.vector_load %arg9[%get3A_1535] {strides = array<i32>} : memref<4224xf32, #tpu.memory_space<vmem>>, vector<16xf32>,
    %add3A_1537 = arith.addf %add3A_1534, %get3A_1536 : vector<16xf32>
    %get3A_1538 = arith.constant 2800 : index
    %get3A_1539 = tpu.vector_load %arg9[%get3A_1538] {strides = array<i32>} : memref<4224xf32, #tpu.memory_space<vmem>>, vector<16xf32>,
    %add3A_1540 = arith.addf %add3A_1537, %get3A_1539 : vector<16xf32>
    %get3A_1541 = arith.constant 2928 : index
    %get3A_1542 = tpu.vector_load %arg9[%get3A_1541] {strides = array<i32>} : memref<4224xf32, #tpu.memory_space<vmem>>, vector<16xf32>,
    %add3A_1543 = arith.addf %add3A_1540, %get3A_1542 : vector<16xf32>
    %get3A_1544 = arith.constant 3056 : index
    %get3A_1545 = tpu.vector_load %arg9[%get3A_1544] {strides = array<i32>} : memref<4224xf32, #tpu.memory_space<vmem>>, vector<16xf32>,
    %add3A_1546 = arith.addf %add3A_1543, %get3A_1545 : vector<16xf32>
    %get3A_1547 = arith.constant 3184 : index
    %get3A_1548 = tpu.vector_load %arg9[%get3A_1547] {strides = array<i32>} : memref<4224xf32, #tpu.memory_space<vmem>>, vector<16xf32>,
    %add3A_1549 = arith.addf %add3A_1546, %get3A_1548 : vector<16xf32>
    %get3A_1550 = arith.constant 3312 : index
    %get3A_1551 = tpu.vector_load %arg9[%get3A_1550] {strides = array<i32>} : memref<4224xf32, #tpu.memory_space<vmem>>, vector<16xf32>,
    %add3A_1552 = arith.addf %add3A_1549, %get3A_1551 : vector<16xf32>
    %get3A_1553 = arith.constant 3440 : index
    %get3A_1554 = tpu.vector_load %arg9[%get3A_1553] {strides = array<i32>} : memref<4224xf32, #tpu.memory_space<vmem>>, vector<16xf32>,
    %add3A_1555 = arith.addf %add3A_1552, %get3A_1554 : vector<16xf32>
    %get3A_1556 = arith.constant 3568 : index
    %get3A_1557 = tpu.vector_load %arg9[%get3A_1556] {strides = array<i32>} : memref<4224xf32, #tpu.memory_space<vmem>>, vector<16xf32>,
    %add3A_1558 = arith.addf %add3A_1555, %get3A_1557 : vector<16xf32>
    %get3A_1559 = arith.constant 3696 : index
    %get3A_1560 = tpu.vector_load %arg9[%get3A_1559] {strides = array<i32>} : memref<4224xf32, #tpu.memory_space<vmem>>, vector<16xf32>,
    %add3A_1561 = arith.addf %add3A_1558, %get3A_1560 : vector<16xf32>
    %get3A_1562 = arith.constant 3824 : index
    %get3A_1563 = tpu.vector_load %arg9[%get3A_1562] {strides = array<i32>} : memref<4224xf32, #tpu.memory_space<vmem>>, vector<16xf32>,
    %add3A_1564 = arith.addf %add3A_1561, %get3A_1563 : vector<16xf32>
    %get3A_1565 = arith.constant 3952 : index
    %get3A_1566 = tpu.vector_load %arg9[%get3A_1565] {strides = array<i32>} : memref<4224xf32, #tpu.memory_space<vmem>>, vector<16xf32>,
    %add3A_1567 = arith.addf %add3A_1564, %get3A_1566 : vector<16xf32>
    %get3A_1568 = arith.constant 4080 : index
    %get3A_1569 = tpu.vector_load %arg9[%get3A_1568] {strides = array<i32>} : memref<4224xf32, #tpu.memory_space<vmem>>, vector<16xf32>,
    %add3A_1570 = arith.addf %add3A_1567, %get3A_1569 : vector<16xf32>
    %get3A_1571 = arith.constant 4208 : index
    %get3A_1572 = tpu.vector_load %arg9[%get3A_1571] {strides = array<i32>} : memref<4224xf32, #tpu.memory_space<vmem>>, vector<16xf32>,
    %add3A_1573 = arith.addf %add3A_1570, %get3A_1572 : vector<16xf32>
    %add3A_1574 = arith.addf %add3A_1573, %get3A_702 : vector<16xf32>
    %neg3A_1575 = arith.constant 0.000000e+00 : f32
    %neg3A_1576 = vector.broadcast %neg3A_1575 : f32 to vector<16xf32>
    %neg3A_1577 = arith.subf %neg3A_1576, %add3A_1574 : vector<16xf32>
    %exp3A_1578 = math.exp %neg3A_1577 : vector<16xf32>
    %add3A_1579 = arith.constant 1.000000e+00 : f32
    %add3A_1580 = vector.broadcast %add3A_1579 : f32 to vector<16xf32>
    %add3A_1581 = arith.addf %add3A_1580, %exp3A_1578 : vector<16xf32>
    %div3A_1582 = arith.constant 1.000000e+00 : f32
    %div3A_1583 = vector.broadcast %div3A_1582 : f32 to vector<16xf32>
    %div3A_1584 = arith.divf %div3A_1583, %add3A_1581 : vector<16xf32>
    %swap3A_1585 = arith.constant 112 : index
    %swap3A_1586 = tpu.vector_load %arg10[%swap3A_1585] {strides = array<i32>} : memref<128xf32, #tpu.memory_space<vmem>>, vector<16xf32>,
    tpu.vector_store %arg10[%swap3A_1585], %div3A_1584 {strides = array<i32>} : memref<128xf32, #tpu.memory_space<vmem>>, vector<16xf32>,
    "tpu.region"() ({
      %run_scoped3A = tpu.sem_alloc : memref<!tpu.dma_semaphore, #tpu.memory_space<semaphore_mem>>
      %dma_start3A_1587 = tpu.memref_slice %arg7[%mul3A_2] : memref<4096xf32, #tpu.memory_space<hbm>> -> memref<128xf32, #tpu.memory_space<hbm>>
      %dma_start3A_1588 = tpu.memref_slice %arg7[%mul3A_2] : memref<4096xf32, #tpu.memory_space<hbm>> -> memref<128xf32, #tpu.memory_space<hbm>>
      tpu.enqueue_dma source(%arg10 : memref<128xf32, #tpu.memory_space<vmem>>) target(%dma_start3A_1588 : memref<128xf32, #tpu.memory_space<hbm>>) target_semaphore(%run_scoped3A : memref<!tpu.dma_semaphore, #tpu.memory_space<semaphore_mem>>)
      %dma_wait3A_1589 = tpu.memref_slice %arg7[%mul3A_2] : memref<4096xf32, #tpu.memory_space<hbm>> -> memref<128xf32, #tpu.memory_space<hbm>>
      %dma_wait3A_1590 = tpu.memref_slice %arg7[%mul3A_2] : memref<4096xf32, #tpu.memory_space<hbm>> -> memref<128xf32, #tpu.memory_space<hbm>>
      tpu.wait_dma2 semaphore(%run_scoped3A : memref<!tpu.dma_semaphore, #tpu.memory_space<semaphore_mem>>) src(%arg10 : memref<128xf32, #tpu.memory_space<vmem>>) dst(%dma_wait3A_1590 : memref<128xf32, #tpu.memory_space<hbm>>)
      tpu.yield
    }) : () -> ()
    return
  }
}

module attributes {stable_mosaic.version = 14 : i64} {
  func.func @_score_body(%arg0: i32, %arg1: memref<1x2x32xf32, #tpu.memory_space<vmem>>, %arg2: memref<1x32x102400xf32, #tpu.memory_space<vmem>>, %arg3: memref<102400xf32, #tpu.memory_space<vmem>>, %arg4: memref<102400xf32, #tpu.memory_space<vmem>>) attributes {dimension_semantics = [#tpu.dimension_semantics<arbitrary>], iteration_bounds = array<i64: 25>, scalar_prefetch = 0 : i64, scratch_operands = 0 : i64, tpu.core_type = #tpu.core_type<tc>, window_params = [{transform_indices = @transform_0, window_bounds = array<i64: 1, 2, 32>}, {transform_indices = @transform_1, window_bounds = array<i64: 1, 32, 102400>}, {transform_indices = @transform_2, window_bounds = array<i64: 102400>}, {transform_indices = @transform_3, window_bounds = array<i64: 102400>}]} {
    %get3A = arith.constant 0 : index
    %get3A_0 = arith.constant 0 : index
    %get3A_1 = arith.constant 0 : index
    %get3A_2 = vector.load %arg1[%get3A, %get3A_0, %get3A_1] : memref<1x2x32xf32, #tpu.memory_space<vmem>>, vector<1x2x32xf32>
    %get3A_3 = vector.shape_cast %get3A_2 : vector<1x2x32xf32> to vector<2x32xf32>
    %get3A_4 = arith.constant 0 : index
    %get3A_5 = arith.constant 0 : index
    %get3A_6 = arith.constant 0 : index
    %get3A_7 = vector.load %arg2[%get3A_4, %get3A_5, %get3A_6] : memref<1x32x102400xf32, #tpu.memory_space<vmem>>, vector<1x32x102400xf32>
    %get3A_8 = vector.shape_cast %get3A_7 : vector<1x32x102400xf32> to vector<32x102400xf32>
    %dot_general3A = arith.constant dense<0.000000e+00> : vector<2x102400xf32>
    %dot_general3A_9 = tpu.matmul %get3A_3, %get3A_8, %dot_general3A {dimension_numbers = #tpu.dot_dimension_numbers<[1], [0], [0], [1], [0, 0, 1, 1], [], []>, transpose_lhs_hint = false} : vector<2x32xf32>, vector<32x102400xf32>, vector<2x102400xf32> -> vector<2x102400xf32>
    %slice3A = vector.extract_strided_slice %dot_general3A_9 {offsets = [0, 0], sizes = [1, 102400], strides = [1, 1]} : vector<2x102400xf32> to vector<1x102400xf32>
    %squeeze3A = vector.shape_cast %slice3A : vector<1x102400xf32> to vector<102400xf32>
    %swap3A = arith.constant 0 : index
    %swap3A_10 = vector.load %arg3[%swap3A] : memref<102400xf32, #tpu.memory_space<vmem>>, vector<102400xf32>
    tpu.vector_store %arg3[%swap3A], %squeeze3A {strides = array<i32>} : memref<102400xf32, #tpu.memory_space<vmem>>, vector<102400xf32>,
    %slice3A_11 = vector.extract_strided_slice %dot_general3A_9 {offsets = [1, 0], sizes = [1, 102400], strides = [1, 1]} : vector<2x102400xf32> to vector<1x102400xf32>
    %squeeze3A_12 = vector.shape_cast %slice3A_11 : vector<1x102400xf32> to vector<102400xf32>
    %swap3A_13 = arith.constant 0 : index
    %swap3A_14 = vector.load %arg4[%swap3A_13] : memref<102400xf32, #tpu.memory_space<vmem>>, vector<102400xf32>
    tpu.vector_store %arg4[%swap3A_13], %squeeze3A_12 {strides = array<i32>} : memref<102400xf32, #tpu.memory_space<vmem>>, vector<102400xf32>,
    return
  }
  func.func @transform_0(%arg0: i32) -> (i32, i32, i32) {
    %c0_i32 = arith.constant 0 : i32
    %c0_i32_0 = arith.constant 0 : i32
    %c0_i32_1 = arith.constant 0 : i32
    return %arg0, %c0_i32, %c0_i32_0 : i32, i32, i32
  }
  func.func @transform_1(%arg0: i32) -> (i32, i32, i32) {
    %add3A = arith.constant 1 : i32
    %add3A_0 = arith.addi %arg0, %add3A : i32
    %c0_i32 = arith.constant 0 : i32
    %c0_i32_1 = arith.constant 0 : i32
    %c0_i32_2 = arith.constant 0 : i32
    return %add3A_0, %c0_i32, %c0_i32_1 : i32, i32, i32
  }
  func.func @transform_2(%arg0: i32) -> i32 {
    %c0_i32 = arith.constant 0 : i32
    return %arg0 : i32
  }
  func.func @transform_3(%arg0: i32) -> i32 {
    %c0_i32 = arith.constant 0 : i32
    return %arg0 : i32
  }
}

</mosaic_0001>

<sc_bundles>
// kernel: kernel.4.cloned.1.call-start
scs
__scs_entry_jumppad:
0x0: {  	(pc) =	sbr.rel $0x88, $3  }
0x1: {  	(tag) =	ssettag $0x0;
	lr =	simm.s32 $0x1  }
0x2: {  	[smem:$0x3F9A] =	sst lr;
	_ =	strace $0xD0000000  }
0x3: {  	_ = 	snop  }
0x4: {  	_ = 	snop  }
0x5: {  	_ = 	snop  }
0x6: {  	_ = 	snop  }
0x7: {  	_ = 	snop  }
__scs_overlays_trampoline_lowered:
0x8: {  	[smem:$0x3FA9] =	sst s0  }
0x9: {  	[smem:$0x3FAA] =	sst s1  }
0xa: {  	[smem:$0x3FAB] =	sst s2  }
0xb: {  	[smem:$0x3FAC] =	sst s3  }
0xc: {  	[smem:$0x3FAD] =	sst s4  }
0xd: {  	[smem:$0x3FAE] =	sst s5  }
0xe: {  	[smem:$0x3FAF] =	sst s6  }
0xf: {  	[smem:$0x3FB0] =	sst s7  }
0x10: {  	[smem:$0x3FB1] =	sst s8  }
0x11: {  	[smem:$0x3FB2] =	sst s9;
	s0 =	simm.s32 @!p0 $0x0  }
0x12: {  	s1 =	sld [smem:$0x3F98];
	s0 =	simm.s32 @p0 $0x1  }
0x13: {  	[smem:$0x3FB3] =	sst s0;
	s0 =	simm.s32 @!p1 $0x0  }
0x14: {  	s2 =	sld [smem:$0x3F97];
	s0 =	simm.s32 @p1 $0x1  }
0x15: {  	[smem:$0x3FB4] =	sst s0;
	s0 =	simm.s32 @!p2 $0x0  }
0x16: {  	s3 =	sld [smem:$0x3FDB];
	s0 =	simm.s32 @p2 $0x1  }
0x17: {  	s4 =	simm.s32 $0x1BF5;
	[smem:$0x3FB6] =	sst s0  }
0x18: {  	s0 =	sld [smem:$0x3F99];
	_ =	swait.ge [sflag:s4], $0x0  }
0x19: {  	s7 =	sld [smem:$0x3F9A]  }
0x1a: {  	s8 =	sadd.s32 $0xFFFFE003, lr  }
0x1b: {  	s9 =	sadd.s32 $0xFFFFFEF7, lr;
	s5 =	simm.s32 $0xFFFFFFFF;
	p2 =	slt.u32 s8, $0xFFFFF086  }
0x1c: {  	p1 =	slt.u32 s9, $0xF7A;
	s5 =	simm.s32 @!p2 $0x0  }
0x1d: {  	s5 =	simm.s32 @p1 $0x1;
	p0 =	seq.s32 s7, s2  }
0x1e: {  	s7 =	smul.u32 @!p0 $0xF7A, s2;
	p2 =	seq.s32 @!p0 s5, $0x0  }
0x1f: {  	s9 =	smul.u32 $0xF7A, s1;
	s8 =	simm.s32 @!p0 $0x1BF5;
	p2 =	por !p2, p0  }
0x20: {  	[sflag:s8] =	ssyncset.s32 @!p0 $0xFFFFF086;
	s6 =	sadd.s32 @!p0 s3, s7;
	s7 =	simm.s32 @!p0 $0x108  }
0x21: {  	s3 =	sadd.s32 s3, s9;
	s6 =	sadd.s32 @!p0 $0x88, s6;
	s7 =	simm.s32 @p2 $0x1082  }
0x22: {  	[simem:s7], [sflag:s8] =	dma.local @!p0 [hbm:s6], $0xF7A  }
0x23: {  	s9 =	sor.u32 $0xD0000000, s2;
	s6 =	simm.s32 $0x108;
	_ =	swait.ge @!p0 [sflag:s8], $0x0  }
0x24: {  	s3 =	sadd.s32 $0x88, s3;
	s6 =	simm.s32 @!p1 $0x1082;
	[sflag:s4] =	ssyncset.s32 $0xFFFFF086  }
0x25: {  	[simem:s6], [sflag:s4] =	dma.local [hbm:s3], $0xF7A  }
0x26: {  	[smem:$0x3F9A] =	sst s1;
	(tag) =	ssettag s2;
	_ =	strace s9  }
0x27: {  	s1 =	sld [smem:$0x3FAA]  }
0x28: {  	s2 =	sld [smem:$0x3FAB]  }
0x29: {  	s4 =	sld [smem:$0x3FAD]  }
0x2a: {  	p0 =	seq.s32 s5, $0x0;
	s5 =	sld [smem:$0x3FAE]  }
0x2b: {  	s6 =	sld [smem:$0x3FAF]  }
0x2c: {  	s7 =	sld [smem:$0x3FB0]  }
0x2d: {  	s3 =	simm.s32 $0x108;
	s8 =	sld [smem:$0x3FB1]  }
0x2e: {  	s3 =	simm.s32 @!p0 $0x1082;
	s9 =	sld [smem:$0x3FB2]  }
0x2f: {  	lr =	sadd.s32 s0, s3;
	s0 =	sld [smem:$0x3FA9]  }
0x30: {  	s3 =	sld [smem:$0x3FAC]  }
0x31: {  	[smem:$0x3FB5] =	sst s10  }
0x32: {  	s10 =	sld [smem:$0x3FB3];
	_ =	sdelay $0x3  }
0x33: {  	p0 =	seq.s32 s10, $0x1;
	s10 =	sld [smem:$0x3FB5];
	_ =	sdelay $0x3  }
0x34: {  	[smem:$0x3FB5] =	sst s10  }
0x35: {  	s10 =	sld [smem:$0x3FB4];
	_ =	sdelay $0x3  }
0x36: {  	p1 =	seq.s32 s10, $0x1;
	s10 =	sld [smem:$0x3FB5];
	_ =	sdelay $0x3  }
0x37: {  	[smem:$0x3FB5] =	sst s10  }
0x38: {  	s10 =	sld [smem:$0x3FB6]  }
0x39: {  	_ = 	snop;
	(pc) =	sbr.ind lr, $3  }
0x3a: {  	_ = 	snop  }
0x3b: {  	_ = 	snop  }
0x3c: {  	p2 =	seq.s32 s10, $0x1;
	s10 =	sld [smem:$0x3FB5]  }
0x3d: {  	_ =	shalt  }
0x3e: {  	_ =	shalt  }
0x3f: {  	_ =	shalt  }
0x40: {  	_ =	shalt  }
0x41: {  	_ =	shalt  }
0x42: {  	_ =	shalt  }
0x43: {  	_ =	shalt  }
0x44: {  	_ =	shalt  }
0x45: {  	_ =	shalt  }
0x46: {  	_ =	shalt  }
0x47: {  	_ =	shalt  }
0x48: {  	_ =	shalt  }
0x49: {  	_ =	shalt  }
0x4a: {  	_ =	shalt  }
0x4b: {  	_ =	shalt  }
0x4c: {  	_ =	shalt  }
0x4d: {  	_ =	shalt  }
0x4e: {  	_ =	shalt  }
0x4f: {  	_ =	shalt  }
0x50: {  	_ =	shalt  }
0x51: {  	_ =	shalt  }
0x52: {  	_ =	shalt  }
0x53: {  	_ =	shalt  }
0x54: {  	_ =	shalt  }
0x55: {  	_ =	shalt  }
0x56: {  	_ =	shalt  }
0x57: {  	_ =	shalt  }
0x58: {  	_ =	shalt  }
0x59: {  	_ =	shalt  }
0x5a: {  	_ =	shalt  }
0x5b: {  	_ =	shalt  }
0x5c: {  	_ =	shalt  }
0x5d: {  	_ =	shalt  }
0x5e: {  	_ =	shalt  }
0x5f: {  	_ =	shalt  }
0x60: {  	_ =	shalt  }
0x61: {  	_ =	shalt  }
0x62: {  	_ =	shalt  }
0x63: {  	_ =	shalt  }
0x64: {  	_ =	shalt  }
0x65: {  	_ =	shalt  }
0x66: {  	_ =	shalt  }
0x67: {  	_ =	shalt  }
0x68: {  	_ =	shalt  }
0x69: {  	_ =	shalt  }
0x6a: {  	_ =	shalt  }
0x6b: {  	_ =	shalt  }
0x6c: {  	_ =	shalt  }
0x6d: {  	_ =	shalt  }
0x6e: {  	_ =	shalt  }
0x6f: {  	_ =	shalt  }
0x70: {  	_ =	shalt  }
0x71: {  	_ =	shalt  }
0x72: {  	_ =	shalt  }
0x73: {  	_ =	shalt  }
0x74: {  	_ =	shalt  }
0x75: {  	_ =	shalt  }
0x76: {  	_ =	shalt  }
0x77: {  	_ =	shalt  }
0x78: {  	_ =	shalt  }
0x79: {  	_ =	shalt  }
0x7a: {  	_ =	shalt  }
0x7b: {  	_ =	shalt  }
0x7c: {  	_ =	shalt  }
0x7d: {  	_ =	shalt  }
0x7e: {  	_ =	shalt  }
0x7f: {  	_ =	shalt  }
0x80: {  	_ =	shalt  }
0x81: {  	_ =	shalt  }
0x82: {  	_ =	shalt  }
0x83: {  	_ =	shalt  }
0x84: {  	_ =	shalt  }
0x85: {  	_ =	shalt  }
0x86: {  	_ =	shalt  }
0x87: {  	_ =	shalt  }
.Lfunc_end0:
.L_simem_size_0:
called_computation_lowered:
.L_overlay_start_0:
0x88: {  	s2 =	sld [smem:$0x3FD9]  }
0x89: {  	s3 =	sld [smem:$0x3FFE];
	_ =	sdelay $0x1  }
0x8a: {  	s1 =	srdreg.scid  }
0x8b: {  	s0 =	sand.u32 $0x1, s1  }
0x8c: {  	s17 =	sshll.u32 s0, $0xA;
	s2 =	sadd.s32 s3, s2  }
0x8d: {  	s2 =	sadd.s32 s2, s17  }
0x8e: {  	[smem:$0x3FC1] =	sst s2  }
0x8f: {  	_ = 	snop  }
0x90: {  	s2 =	sld [smem:$0x3FD0];
	(tm) =	ssettm $0x1  }
0x91: {  	s18 =	sld [smem:$0x3FFB];
	_ =	sdelay $0x3  }
0x92: {  	_ =	strace s18  }
0x93: {  	s3 =	sld [smem:$0x3FFC];
	_ =	sdelay $0x3  }
0x94: {  	_ =	strace s3  }
0x95: {  	s3 =	sld [smem:$0x3FFD];
	_ =	sdelay $0x3  }
0x96: {  	_ =	strace s3  }
0x97: {  	_ =	strace $0x8FFFFFFF  }
0x98: {  	s19 =	sld [smem:$0x3FDB];
	_ =	sdelay $0x1  }
0x99: {  	s4 =	simm.s32 $_scs_section_size  }
0x9a: {  	s5 =	simm.s32 $_size__tile_overlayer_lowered;
	s6 =	simm.s32 $_tile_overlayer_lowered  }
0x9b: {  	s22 =	simm.s32 $0x1BFF;
	s21 =	sshll.u32 s6, $0x1;
	s3 =	sadd.s32 s4, s19  }
0x9c: {  	s7 =	simm.s32 $0x0;
	s20 =	sshll.u32 s5, $0x1;
	s5 =	sadd.s32 s21, s3  }
0x9d: {  	[timem:s7], [sflag:s22] =	dma.local [hbm:s5], s20  }
0x9e: {  	_ =	swait.ge [sflag:s22], s20  }
0x9f: {  	s4 =	ssub.s32 $0x0, s20;
	[sflag:s22] =	ssyncset.done $0x0  }
0xa0: {  	[sflag:s22] =	ssyncadd.s32 s4;
	_ =	sdelay $0x1  }
0xa1: {  	s23 =	simm.s32 $0x1B8B  }
0xa2: {  	_ =	swait.ge [sflag:s23], $0x1  }
0xa3: {  	[sflag:s23] =	ssyncset.done $0x0  }
0xa4: {  	s25 =	simm.s32 $0x1B8E;
	s24 =	sld [smem:$0x3FFE];
	[sflag:s23] =	ssyncadd.s32 $0xFFFFFFFF  }
0xa5: {  	s26 =	simm.s32 $execute0_lowered;
	[smem:$0x3FD2] =	sst s25  }
0xa6: {  	s5 =	sshll.u32 s26, $0x1;
	_ =	strace $0x80000046;
	[dreg:$0x1] =	wrdreg $0xFFFFFFFF  }
0xa7: {  	s28 =	simm.s32 $_size_execute0_lowered;
	s3 =	sadd.s32 s3, s5;
	[dreg:$0x0] =	wrdreg $0x0  }
0xa8: {  	s5 =	sshll.u32 s28, $0x1;
	[dreg:$0x2] =	wrdreg s3  }
0xa9: {  	[dreg:$0x3] =	wrdreg s5  }
0xaa: {  	[dreg:$0x4] =	wrdreg $0xC0  }
0xab: {  	_ =	task [dreg:s7], $0x5FFFF  }
0xac: {  	[dreg:$0x1] =	wrdreg $0xFFFFFFFF  }
0xad: {  	[dreg:$0x0] =	wrdreg $0x60  }
0xae: {  	[dreg:$0x2] =	wrdreg s24  }
0xaf: {  	[dreg:$0x3] =	wrdreg s2  }
0xb0: {  	[dreg:$0x4] =	wrdreg $0x9  }
0xb1: {  	_ =	task.clear_ibuf [dreg:s7], $0x5FFFF;
	_ =	strace $0x90000046  }
0xb2: {  	s29 =	simm.s32 $0x9;
	_ =	strace $0x80000048  }
0xb3: {  	_ =	swait.ge [sflag:s29], $0x1  }
0xb4: {  	[sflag:s29] =	ssyncadd.s32 $0xFFFFFFFF  }
0xb5: {  	_ =	strace $0x90000048  }
0xb6: {  	_ =	sfence  }
0xb7: {  	s30 =	sld [smem:$0x0];
	_ =	sdelay $0x2  }
0xb8: {  	s31 =	sshll.u32 s1, $0xD;
	s1 =	sshrl.u32 s1, $0x2  }
0xb9: {  	s3 =	sand.u32 $0x4000, s31;
	s1 =	sadd.s32 s1, s30  }
0xba: {  	s0 =	sor.u32 s3, s0;
	s1 =	sshll.u32 s1, $0x11  }
0xbb: {  	s0 =	sor.u32 s1, s0  }
0xbc: {  	s0 =	sadd.s32 $0x8F2B, s0  }
0xbd: {  	[sflag:s0] =	ssyncadd.remote.s32 $0x1  }
0xbe: {  	_ =	sfence.sel $0xFFFF  }
0xbf: {  	[dreg:$0x0] =	wrdreg $0xFFFFFFFF;
	(pc) =	sbr.abs _section_cstart, $3  }
0xc0: {  	[dreg:$0x1] =	wrdreg $0xFFFFFFFF  }
0xc1: {  	_ =	task.clear_ibuf [dreg:s7], $0x2FFFF;
	_ =	strace $0x9FFFFFFF  }
0xc2: {  	(tm) =	ssettm $0x7FFFFFFF  }
0xc3: {  	_ =	shalt  }
tec
execute0_lowered:
.L_overlay_start_1:
0x0: {  	(tag) =	ssettag $0x1  }
0x1: {  	s4 =	rddreg [dreg:$0x0]  }
0x2: {  	s2 =	rddreg [dreg:$0x1]  }
0x3: {  	s1 =	simm.s32 $0x0;
	s0 =	srdreg.scid;
	s5 =	stileid.u32  }
0x4: {  	[smem:$0x7FF] =	sst s1;
	s6 =	sadd.s32 $0x200, s4;
	s0 =	sand.u32 $0x1, s0  }
0x5: {  	s3 =	sadd.s32 $0x4600, s4;
	s5 =	sshll.u32 s5, $0x5;
	s20 =	sadd.s32 $0x52800, s4  }
0x6: {  	_ =	strace $0x80000047;
	s7 =	sshll.u32 s0, $0x4;
	[dreg:$0x3] =	wrdreg s3  }
0x7: {  	s21 =	sadd.s32 $0x4400, s4;
	[dreg:$0x4] =	wrdreg s20;
	s5 =	sor.u32 s7, s5  }
0x8: {  	[dreg:$0x5] =	wrdreg s21;
	s3 =	sadd.s32 s6, s5  }
0x9: {  	s7 =	sor.u32 $0x200, s5;
	s2 =	sadd.s32 s2, s5;
	[smem:$0x7B4] =	sst s3  }
0xa: {  	s8 =	sor.u32 $0x400, s5;
	s22 =	sadd.s32 s6, s7;
	[smem:$0x7DA] =	sst s2  }
0xb: {  	s9 =	sor.u32 $0x600, s5;
	s23 =	sadd.s32 s6, s8;
	[dreg:$0x6] =	wrdreg s22  }
0xc: {  	s10 =	sor.u32 $0x800, s5;
	s24 =	sadd.s32 s6, s9;
	[dreg:$0x7] =	wrdreg s23  }
0xd: {  	s11 =	sor.u32 $0xA00, s5;
	s25 =	sadd.s32 s6, s10;
	[dreg:$0x8] =	wrdreg s24  }
0xe: {  	s12 =	sor.u32 $0xC00, s5;
	s26 =	sadd.s32 s6, s11;
	[dreg:$0x9] =	wrdreg s25  }
0xf: {  	s14 =	sor.u32 $0xE00, s5;
	s13 =	sadd.s32 s6, s12;
	[dreg:$0xa] =	wrdreg s26  }
0x10: {  	s6 =	sadd.s32 s6, s14;
	[dreg:$0xb] =	wrdreg s13  }
0x11: {  	s15 =	sadd.s32 $0x1200, s3;
	[dreg:$0xc] =	wrdreg s6  }
0x12: {  	s16 =	sadd.s32 $0x1400, s3;
	[dreg:$0xe] =	wrdreg s15  }
0x13: {  	s17 =	sadd.s32 $0x1600, s3;
	[dreg:$0xf] =	wrdreg s16  }
0x14: {  	s18 =	sadd.s32 $0x1800, s3;
	[dreg:$0x10] =	wrdreg s17  }
0x15: {  	s19 =	sadd.s32 $0x1A00, s3;
	[dreg:$0x11] =	wrdreg s18  }
0x16: {  	s20 =	sadd.s32 $0x1C00, s3;
	[dreg:$0x12] =	wrdreg s19  }
0x17: {  	s21 =	sadd.s32 $0x1E00, s3;
	[dreg:$0x13] =	wrdreg s20  }
0x18: {  	s13 =	sadd.s32 $0x1000, s3;
	[dreg:$0x14] =	wrdreg s21  }
0x19: {  	s22 =	sadd.s32 $0x2000, s3;
	[dreg:$0xd] =	wrdreg s13  }
0x1a: {  	s23 =	sadd.s32 $0x2200, s3;
	[dreg:$0x15] =	wrdreg s22  }
0x1b: {  	s24 =	sadd.s32 $0x2400, s3;
	[dreg:$0x16] =	wrdreg s23  }
0x1c: {  	s25 =	sadd.s32 $0x2600, s3;
	[dreg:$0x17] =	wrdreg s24  }
0x1d: {  	s26 =	sadd.s32 $0x2800, s3;
	[dreg:$0x18] =	wrdreg s25  }
0x1e: {  	s15 =	sadd.s32 $0x2C00, s3;
	[dreg:$0x19] =	wrdreg s26  }
0x1f: {  	s16 =	sadd.s32 $0x2E00, s3;
	[dreg:$0x1b] =	wrdreg s15  }
0x20: {  	s18 =	sadd.s32 $0x3000, s3;
	[dreg:$0x1c] =	wrdreg s16  }
0x21: {  	s6 =	simm.s32 $0x1700;
	[dreg:$0x1d] =	wrdreg s18  }
0x22: {  	s17 =	sadd.s32 $0x3400, s4;
	s13 =	sadd.s32 $0x2A00, s3;
	[smem:$0x7E9] =	sst s6  }
0x23: {  	s19 =	sadd.s32 s17, s5;
	[dreg:$0x1a] =	wrdreg s13  }
0x24: {  	s20 =	sadd.s32 s17, s7;
	[dreg:$0x1e] =	wrdreg s19  }
0x25: {  	s21 =	sadd.s32 s17, s8;
	[dreg:$0x1f] =	wrdreg s20  }
0x26: {  	s22 =	sadd.s32 s17, s9;
	[smem:$0x7B5] =	sst s21  }
0x27: {  	s23 =	sadd.s32 s17, s10;
	[smem:$0x7B6] =	sst s22  }
0x28: {  	s24 =	sadd.s32 s17, s11;
	[smem:$0x7B7] =	sst s23  }
0x29: {  	s25 =	sadd.s32 s17, s12;
	[smem:$0x7B8] =	sst s24  }
0x2a: {  	s26 =	sadd.s32 s17, s14;
	[smem:$0x7B9] =	sst s25  }
0x2b: {  	s3 =	sadd.s32 $0x7800, s4;
	[smem:$0x7BA] =	sst s26  }
0x2c: {  	s7 =	sadd.s32 $0xAA00, s4;
	[smem:$0x7BB] =	sst s3  }
0x2d: {  	s8 =	sadd.s32 $0xDC00, s4;
	[smem:$0x7BC] =	sst s7  }
0x2e: {  	s9 =	sadd.s32 $0x10E00, s4;
	[smem:$0x7BD] =	sst s8  }
0x2f: {  	s10 =	sadd.s32 $0x14000, s4;
	[smem:$0x7BE] =	sst s9  }
0x30: {  	s11 =	sadd.s32 $0x17200, s4;
	[smem:$0x7BF] =	sst s10  }
0x31: {  	s12 =	sadd.s32 $0x1A400, s4;
	[smem:$0x7C0] =	sst s11  }
0x32: {  	s14 =	sadd.s32 $0x20800, s4;
	[smem:$0x7C1] =	sst s12  }
0x33: {  	s15 =	sadd.s32 $0x23A00, s4;
	[smem:$0x7C3] =	sst s14  }
0x34: {  	s16 =	sadd.s32 $0x26C00, s4;
	[smem:$0x7C4] =	sst s15  }
0x35: {  	s17 =	sadd.s32 $0x29E00, s4;
	[smem:$0x7C5] =	sst s16  }
0x36: {  	s18 =	sadd.s32 $0x2D000, s4;
	[smem:$0x7C6] =	sst s17  }
0x37: {  	s13 =	sadd.s32 $0x1D600, s4;
	[smem:$0x7C7] =	sst s18  }
0x38: {  	s19 =	sadd.s32 $0x30200, s4;
	[smem:$0x7C2] =	sst s13  }
0x39: {  	s20 =	sadd.s32 $0x33400, s4;
	[smem:$0x7C8] =	sst s19  }
0x3a: {  	s21 =	sadd.s32 $0x36600, s4;
	[smem:$0x7C9] =	sst s20  }
0x3b: {  	s22 =	sadd.s32 $0x39800, s4;
	[smem:$0x7CA] =	sst s21  }
0x3c: {  	s23 =	sadd.s32 $0x3CA00, s4;
	[smem:$0x7CB] =	sst s22  }
0x3d: {  	s24 =	sadd.s32 $0x3FC00, s4;
	[smem:$0x7CC] =	sst s23  }
0x3e: {  	s25 =	sadd.s32 $0x42E00, s4;
	[smem:$0x7CD] =	sst s24  }
0x3f: {  	s26 =	sadd.s32 $0x46000, s4;
	[smem:$0x7CE] =	sst s25  }
0x40: {  	s3 =	sadd.s32 $0x49200, s4;
	[smem:$0x7CF] =	sst s26  }
0x41: {  	s7 =	sadd.s32 $0x4C400, s4;
	[smem:$0x7D0] =	sst s3  }
0x42: {  	s8 =	sadd.s32 $0x4F600, s4;
	[smem:$0x7D1] =	sst s7  }
0x43: {  	s9 =	sadd.s32 $0x55A00, s4;
	[smem:$0x7D2] =	sst s8  }
0x44: {  	s10 =	sadd.s32 $0x58C00, s4;
	[smem:$0x7D3] =	sst s9  }
0x45: {  	s11 =	sadd.s32 $0x5BE00, s4;
	[smem:$0x7D4] =	sst s10  }
0x46: {  	s12 =	sadd.s32 $0x5F000, s4;
	[smem:$0x7D5] =	sst s11  }
0x47: {  	s14 =	sadd.s32 $0x65400, s4;
	[smem:$0x7D6] =	sst s12  }
0x48: {  	s15 =	simm.s32 $0x2180;
	[smem:$0x7D8] =	sst s14  }
0x49: {  	s16 =	simm.s32 $0x1080;
	[smem:$0x7DB] =	sst s15  }
0x4a: {  	s17 =	simm.s32 $0x1100;
	[smem:$0x7DC] =	sst s16  }
0x4b: {  	s18 =	simm.s32 $0x1180;
	[smem:$0x7DD] =	sst s17  }
0x4c: {  	s13 =	sadd.s32 $0x62200, s4;
	[smem:$0x7DE] =	sst s18  }
0x4d: {  	s4 =	sadd.s32 $0x68600, s4;
	[smem:$0x7D7] =	sst s13  }
0x4e: {  	s19 =	simm.s32 $0x1200;
	[smem:$0x7D9] =	sst s4  }
0x4f: {  	s20 =	simm.s32 $0x1280;
	[smem:$0x7DF] =	sst s19  }
0x50: {  	s21 =	simm.s32 $0x1300;
	[smem:$0x7E0] =	sst s20  }
0x51: {  	s22 =	simm.s32 $0x1380;
	[smem:$0x7E1] =	sst s21  }
0x52: {  	s23 =	simm.s32 $0x1400;
	[smem:$0x7E2] =	sst s22  }
0x53: {  	s24 =	simm.s32 $0x1480;
	[smem:$0x7E3] =	sst s23  }
0x54: {  	s25 =	simm.s32 $0x1500;
	[smem:$0x7E4] =	sst s24  }
0x55: {  	s26 =	simm.s32 $0x1580;
	[smem:$0x7E5] =	sst s25  }
0x56: {  	s3 =	simm.s32 $0x1600;
	[smem:$0x7E6] =	sst s26  }
0x57: {  	s7 =	simm.s32 $0x1780;
	[smem:$0x7E7] =	sst s3  }
0x58: {  	s8 =	simm.s32 $0x1800;
	[smem:$0x7EA] =	sst s7  }
0x59: {  	s9 =	simm.s32 $0x1880;
	[smem:$0x7EB] =	sst s8  }
0x5a: {  	s10 =	simm.s32 $0x1900;
	[smem:$0x7EC] =	sst s9  }
0x5b: {  	s11 =	simm.s32 $0x1980;
	[smem:$0x7ED] =	sst s10  }
0x5c: {  	s28 =	simm.s32 $0x580;
	s12 =	simm.s32 $0x1A00;
	[smem:$0x7EE] =	sst s11  }
0x5d: {  	s29 =	simm.s32 $0x600;
	s14 =	simm.s32 $0x1B00;
	[smem:$0x7EF] =	sst s12  }
0x5e: {  	s30 =	simm.s32 $0x680;
	s15 =	simm.s32 $0x1B80;
	[smem:$0x7F1] =	sst s14  }
0x5f: {  	s31 =	simm.s32 $0x700;
	s16 =	simm.s32 $0x1C00;
	[smem:$0x7F2] =	sst s15  }
0x60: {  	s0 =	ssub.s32 $0x2, s0;
	s17 =	simm.s32 $0x1C80;
	[smem:$0x7F3] =	sst s16  }
0x61: {  	s2 =	simm.s32 $0x800;
	s18 =	simm.s32 $0x1D00;
	[smem:$0x7F4] =	sst s17  }
0x62: {  	s5 =	sshrl.u32 s0, $0x1;
	s4 =	simm.s32 $0x1680;
	[smem:$0x7F5] =	sst s18  }
0x63: {  	s6 =	simm.s32 $0x80;
	s13 =	simm.s32 $0x1A80;
	[smem:$0x7E8] =	sst s4  }
0x64: {  	s0 =	ssub.s32 s0, s5;
	s19 =	simm.s32 $0x1D80;
	[smem:$0x7F0] =	sst s13  }
0x65: {  	s3 =	smax.u32 s0, $0x1;
	s20 =	simm.s32 $0x1E00;
	[smem:$0x7F6] =	sst s19  }
0x66: {  	s21 =	simm.s32 $0x1E80;
	s22 =	simm.s32 $0x1F00;
	[smem:$0x7F7] =	sst s20  }
0x67: {  	s23 =	simm.s32 $0x1F80;
	s24 =	simm.s32 $0x2000;
	[smem:$0x7F8] =	sst s21  }
0x68: {  	s25 =	simm.s32 $0x2080;
	s26 =	simm.s32 $0x2100;
	[smem:$0x7F9] =	sst s22  }
0x69: {  	s18 =	simm.s32 $0x100;
	s7 =	simm.s32 $0x880;
	[smem:$0x7FA] =	sst s23  }
0x6a: {  	s8 =	simm.s32 $0x900;
	s9 =	simm.s32 $0x980;
	[smem:$0x7FB] =	sst s24  }
0x6b: {  	s10 =	simm.s32 $0xA00;
	s11 =	simm.s32 $0xA80;
	[smem:$0x7FC] =	sst s25  }
0x6c: {  	s12 =	simm.s32 $0xB80;
	[smem:$0x7FD] =	sst s26;
	s19 =	simm.s32 $0x180  }
0x6d: {  	s20 =	simm.s32 $0x200;
	s21 =	simm.s32 $0x280;
	s22 =	simm.s32 $0x300  }
0x6e: {  	s23 =	simm.s32 $0x380;
	s24 =	simm.s32 $0x400;
	s25 =	simm.s32 $0x480  }
0x6f: {  	s26 =	simm.s32 $0x500;
	s4 =	simm.s32 $0xB00;
	s13 =	simm.s32 $0xC00  }
.LBB2_1:
0x70: {  	s15 =	sld [smem:$0x7DB];
	_ =	sdelay $0x1  }
0x71: {  	s14 =	rddreg [dreg:$0x5];
	s0 =	simm.s32 $0x3  }
0x72: {  	[tilespmem:s15], [sflag:$0x3] =	stream.linear.gather [hbm4b:s14+s1], $0x10, $0x38;
	[tilespmem:$0x2190] =	vst v63  }
0x73: {  	_ =	swait.ge [sflag:s0], $0x10  }
0x74: {  	s17 =	sld [smem:$0x7B4]  }
0x75: {  	[sflag:s0] =	ssyncset.done $0x0  }
0x76: {  	s16 =	rddreg [dreg:$0x6];
	[sflag:s0] =	ssyncadd.s32 $0xFFFFFFF0  }
0x77: {  	[tilespmem:s1], [sflag:$0x1] =	stream.linear.gather [hbm4b:s17+s1], $0x80, $0x38;
	[tilespmem:$0x2190] =	vst v63  }
0x78: {  	s5 =	rddreg [dreg:$0x7]  }
0x79: {  	[tilespmem:s6], [sflag:$0x1] =	stream.linear.gather [hbm4b:s16+s1], $0x80, $0x38;
	[tilespmem:$0x2190] =	vst v63  }
0x7a: {  	s0 =	rddreg [dreg:$0xa]  }
0x7b: {  	[tilespmem:s18], [sflag:$0x1] =	stream.linear.gather [hbm4b:s5+s1], $0x80, $0x38;
	[tilespmem:$0x2190] =	vst v63  }
0x7c: {  	s16 =	rddreg [dreg:$0x8]  }
0x7d: {  	[tilespmem:s19], [sflag:$0x1] =	stream.linear.gather [hbm4b:s16+s1], $0x80, $0x38;
	[tilespmem:$0x2190] =	vst v63  }
0x7e: {  	s17 =	rddreg [dreg:$0x9]  }
0x7f: {  	[tilespmem:s20], [sflag:$0x1] =	stream.linear.gather [hbm4b:s17+s1], $0x80, $0x38;
	[tilespmem:$0x2190] =	vst v63  }
0x80: {  	s5 =	rddreg [dreg:$0xb]  }
0x81: {  	[tilespmem:s21], [sflag:$0x1] =	stream.linear.gather [hbm4b:s0+s1], $0x80, $0x38;
	[tilespmem:$0x2190] =	vst v63  }
0x82: {  	s16 =	rddreg [dreg:$0xc]  }
0x83: {  	[tilespmem:s22], [sflag:$0x1] =	stream.linear.gather [hbm4b:s5+s1], $0x80, $0x38;
	[tilespmem:$0x2190] =	vst v63  }
0x84: {  	s17 =	rddreg [dreg:$0xd]  }
0x85: {  	[tilespmem:s23], [sflag:$0x1] =	stream.linear.gather [hbm4b:s16+s1], $0x80, $0x38;
	[tilespmem:$0x2190] =	vst v63  }
0x86: {  	s0 =	rddreg [dreg:$0xe]  }
0x87: {  	[tilespmem:s24], [sflag:$0x1] =	stream.linear.gather [hbm4b:s17+s1], $0x80, $0x38;
	[tilespmem:$0x2190] =	vst v63  }
0x88: {  	s5 =	rddreg [dreg:$0xf]  }
0x89: {  	[tilespmem:s25], [sflag:$0x1] =	stream.linear.gather [hbm4b:s0+s1], $0x80, $0x38;
	[tilespmem:$0x2190] =	vst v63  }
0x8a: {  	s16 =	rddreg [dreg:$0x10]  }
0x8b: {  	[tilespmem:s26], [sflag:$0x1] =	stream.linear.gather [hbm4b:s5+s1], $0x80, $0x38;
	[tilespmem:$0x2190] =	vst v63  }
0x8c: {  	s17 =	rddreg [dreg:$0x11]  }
0x8d: {  	[tilespmem:s28], [sflag:$0x1] =	stream.linear.gather [hbm4b:s16+s1], $0x80, $0x38;
	[tilespmem:$0x2190] =	vst v63  }
0x8e: {  	s0 =	rddreg [dreg:$0x12]  }
0x8f: {  	[tilespmem:s29], [sflag:$0x1] =	stream.linear.gather [hbm4b:s17+s1], $0x80, $0x38;
	[tilespmem:$0x2190] =	vst v63  }
0x90: {  	s5 =	rddreg [dreg:$0x13]  }
0x91: {  	[tilespmem:s30], [sflag:$0x1] =	stream.linear.gather [hbm4b:s0+s1], $0x80, $0x38;
	[tilespmem:$0x2190] =	vst v63  }
0x92: {  	s16 =	rddreg [dreg:$0x14]  }
0x93: {  	[tilespmem:s31], [sflag:$0x1] =	stream.linear.gather [hbm4b:s5+s1], $0x80, $0x38;
	[tilespmem:$0x2190] =	vst v63  }
0x94: {  	s17 =	rddreg [dreg:$0x15];
	s0 =	simm.s32 $0x780  }
0x95: {  	[tilespmem:s0], [sflag:$0x1] =	stream.linear.gather [hbm4b:s16+s1], $0x80, $0x38;
	[tilespmem:$0x2190] =	vst v63  }
0x96: {  	s5 =	rddreg [dreg:$0x16]  }
0x97: {  	[tilespmem:s2], [sflag:$0x1] =	stream.linear.gather [hbm4b:s17+s1], $0x80, $0x38;
	[tilespmem:$0x2190] =	vst v63  }
0x98: {  	s16 =	rddreg [dreg:$0x17]  }
0x99: {  	[tilespmem:s7], [sflag:$0x1] =	stream.linear.gather [hbm4b:s5+s1], $0x80, $0x38;
	[tilespmem:$0x2190] =	vst v63  }
0x9a: {  	s17 =	rddreg [dreg:$0x18]  }
0x9b: {  	[tilespmem:s8], [sflag:$0x1] =	stream.linear.gather [hbm4b:s16+s1], $0x80, $0x38;
	[tilespmem:$0x2190] =	vst v63  }
0x9c: {  	s5 =	rddreg [dreg:$0x19]  }
0x9d: {  	[tilespmem:s9], [sflag:$0x1] =	stream.linear.gather [hbm4b:s17+s1], $0x80, $0x38;
	[tilespmem:$0x2190] =	vst v63  }
0x9e: {  	s16 =	rddreg [dreg:$0x1a]  }
0x9f: {  	[tilespmem:s10], [sflag:$0x1] =	stream.linear.gather [hbm4b:s5+s1], $0x80, $0x38;
	[tilespmem:$0x2190] =	vst v63  }
0xa0: {  	s17 =	rddreg [dreg:$0x1b]  }
0xa1: {  	[tilespmem:s11], [sflag:$0x1] =	stream.linear.gather [hbm4b:s16+s1], $0x80, $0x38;
	[tilespmem:$0x2190] =	vst v63  }
0xa2: {  	s5 =	rddreg [dreg:$0x1c]  }
0xa3: {  	[tilespmem:s4], [sflag:$0x1] =	stream.linear.gather [hbm4b:s17+s1], $0x80, $0x38;
	[tilespmem:$0x2190] =	vst v63  }
0xa4: {  	s16 =	rddreg [dreg:$0x1d]  }
0xa5: {  	[tilespmem:s12], [sflag:$0x1] =	stream.linear.gather [hbm4b:s5+s1], $0x80, $0x38;
	[tilespmem:$0x2190] =	vst v63  }
0xa6: {  	s17 =	rddreg [dreg:$0x1e]  }
0xa7: {  	[tilespmem:s13], [sflag:$0x1] =	stream.linear.gather [hbm4b:s16+s1], $0x80, $0x38;
	[tilespmem:$0x2190] =	vst v63  }
0xa8: {  	s5 =	simm.s32 $0xC80;
	s16 =	rddreg [dreg:$0x1f]  }
0xa9: {  	[tilespmem:s5], [sflag:$0x1] =	stream.linear.gather [hbm4b:s17+s1], $0x80, $0x38;
	[tilespmem:$0x2190] =	vst v63  }
0xaa: {  	s17 =	sld [smem:$0x7B5];
	s5 =	simm.s32 $0xD00  }
0xab: {  	[tilespmem:s5], [sflag:$0x1] =	stream.linear.gather [hbm4b:s16+s1], $0x80, $0x38;
	[tilespmem:$0x2190] =	vst v63  }
0xac: {  	s15 =	sld [smem:$0x7B6];
	s16 =	simm.s32 $0xD80  }
0xad: {  	[tilespmem:s16], [sflag:$0x1] =	stream.linear.gather [hbm4b:s17+s1], $0x80, $0x38;
	[tilespmem:$0x2190] =	vst v63  }
0xae: {  	s14 =	sld [smem:$0x7B7];
	s17 =	simm.s32 $0xE00  }
0xaf: {  	[tilespmem:s17], [sflag:$0x1] =	stream.linear.gather [hbm4b:s15+s1], $0x80, $0x38;
	[tilespmem:$0x2190] =	vst v63  }
0xb0: {  	s15 =	sld [smem:$0x7B8];
	s17 =	simm.s32 $0xE80  }
0xb1: {  	[tilespmem:s17], [sflag:$0x1] =	stream.linear.gather [hbm4b:s14+s1], $0x80, $0x38;
	[tilespmem:$0x2190] =	vst v63  }
0xb2: {  	s14 =	sld [smem:$0x7B9];
	s17 =	simm.s32 $0xF00  }
0xb3: {  	[tilespmem:s17], [sflag:$0x1] =	stream.linear.gather [hbm4b:s15+s1], $0x80, $0x38;
	[tilespmem:$0x2190] =	vst v63  }
0xb4: {  	s15 =	sld [smem:$0x7BA];
	s17 =	simm.s32 $0xF80  }
0xb5: {  	[tilespmem:s17], [sflag:$0x1] =	stream.linear.gather [hbm4b:s14+s1], $0x80, $0x38;
	[tilespmem:$0x2190] =	vst v63  }
0xb6: {  	s17 =	simm.s32 $0x1000;
	s14 =	simm.s32 $0x1  }
0xb7: {  	[tilespmem:s17], [sflag:$0x1] =	stream.linear.gather [hbm4b:s15+s1], $0x80, $0x38;
	[tilespmem:$0x2190] =	vst v63  }
0xb8: {  	_ =	swait.ge [sflag:s14], $0x1080  }
0xb9: {  	s17 =	sld [smem:$0x7DC]  }
0xba: {  	s15 =	rddreg [dreg:$0x3];
	[sflag:s14] =	ssyncset.done $0x0  }
0xbb: {  	[sflag:s14] =	ssyncadd.s32 $0xFFFFEF80;
	s14 =	sld [smem:$0x7BB]  }
0xbc: {  	[tilespmem:s17], [sflag:$0x2] =	stream.indirect.gather [hbm4b:s15+s6], $0x1, s1, s6, $0xb8;
	[tilespmem:$0x2190] =	vst v63  }
0xbd: {  	s15 =	sld [smem:$0x7DD]  }
0xbe: {  	s16 =	sld [smem:$0x7BC]  }
0xbf: {  	s17 =	sld [smem:$0x7DE]  }
0xc0: {  	[tilespmem:s15], [sflag:$0x2] =	stream.indirect.gather [hbm4b:s14+s6], $0x1, s6, s6, $0xb8;
	[tilespmem:$0x2190] =	vst v63  }
0xc1: {  	s14 =	sld [smem:$0x7BD]  }
0xc2: {  	s15 =	sld [smem:$0x7DF]  }
0xc3: {  	[tilespmem:s17], [sflag:$0x2] =	stream.indirect.gather [hbm4b:s16+s6], $0x1, s18, s6, $0xb8;
	[tilespmem:$0x2190] =	vst v63  }
0xc4: {  	s16 =	sld [smem:$0x7BE]  }
0xc5: {  	s17 =	sld [smem:$0x7E0]  }
0xc6: {  	[tilespmem:s15], [sflag:$0x2] =	stream.indirect.gather [hbm4b:s14+s6], $0x1, s19, s6, $0xb8;
	[tilespmem:$0x2190] =	vst v63  }
0xc7: {  	s14 =	sld [smem:$0x7BF]  }
0xc8: {  	s15 =	sld [smem:$0x7E1]  }
0xc9: {  	[tilespmem:s17], [sflag:$0x2] =	stream.indirect.gather [hbm4b:s16+s6], $0x1, s20, s6, $0xb8;
	[tilespmem:$0x2190] =	vst v63  }
0xca: {  	s16 =	sld [smem:$0x7C0]  }
0xcb: {  	[tilespmem:s15], [sflag:$0x2] =	stream.indirect.gather [hbm4b:s14+s6], $0x1, s21, s6, $0xb8;
	[tilespmem:$0x2190] =	vst v63  }
0xcc: {  	s17 =	sld [smem:$0x7E2]  }
0xcd: {  	s14 =	sld [smem:$0x7C1]  }
0xce: {  	s15 =	sld [smem:$0x7E3]  }
0xcf: {  	[tilespmem:s17], [sflag:$0x2] =	stream.indirect.gather [hbm4b:s16+s6], $0x1, s22, s6, $0xb8;
	[tilespmem:$0x2190] =	vst v63  }
0xd0: {  	s16 =	sld [smem:$0x7C2]  }
0xd1: {  	s17 =	sld [smem:$0x7E4]  }
0xd2: {  	[tilespmem:s15], [sflag:$0x2] =	stream.indirect.gather [hbm4b:s14+s6], $0x1, s23, s6, $0xb8;
	[tilespmem:$0x2190] =	vst v63  }
0xd3: {  	s14 =	sld [smem:$0x7C3]  }
0xd4: {  	s15 =	sld [smem:$0x7E5]  }
0xd5: {  	[tilespmem:s17], [sflag:$0x2] =	stream.indirect.gather [hbm4b:s16+s6], $0x1, s24, s6, $0xb8;
	[tilespmem:$0x2190] =	vst v63  }
0xd6: {  	s16 =	sld [smem:$0x7C4]  }
0xd7: {  	s17 =	sld [smem:$0x7E6]  }
0xd8: {  	[tilespmem:s15], [sflag:$0x2] =	stream.indirect.gather [hbm4b:s14+s6], $0x1, s25, s6, $0xb8;
	[tilespmem:$0x2190] =	vst v63  }
0xd9: {  	s14 =	sld [smem:$0x7C5]  }
0xda: {  	s15 =	sld [smem:$0x7E7]  }
0xdb: {  	[tilespmem:s17], [sflag:$0x2] =	stream.indirect.gather [hbm4b:s16+s6], $0x1, s26, s6, $0xb8;
	[tilespmem:$0x2190] =	vst v63  }
0xdc: {  	s16 =	sld [smem:$0x7C6]  }
0xdd: {  	s17 =	sld [smem:$0x7E8]  }
0xde: {  	[tilespmem:s15], [sflag:$0x2] =	stream.indirect.gather [hbm4b:s14+s6], $0x1, s28, s6, $0xb8;
	[tilespmem:$0x2190] =	vst v63  }
0xdf: {  	s14 =	sld [smem:$0x7C7]  }
0xe0: {  	s15 =	sld [smem:$0x7E9]  }
0xe1: {  	[tilespmem:s17], [sflag:$0x2] =	stream.indirect.gather [hbm4b:s16+s6], $0x1, s29, s6, $0xb8;
	[tilespmem:$0x2190] =	vst v63  }
0xe2: {  	s16 =	sld [smem:$0x7C8]  }
0xe3: {  	s17 =	sld [smem:$0x7EA]  }
0xe4: {  	[tilespmem:s15], [sflag:$0x2] =	stream.indirect.gather [hbm4b:s14+s6], $0x1, s30, s6, $0xb8;
	[tilespmem:$0x2190] =	vst v63  }
0xe5: {  	s14 =	sld [smem:$0x7C9]  }
0xe6: {  	s15 =	sld [smem:$0x7EB]  }
0xe7: {  	[tilespmem:s17], [sflag:$0x2] =	stream.indirect.gather [hbm4b:s16+s6], $0x1, s31, s6, $0xb8;
	[tilespmem:$0x2190] =	vst v63  }
0xe8: {  	s16 =	sld [smem:$0x7CA]  }
0xe9: {  	s17 =	sld [smem:$0x7EC]  }
0xea: {  	[tilespmem:s15], [sflag:$0x2] =	stream.indirect.gather [hbm4b:s14+s6], $0x1, s0, s6, $0xb8;
	[tilespmem:$0x2190] =	vst v63  }
0xeb: {  	s15 =	sld [smem:$0x7CB]  }
0xec: {  	s0 =	sld [smem:$0x7EE]  }
0xed: {  	[tilespmem:s17], [sflag:$0x2] =	stream.indirect.gather [hbm4b:s16+s6], $0x1, s2, s6, $0xb8;
	[tilespmem:$0x2190] =	vst v63  }
0xee: {  	s16 =	sld [smem:$0x7ED]  }
0xef: {  	s14 =	rddreg [dreg:$0x4]  }
0xf0: {  	s17 =	sld [smem:$0x7CC]  }
0xf1: {  	[tilespmem:s16], [sflag:$0x2] =	stream.indirect.gather [hbm4b:s15+s6], $0x1, s7, s6, $0xb8;
	[tilespmem:$0x2190] =	vst v63  }
0xf2: {  	s15 =	sld [smem:$0x7CD]  }
0xf3: {  	s16 =	sld [smem:$0x7EF]  }
0xf4: {  	[tilespmem:s0], [sflag:$0x2] =	stream.indirect.gather [hbm4b:s17+s6], $0x1, s8, s6, $0xb8;
	[tilespmem:$0x2190] =	vst v63  }
0xf5: {  	s17 =	sld [smem:$0x7CE]  }
0xf6: {  	s0 =	sld [smem:$0x7F0]  }
0xf7: {  	[tilespmem:s16], [sflag:$0x2] =	stream.indirect.gather [hbm4b:s15+s6], $0x1, s9, s6, $0xb8;
	[tilespmem:$0x2190] =	vst v63  }
0xf8: {  	s15 =	sld [smem:$0x7CF]  }
0xf9: {  	s16 =	sld [smem:$0x7F1]  }
0xfa: {  	[tilespmem:s0], [sflag:$0x2] =	stream.indirect.gather [hbm4b:s17+s6], $0x1, s10, s6, $0xb8;
	[tilespmem:$0x2190] =	vst v63  }
0xfb: {  	s17 =	sld [smem:$0x7D0]  }
0xfc: {  	s0 =	sld [smem:$0x7F2]  }
0xfd: {  	[tilespmem:s16], [sflag:$0x2] =	stream.indirect.gather [hbm4b:s15+s6], $0x1, s11, s6, $0xb8;
	[tilespmem:$0x2190] =	vst v63  }
0xfe: {  	s15 =	sld [smem:$0x7D1]  }
0xff: {  	s16 =	sld [smem:$0x7F3]  }
0x100: {  	[tilespmem:s0], [sflag:$0x2] =	stream.indirect.gather [hbm4b:s17+s6], $0x1, s4, s6, $0xb8;
	[tilespmem:$0x2190] =	vst v63  }
0x101: {  	s17 =	sld [smem:$0x7D2]  }
0x102: {  	s0 =	sld [smem:$0x7F4]  }
0x103: {  	[tilespmem:s16], [sflag:$0x2] =	stream.indirect.gather [hbm4b:s15+s6], $0x1, s12, s6, $0xb8;
	[tilespmem:$0x2190] =	vst v63  }
0x104: {  	s15 =	sld [smem:$0x7F5]  }
0x105: {  	s16 =	sld [smem:$0x7D3]  }
0x106: {  	[tilespmem:s0], [sflag:$0x2] =	stream.indirect.gather [hbm4b:s17+s6], $0x1, s13, s6, $0xb8;
	[tilespmem:$0x2190] =	vst v63  }
0x107: {  	s17 =	sld [smem:$0x7F6];
	s0 =	simm.s32 $0xC80  }
0x108: {  	[tilespmem:s15], [sflag:$0x2] =	stream.indirect.gather [hbm4b:s14+s6], $0x1, s0, s6, $0xb8;
	[tilespmem:$0x2190] =	vst v63  }
0x109: {  	s15 =	sld [smem:$0x7D4]  }
0x10a: {  	s0 =	sld [smem:$0x7F7]  }
0x10b: {  	[tilespmem:s17], [sflag:$0x2] =	stream.indirect.gather [hbm4b:s16+s6], $0x1, s5, s6, $0xb8;
	[tilespmem:$0x2190] =	vst v63  }
0x10c: {  	s16 =	sld [smem:$0x7D5]  }
0x10d: {  	s17 =	sld [smem:$0x7F8];
	s5 =	simm.s32 $0xD80  }
0x10e: {  	[tilespmem:s0], [sflag:$0x2] =	stream.indirect.gather [hbm4b:s15+s6], $0x1, s5, s6, $0xb8;
	[tilespmem:$0x2190] =	vst v63  }
0x10f: {  	s15 =	sld [smem:$0x7D6]  }
0x110: {  	s14 =	simm.s32 $0xE00;
	s0 =	sld [smem:$0x7F9]  }
0x111: {  	[tilespmem:s17], [sflag:$0x2] =	stream.indirect.gather [hbm4b:s16+s6], $0x1, s14, s6, $0xb8;
	[tilespmem:$0x2190] =	vst v63  }
0x112: {  	s16 =	sld [smem:$0x7D7]  }
0x113: {  	s5 =	simm.s32 $0xE80;
	s17 =	sld [smem:$0x7FA]  }
0x114: {  	[tilespmem:s0], [sflag:$0x2] =	stream.indirect.gather [hbm4b:s15+s6], $0x1, s5, s6, $0xb8;
	[tilespmem:$0x2190] =	vst v63  }
0x115: {  	s15 =	sld [smem:$0x7D8]  }
0x116: {  	s14 =	simm.s32 $0xF00;
	s0 =	sld [smem:$0x7FB]  }
0x117: {  	[tilespmem:s17], [sflag:$0x2] =	stream.indirect.gather [hbm4b:s16+s6], $0x1, s14, s6, $0xb8;
	[tilespmem:$0x2190] =	vst v63  }
0x118: {  	s16 =	sld [smem:$0x7D9]  }
0x119: {  	s5 =	simm.s32 $0xF80;
	s17 =	sld [smem:$0x7FC]  }
0x11a: {  	[tilespmem:s0], [sflag:$0x2] =	stream.indirect.gather [hbm4b:s15+s6], $0x1, s5, s6, $0xb8;
	[tilespmem:$0x2190] =	vst v63  }
0x11b: {  	s15 =	simm.s32 $0x1000  }
0x11c: {  	[tilespmem:s17], [sflag:$0x2] =	stream.indirect.gather [hbm4b:s16+s6], $0x1, s15, s6, $0xb8;
	[tilespmem:$0x2190] =	vst v63  }
0x11d: {  	s17 =	simm.s32 $0x2  }
0x11e: {  	_ =	swait.ge [sflag:s17], $0x1080  }
0x11f: {  	[sflag:s17] =	ssyncset.done $0x0  }
0x120: {  	[sflag:s17] =	ssyncadd.s32 $0xFFFFEF80  }
0x121: {  	v19 =	vld [tilespmem:$0x2180]  }
0x122: {  	v9 =	vld [tilespmem:$0x1080]  }
0x123: {  	v8 =	vld [tilespmem:$0x1100]  }
0x124: {  	v1 =	vld [tilespmem:$0x1180]  }
0x125: {  	v0 =	vld [tilespmem:$0x1200]  }
0x126: {  	v27 =	vld [tilespmem:$0x1280]  }
0x127: {  	v29 =	vld [tilespmem:$0x1300]  }
0x128: {  	v33 =	vld [tilespmem:$0x1380]  }
0x129: {  	v37 =	vld [tilespmem:$0x1400]  }
0x12a: {  	v61 =	vld [tilespmem:$0x1480]  }
0x12b: {  	v58 =	vld [tilespmem:$0x1500]  }
0x12c: {  	v48 =	vld [tilespmem:$0x1580]  }
0x12d: {  	v32 =	vld [tilespmem:$0x1600]  }
0x12e: {  	v34 =	vld [tilespmem:$0x1680]  }
0x12f: {  	v40 =	vld [tilespmem:$0x1700]  }
0x130: {  	v43 =	vld [tilespmem:$0x1780]  }
0x131: {  	v47 =	vld [tilespmem:$0x1800]  }
0x132: {  	v49 =	vld [tilespmem:$0x1880]  }
0x133: {  	v53 =	vld [tilespmem:$0x1900]  }
0x134: {  	v59 =	vld [tilespmem:$0x1980]  }
0x135: {  	v63 =	vld [tilespmem:$0x1A00]  }
0x136: {  	v2 =	vld [tilespmem:$0x1A80]  }
0x137: {  	v38 =	vld [tilespmem:$0x1B00]  }
0x138: {  	v39 =	vld [tilespmem:$0x1B80]  }
0x139: {  	v41 =	vld [tilespmem:$0x1C00]  }
0x13a: {  	v42 =	vld [tilespmem:$0x1C80]  }
0x13b: {  	v44 =	vld [tilespmem:$0x1D00]  }
0x13c: {  	v45 =	vld [tilespmem:$0x1D80]  }
0x13d: {  	v46 =	vld [tilespmem:$0x1E00]  }
0x13e: {  	v50 =	vld [tilespmem:$0x1E80]  }
0x13f: {  	v51 =	vld [tilespmem:$0x1F00]  }
0x140: {  	v52 =	vld [tilespmem:$0x1F80]  }
0x141: {  	v54 =	vld [tilespmem:$0x2000]  }
0x142: {  	v55 =	vld [tilespmem:$0x2080]  }
0x143: {  	v12 =	vld [tilespmem:$0x1290]  }
0x144: {  	v15 =	vld [tilespmem:$0x1310]  }
0x145: {  	v18 =	vld [tilespmem:$0x1390]  }
0x146: {  	v21 =	vld [tilespmem:$0x1410]  }
0x147: {  	v23 =	vld [tilespmem:$0x1490]  }
0x148: {  	v26 =	vld [tilespmem:$0x1510]  }
0x149: {  	v30 =	vld [tilespmem:$0x1590]  }
0x14a: {  	v35 =	vld [tilespmem:$0x1610]  }
0x14b: {  	v36 =	vld [tilespmem:$0x1690]  }
0x14c: {  	v57 =	vld [tilespmem:$0x1890]  }
0x14d: {  	v60 =	vld [tilespmem:$0x1910]  }
0x14e: {  	v56 =	vld [tilespmem:$0x1990]  }
0x14f: {  	v62 =	vld [tilespmem:$0x1A10]  }
0x150: {  	v4 =	vld [tilespmem:$0x1A90]  }
0x151: {  	v5 =	vld [tilespmem:$0x1B10]  }
0x152: {  	v6 =	vld [tilespmem:$0x1B90]  }
0x153: {  	v7 =	vld [tilespmem:$0x1C10]  }
0x154: {  	v10 =	vld [tilespmem:$0x1C90]  }
0x155: {  	v11 =	vld [tilespmem:$0x1D10]  }
0x156: {  	v13 =	vld [tilespmem:$0x1D90]  }
0x157: {  	v14 =	vld [tilespmem:$0x1E10]  }
0x158: {  	v16 =	vld [tilespmem:$0x1E90]  }
0x159: {  	v17 =	vld [tilespmem:$0x1F10]  }
0x15a: {  	v20 =	vld [tilespmem:$0x1F90]  }
0x15b: {  	v22 =	vld [tilespmem:$0x2010]  }
0x15c: {  	v24 =	vld [tilespmem:$0x2090]  }
0x15d: {  	v28 =	vld [tilespmem:$0x14A0]  }
0x15e: {  	v31 =	vld [tilespmem:$0x1520]  }
0x15f: {  	v25 =	vld [tilespmem:$0x1820]  }
0x160: {  	v3 =	vld [tilespmem:$0x10B0]  }
0x161: {  	[tilespmem:$0x1FDA0] =	vst v52;
	v52 =	vld [tilespmem:$0x1090]  }
0x162: {  	[tilespmem:$0x1FE00] =	vst v55;
	v55 =	vld [tilespmem:$0x1110]  }
0x163: {  	[tilespmem:$0x1FD00] =	vst v44;
	v44 =	vld [tilespmem:$0x1190]  }
0x164: {  	[tilespmem:$0x1FCF0] =	vst v42;
	v42 =	vld [tilespmem:$0x1210]  }
0x165: {  	[tilespmem:$0x1FCE0] =	vst v41;
	v41 =	vld [tilespmem:$0x1710]  }
0x166: {  	[tilespmem:$0x1FD40] =	vst v46;
	v46 =	vld [tilespmem:$0x1790]  }
0x167: {  	[tilespmem:$0x1FD80] =	vst v51;
	v51 =	vld [tilespmem:$0x1810]  }
0x168: {  	[tilespmem:$0x1FD70] =	vst v5;
	v5 =	vld [tilespmem:$0x10A0]  }
0x169: {  	[tilespmem:$0x1FD50] =	vst v4;
	v4 =	vld [tilespmem:$0x1120]  }
0x16a: {  	[tilespmem:$0x1FD90] =	vst v6;
	v6 =	vld [tilespmem:$0x11A0]  }
0x16b: {  	[tilespmem:$0x1FDF0] =	vst v10;
	v10 =	vld [tilespmem:$0x1220]  }
0x16c: {  	[tilespmem:$0x1FE40] =	vst v13;
	v13 =	vld [tilespmem:$0x12A0]  }
0x16d: {  	[tilespmem:$0x1FE80] =	vst v16;
	v16 =	vld [tilespmem:$0x1320]  }
0x16e: {  	[tilespmem:$0x1FEC0] =	vst v20;
	v20 =	vld [tilespmem:$0x13A0]  }
0x16f: {  	[tilespmem:$0x1FF00] =	vst v24;
	v24 =	vld [tilespmem:$0x1420]  }
0x170: {  	[tilespmem:$0x1FCD0] =	vst v39;
	v39 =	vld [tilespmem:$0x15A0]  }
0x171: {  	[tilespmem:$0x1FD20] =	vst v45;
	v45 =	vld [tilespmem:$0x1620]  }
0x172: {  	[tilespmem:$0x1FD60] =	vst v50;
	v50 =	vld [tilespmem:$0x16A0]  }
0x173: {  	[tilespmem:$0x1FD10] =	vst v56;
	v56 =	vld [tilespmem:$0x1720]  }
0x174: {  	[tilespmem:$0x1FD30] =	vst v62;
	v62 =	vld [tilespmem:$0x17A0]  }
0x175: {  	[tilespmem:$0x1FCC0] =	vst v38;
	v38 =	vld [tilespmem:$0x18A0]  }
0x176: {  	[tilespmem:$0x1FDD0] =	vst v54;
	v54 =	vld [tilespmem:$0x1920]  }
0x177: {  	[tilespmem:$0x1FDC0] =	vst v7;
	v7 =	vld [tilespmem:$0x19A0]  }
0x178: {  	[tilespmem:$0x1FE20] =	vst v11;
	v11 =	vld [tilespmem:$0x1A20]  }
0x179: {  	[tilespmem:$0x1FE60] =	vst v14;
	v14 =	vld [tilespmem:$0x1AA0]  }
0x17a: {  	[tilespmem:$0x1FEA0] =	vst v17;
	v17 =	vld [tilespmem:$0x1B20]  }
0x17b: {  	[tilespmem:$0x1FEE0] =	vst v22;
	v22 =	vld [tilespmem:$0x1BA0]  }
0x17c: {  	[tilespmem:$0x1FDB0] =	vst v25;
	v25 =	vld [tilespmem:$0x1C20]  }
0x17d: {  	[tilespmem:$0x1FCB0] =	vst v2;
	v2 =	vld [tilespmem:$0x1130]  }
0x17e: {  	v8 =	vadd.f32 v8, v9;
	v9 =	vld [tilespmem:$0x11B0]  }
0x17f: {  	[tilespmem:$0x1FDE0] =	vst v38;
	v38 =	vld [tilespmem:$0x1CA0]  }
0x180: {  	[tilespmem:$0x1FE10] =	vst v54;
	v54 =	vld [tilespmem:$0x1D20]  }
0x181: {  	[tilespmem:$0x1FE30] =	vst v7;
	v7 =	vld [tilespmem:$0x1DA0]  }
0x182: {  	[tilespmem:$0x1FE50] =	vst v11;
	v11 =	vld [tilespmem:$0x1E20]  }
0x183: {  	[tilespmem:$0x1FE70] =	vst v14;
	v14 =	vld [tilespmem:$0x1EA0]  }
0x184: {  	v8 =	vadd.f32 v1, v8;
	[tilespmem:$0x1FE90] =	vst v17;
	v17 =	vld [tilespmem:$0x1F20]  }
0x185: {  	[tilespmem:$0x1FEB0] =	vst v22;
	v22 =	vld [tilespmem:$0x1FA0]  }
0x186: {  	v8 =	vadd.f32 v0, v8;
	[tilespmem:$0x1FED0] =	vst v25;
	v25 =	vld [tilespmem:$0x2020]  }
0x187: {  	v55 =	vadd.f32 v55, v52;
	v52 =	vld [tilespmem:$0x1930]  }
0x188: {  	v8 =	vadd.f32 v27, v8;
	v27 =	vld [tilespmem:$0x1530]  }
0x189: {  	v4 =	vadd.f32 v4, v5;
	v1 =	vadd.f32 v44, v55;
	v55 =	vld [tilespmem:$0x1A30]  }
0x18a: {  	v44 =	vld [tilespmem:$0x1AB0]  }
0x18b: {  	v4 =	vadd.f32 v6, v4;
	v6 =	vld [tilespmem:$0x1140]  }
0x18c: {  	v8 =	vadd.f32 v29, v8;
	v29 =	vld [tilespmem:$0x15B0]  }
0x18d: {  	v1 =	vadd.f32 v42, v1;
	v42 =	vld [tilespmem:$0x1BB0]  }
0x18e: {  	v4 =	vadd.f32 v10, v4;
	v10 =	vld [tilespmem:$0x1240]  }
0x18f: {  	[tilespmem:$0x1FEF0] =	vst v38;
	v38 =	vld [tilespmem:$0x20A0]  }
0x190: {  	[tilespmem:$0x1FF20] =	vst v7;
	v7 =	vld [tilespmem:$0x1230]  }
0x191: {  	[tilespmem:$0x1FF30] =	vst v11;
	v11 =	vld [tilespmem:$0x12B0]  }
0x192: {  	[tilespmem:$0x1FF40] =	vst v14;
	v14 =	vld [tilespmem:$0x1330]  }
0x193: {  	[tilespmem:$0x1FF50] =	vst v17;
	v17 =	vld [tilespmem:$0x13B0]  }
0x194: {  	[tilespmem:$0x1FF70] =	vst v22;
	v22 =	vld [tilespmem:$0x1430]  }
0x195: {  	[tilespmem:$0x1FF90] =	vst v25;
	v25 =	vld [tilespmem:$0x14B0]  }
0x196: {  	[tilespmem:$0x1FF10] =	vst v54;
	v54 =	vadd.f32 v33, v8;
	v8 =	vld [tilespmem:$0x16B0]  }
0x197: {  	v33 =	vld [tilespmem:$0x1730]  }
0x198: {  	v1 =	vadd.f32 v12, v1;
	v12 =	vld [tilespmem:$0x1D30]  }
0x199: {  	v4 =	vadd.f32 v13, v4;
	v13 =	vld [tilespmem:$0x1340]  }
0x19a: {  	v0 =	vadd.f32 v37, v54;
	v37 =	vld [tilespmem:$0x17B0]  }
0x19b: {  	v54 =	vld [tilespmem:$0x1830]  }
0x19c: {  	v4 =	vadd.f32 v16, v4;
	v16 =	vld [tilespmem:$0x1440]  }
0x19d: {  	v1 =	vadd.f32 v15, v1;
	v15 =	vld [tilespmem:$0x1FCC0]  }
0x19e: {  	v0 =	vadd.f32 v61, v0;
	v61 =	vld [tilespmem:$0x18B0]  }
0x19f: {  	[tilespmem:$0x1FFB0] =	vst v38;
	v38 =	vld [tilespmem:$0x1630]  }
0x1a0: {  	v1 =	vadd.f32 v18, v1;
	v18 =	vld [tilespmem:$0x1EB0]  }
0x1a1: {  	v2 =	vadd.f32 v2, v3;
	v0 =	vadd.f32 v58, v0;
	v58 =	vld [tilespmem:$0x19B0]  }
0x1a2: {  	v4 =	vadd.f32 v20, v4;
	[tilespmem:$0x1FF60] =	vst v12;
	v12 =	vld [tilespmem:$0x1FCB0]  }
0x1a3: {  	v1 =	vadd.f32 v21, v1;
	v21 =	vadd.f32 v9, v2;
	v9 =	vld [tilespmem:$0x16C0]  }
0x1a4: {  	v2 =	vld [tilespmem:$0x1740]  }
0x1a5: {  	v20 =	vadd.f32 v24, v4;
	v0 =	vadd.f32 v48, v0;
	v48 =	vld [tilespmem:$0x1B30]  }
0x1a6: {  	v1 =	vadd.f32 v23, v1;
	v23 =	vld [tilespmem:$0x1FCE0]  }
0x1a7: {  	v3 =	vadd.f32 v28, v20;
	v28 =	vld [tilespmem:$0x1FCF0]  }
0x1a8: {  	v20 =	vld [tilespmem:$0x1B40]  }
0x1a9: {  	v0 =	vadd.f32 v32, v0;
	v32 =	vld [tilespmem:$0x1C30]  }
0x1aa: {  	[tilespmem:$0x1FFC0] =	vst v18;
	v18 =	vld [tilespmem:$0x1FCD0]  }
0x1ab: {  	v1 =	vadd.f32 v26, v1;
	v26 =	vld [tilespmem:$0x10C0]  }
0x1ac: {  	v31 =	vadd.f32 v31, v3;
	v3 =	vld [tilespmem:$0x1840]  }
0x1ad: {  	v0 =	vadd.f32 v34, v0;
	v34 =	vld [tilespmem:$0x1CB0]  }
0x1ae: {  	v1 =	vadd.f32 v30, v1;
	v30 =	vld [tilespmem:$0x11C0]  }
0x1af: {  	v39 =	vadd.f32 v39, v31;
	v31 =	vld [tilespmem:$0x1FD80]  }
0x1b0: {  	v4 =	vadd.f32 v7, v21;
	v0 =	vadd.f32 v40, v0;
	v40 =	vld [tilespmem:$0x1DB0]  }
0x1b1: {  	v1 =	vadd.f32 v35, v1;
	v35 =	vld [tilespmem:$0x12C0]  }
0x1b2: {  	v4 =	vadd.f32 v11, v4;
	v11 =	vadd.f32 v45, v39;
	v39 =	vld [tilespmem:$0x1FDA0]  }
0x1b3: {  	v45 =	vld [tilespmem:$0x1FDB0]  }
0x1b4: {  	v0 =	vadd.f32 v43, v0;
	v43 =	vld [tilespmem:$0x1FB0]  }
0x1b5: {  	v6 =	vadd.f32 v6, v26;
	v26 =	vld [tilespmem:$0x10D0]  }
0x1b6: {  	v1 =	vadd.f32 v36, v1;
	v36 =	vld [tilespmem:$0x1FD00]  }
0x1b7: {  	v11 =	vadd.f32 v50, v11;
	v50 =	vld [tilespmem:$0x1FDC0]  }
0x1b8: {  	v0 =	vadd.f32 v47, v0;
	v47 =	vld [tilespmem:$0x2030]  }
0x1b9: {  	v6 =	vadd.f32 v30, v6;
	v30 =	vld [tilespmem:$0x1350]  }
0x1ba: {  	[tilespmem:$0x1FF80] =	vst v40;
	v40 =	vld [tilespmem:$0x1E30]  }
0x1bb: {  	v1 =	vadd.f32 v41, v1;
	v41 =	vld [tilespmem:$0x14C0]  }
0x1bc: {  	v11 =	vadd.f32 v56, v11;
	v56 =	vld [tilespmem:$0x1FDF0]  }
0x1bd: {  	v0 =	vadd.f32 v49, v0;
	v49 =	vld [tilespmem:$0x20B0]  }
0x1be: {  	v6 =	vadd.f32 v10, v6;
	v10 =	vld [tilespmem:$0x12D0]  }
0x1bf: {  	[tilespmem:$0x1FFE0] =	vst v43;
	v43 =	vld [tilespmem:$0x1540]  }
0x1c0: {  	v1 =	vadd.f32 v46, v1;
	v46 =	vld [tilespmem:$0x15C0]  }
0x1c1: {  	v11 =	vadd.f32 v62, v11;
	v62 =	vld [tilespmem:$0x1FE10]  }
0x1c2: {  	v0 =	vadd.f32 v53, v0;
	v53 =	vadd.f32 v14, v4;
	v4 =	vld [tilespmem:$0x1A40]  }
0x1c3: {  	v6 =	vadd.f32 v35, v6;
	v35 =	vld [tilespmem:$0x1450]  }
0x1c4: {  	[tilespmem:$0x1FFF0] =	vst v47;
	v47 =	vld [tilespmem:$0x1640]  }
0x1c5: {  	v1 =	vadd.f32 v51, v1;
	v51 =	vld [tilespmem:$0x1FD10]  }
0x1c6: {  	v11 =	vadd.f32 v45, v11;
	v45 =	vld [tilespmem:$0x1FE50]  }
0x1c7: {  	[tilespmem:$0x1FFA0] =	vst v40;
	v40 =	vld [tilespmem:$0x1F30]  }
0x1c8: {  	v0 =	vadd.f32 v59, v0;
	v59 =	vld [tilespmem:$0x19C0]  }
0x1c9: {  	v6 =	vadd.f32 v13, v6;
	v13 =	vld [tilespmem:$0x14D0]  }
0x1ca: {  	v24 =	vadd.f32 v57, v1;
	v1 =	vld [tilespmem:$0x17C0]  }
0x1cb: {  	v57 =	vld [tilespmem:$0x1FD20]  }
0x1cc: {  	v0 =	vadd.f32 v63, v0;
	v63 =	vld [tilespmem:$0x1FD30]  }
0x1cd: {  	v5 =	vadd.f32 v60, v24;
	v60 =	vld [tilespmem:$0x1940]  }
0x1ce: {  	v24 =	vld [tilespmem:$0x1AC0]  }
0x1cf: {  	v0 =	vadd.f32 v12, v0;
	v12 =	vadd.f32 v17, v53;
	v17 =	vld [tilespmem:$0x1FD40]  }
0x1d0: {  	v53 =	vld [tilespmem:$0x1FDE0]  }
0x1d1: {  	[tilespmem:$0x1FFD0] =	vst v40;
	v40 =	vld [tilespmem:$0x13C0]  }
0x1d2: {  	v5 =	vadd.f32 v51, v5;
	v51 =	vld [tilespmem:$0x1FDD0]  }
0x1d3: {  	v21 =	vadd.f32 v22, v12;
	v22 =	vld [tilespmem:$0x1FD60]  }
0x1d4: {  	v12 =	vld [tilespmem:$0x1C40]  }
0x1d5: {  	v0 =	vadd.f32 v15, v0;
	v15 =	vld [tilespmem:$0x1CC0]  }
0x1d6: {  	v5 =	vadd.f32 v63, v5;
	v63 =	vld [tilespmem:$0x1FE20]  }
0x1d7: {  	v0 =	vadd.f32 v18, v0;
	v18 =	vld [tilespmem:$0x1FD50]  }
0x1d8: {  	v11 =	vadd.f32 v53, v11;
	v53 =	vld [tilespmem:$0x1FE80]  }
0x1d9: {  	v0 =	vadd.f32 v23, v0;
	v23 =	vld [tilespmem:$0x1FD70]  }
0x1da: {  	v6 =	vadd.f32 v40, v6;
	v40 =	vld [tilespmem:$0x1750]  }
0x1db: {  	v11 =	vadd.f32 v62, v11;
	v62 =	vld [tilespmem:$0x1FEB0]  }
0x1dc: {  	v7 =	vadd.f32 v28, v0;
	v0 =	vld [tilespmem:$0x18C0]  }
0x1dd: {  	v28 =	vadd.f32 v25, v21;
	v21 =	vld [tilespmem:$0x1E40]  }
0x1de: {  	v6 =	vadd.f32 v16, v6;
	v16 =	vld [tilespmem:$0x16D0]  }
0x1df: {  	v5 =	vadd.f32 v18, v5;
	v18 =	vld [tilespmem:$0x1D40]  }
0x1e0: {  	v7 =	vadd.f32 v36, v7;
	v36 =	vld [tilespmem:$0x1FD90]  }
0x1e1: {  	v6 =	vadd.f32 v41, v6;
	v41 =	vld [tilespmem:$0x17D0]  }
0x1e2: {  	v5 =	vadd.f32 v23, v5;
	v23 =	vld [tilespmem:$0x1EC0]  }
0x1e3: {  	v7 =	vadd.f32 v57, v7;
	v57 =	vld [tilespmem:$0x1FE00]  }
0x1e4: {  	v6 =	vadd.f32 v43, v6;
	v43 =	vld [tilespmem:$0x18D0]  }
0x1e5: {  	v14 =	vadd.f32 v17, v7;
	v7 =	vld [tilespmem:$0x1BC0]  }
0x1e6: {  	v17 =	vadd.f32 v27, v28;
	v27 =	vld [tilespmem:$0x1150]  }
0x1e7: {  	v28 =	vld [tilespmem:$0x11D0]  }
0x1e8: {  	v6 =	vadd.f32 v46, v6;
	v46 =	vld [tilespmem:$0x1FF60]  }
0x1e9: {  	v5 =	vadd.f32 v36, v5;
	v36 =	vld [tilespmem:$0x2040]  }
0x1ea: {  	v14 =	vadd.f32 v22, v14;
	v22 =	vld [tilespmem:$0x1F40]  }
0x1eb: {  	v17 =	vadd.f32 v29, v17;
	v29 =	vld [tilespmem:$0x1250]  }
0x1ec: {  	v6 =	vadd.f32 v47, v6;
	v47 =	vld [tilespmem:$0x1FF70]  }
0x1ed: {  	v5 =	vadd.f32 v50, v5;
	v50 =	vld [tilespmem:$0x1FE60]  }
0x1ee: {  	v14 =	vadd.f32 v31, v14;
	v31 =	vld [tilespmem:$0x1DC0]  }
0x1ef: {  	v17 =	vadd.f32 v38, v17;
	v38 =	vld [tilespmem:$0x1FE30]  }
0x1f0: {  	v25 =	vadd.f32 v56, v5;
	v5 =	vld [tilespmem:$0x1FC0]  }
0x1f1: {  	v56 =	vld [tilespmem:$0x1FE90]  }
0x1f2: {  	v26 =	vadd.f32 v27, v26;
	v27 =	vld [tilespmem:$0x1850]  }
0x1f3: {  	v8 =	vadd.f32 v8, v17;
	v17 =	vld [tilespmem:$0x20C0]  }
0x1f4: {  	v14 =	vadd.f32 v39, v14;
	v39 =	vld [tilespmem:$0x1FE40]  }
0x1f5: {  	v25 =	vadd.f32 v63, v25;
	v63 =	vld [tilespmem:$0x1FEC0]  }
0x1f6: {  	v26 =	vadd.f32 v28, v26;
	v28 =	vld [tilespmem:$0x1950]  }
0x1f7: {  	v14 =	vadd.f32 v51, v14;
	v51 =	vld [tilespmem:$0x1FE70]  }
0x1f8: {  	v8 =	vadd.f32 v33, v8;
	v33 =	vld [tilespmem:$0x13D0]  }
0x1f9: {  	v6 =	vadd.f32 v9, v6;
	v11 =	vadd.f32 v38, v11;
	v38 =	vld [tilespmem:$0x15D0]  }
0x1fa: {  	v26 =	vadd.f32 v29, v26;
	v29 =	vld [tilespmem:$0x1A50]  }
0x1fb: {  	v2 =	vadd.f32 v2, v6;
	v14 =	vadd.f32 v57, v14;
	v57 =	vld [tilespmem:$0x1FEA0]  }
0x1fc: {  	v8 =	vadd.f32 v37, v8;
	v37 =	vld [tilespmem:$0x1550]  }
0x1fd: {  	v1 =	vadd.f32 v1, v2;
	v11 =	vadd.f32 v45, v11;
	v45 =	vld [tilespmem:$0x1FED0]  }
0x1fe: {  	v25 =	vadd.f32 v39, v25;
	v39 =	vld [tilespmem:$0x1650]  }
0x1ff: {  	v1 =	vadd.f32 v3, v1;
	v10 =	vadd.f32 v10, v26;
	v26 =	vld [tilespmem:$0x1B50]  }
0x200: {  	v8 =	vadd.f32 v54, v8;
	v54 =	vld [tilespmem:$0x1FF20]  }
0x201: {  	v0 =	vadd.f32 v0, v1;
	v1 =	vld [tilespmem:$0x1F50]  }
0x202: {  	v14 =	vadd.f32 v14, v19;
	v25 =	vadd.f32 v50, v25;
	v50 =	vld [tilespmem:$0x1FEE0]  }
0x203: {  	v11 =	vadd.f32 v51, v11;
	v51 =	vld [tilespmem:$0x1FEF0];
	v8 =	vadd.f32 v61, v8  }
0x204: {  	v0 =	vadd.f32 v60, v0;
	v25 =	vadd.f32 v53, v25;
	v53 =	vld [tilespmem:$0x1FF10]  }
0x205: {  	v11 =	vadd.f32 v56, v11;
	v56 =	vsub.f32 $0.0e+00, v14;
	v14 =	vld [tilespmem:$0x1C50]  }
0x206: {  	v8 =	vadd.f32 v52, v8;
	v52 =	vld [tilespmem:$0x1FF00]  }
0x207: {  	v0 =	vadd.f32 v59, v0;
	v59 =	vld [tilespmem:$0x1560]  }
0x208: {  	v25 =	vadd.f32 v57, v25;
	v57 =	vld [tilespmem:$0x1FF40]  }
0x209: {  	v11 =	vadd.f32 v62, v11;
	v62 =	vld [tilespmem:$0x1FF50]  }
0x20a: {  	v8 =	vadd.f32 v58, v8;
	v58 =	vadd.f32 v30, v10;
	v10 =	vld [tilespmem:$0x1CD0]  }
0x20b: {  	v61 =	vmul.f32 $1.442695020e+00, v56;
	v0 =	vadd.f32 v4, v0;
	v4 =	vld [tilespmem:$0x20D0]  }
0x20c: {  	v11 =	vadd.f32 v45, v11;
	v45 =	vld [tilespmem:$0x1BD0]  }
0x20d: {  	(erf) = vpow2.f32 v61;
	v61 =	vld [tilespmem:$0x1260]  }
0x20e: {  	v25 =	vadd.f32 v63, v25;
	v8 =	vadd.f32 v55, v8;
	v55 =	vld [tilespmem:$0x1FF30]  }
0x20f: {  	v63 =	vadd.f32 v33, v58;
	v58 =	vld [tilespmem:$0x1FFC0]  }
0x210: {  	v25 =	vadd.f32 v50, v25;
	v50 =	vld [tilespmem:$0x1FF80]  }
0x211: {  	v11 =	vadd.f32 v51, v11;
	v51 =	vld [tilespmem:$0x10E0]  }
0x212: {  	v8 =	vadd.f32 v44, v8;
	v44 =	vld [tilespmem:$0x19D0]  }
0x213: {  	v25 =	vadd.f32 v52, v25;
	v52 =	vld [tilespmem:$0x1FF90]  }
0x214: {  	v0 =	vadd.f32 v24, v0;
	v11 =	vadd.f32 v53, v11;
	v53 =	vld [tilespmem:$0x1160]  }
0x215: {  	v8 =	vadd.f32 v48, v8;
	v48 =	vadd.f32 v35, v63;
	v63 =	vld [tilespmem:$0x12E0]  }
0x216: {  	v0 =	vadd.f32 v20, v0;
	v11 =	vadd.f32 v54, v11;
	v54 =	vld [tilespmem:$0x1FFA0]  }
0x217: {  	v8 =	vadd.f32 v42, v8;
	v42 =	vld [tilespmem:$0x1AD0]  }
0x218: {  	v0 =	vadd.f32 v7, v0;
	v13 =	vadd.f32 v13, v48;
	v48 =	vld [tilespmem:$0x1FFE0]  }
0x219: {  	v25 =	vadd.f32 v25, v19;
	v11 =	vadd.f32 v55, v11;
	v55 =	vld [tilespmem:$0x1FFB0]  }
0x21a: {  	v12 =	vadd.f32 v12, v0;
	v3 =	vadd.f32 v53, v51;
	v51 =	vld [tilespmem:$0x1460]  }
0x21b: {  	v8 =	vadd.f32 v32, v8;
	v9 =	vadd.f32 v57, v11;
	v57 =	vld [tilespmem:$0x11E0]  }
0x21c: {  	v56 =	vadd.f32 v37, v13;
	v53 =	vld [tilespmem:$0x10F0];
	v12 =	vadd.f32 v15, v12  }
0x21d: {  	v25 =	vsub.f32 $0.0e+00, v25;
	v37 =	vld [tilespmem:$0x1370];
	v8 =	vadd.f32 v34, v8  }
0x21e: {  	v11 =	vld [tilespmem:$0x1DD0];
	v60 =	vadd.f32 v38, v56;
	v12 =	vadd.f32 v18, v12  }
0x21f: {  	v38 =	vld [tilespmem:$0x16E0];
	v6 =	vadd.f32 v62, v9;
	v62 =	vpop (erf);
	v8 =	vadd.f32 v46, v8  }
0x220: {  	v9 =	vld [tilespmem:$0x1D50];
	v30 =	vadd.f32 $1.000000000e+00, v62;
	v13 =	vadd.f32 v57, v3  }
0x221: {  	v25 =	vmul.f32 $1.442695020e+00, v25;
	v34 =	vadd.f32 v39, v60;
	v2 =	vadd.f32 v47, v6;
	v47 =	vld [tilespmem:$0x1360]  }
0x222: {  	v46 =	vld [tilespmem:$0x1FFD0];
	v12 =	vadd.f32 v31, v12;
	(erf) = vrcp.f32 v30;
	v13 =	vadd.f32 v61, v13  }
0x223: {  	v8 =	vadd.f32 v50, v8;
	v16 =	vadd.f32 v16, v34;
	v50 =	vld [tilespmem:$0x13E0];
	(erf) = vpow2.f32 v25  }
0x224: {  	v60 =	vld [tilespmem:$0x1270];
	v2 =	vadd.f32 v52, v2;
	v13 =	vadd.f32 v63, v13  }
0x225: {  	v32 =	vadd.f32 v54, v8;
	v16 =	vadd.f32 v40, v16;
	v54 =	vld [tilespmem:$0x1170]  }
0x226: {  	v39 =	vld [tilespmem:$0x13F0];
	v33 =	vadd.f32 v55, v2;
	v13 =	vadd.f32 v47, v13  }
0x227: {  	v55 =	vld [tilespmem:$0x14E0];
	v32 =	vadd.f32 v58, v32;
	v16 =	vadd.f32 v41, v16  }
0x228: {  	v57 =	vld [tilespmem:$0x11F0];
	v58 =	vadd.f32 v33, v19;
	v56 =	vadd.f32 v50, v13  }
0x229: {  	v6 =	vld [tilespmem:$0x1E50];
	v32 =	vadd.f32 v46, v32;
	v16 =	vadd.f32 v27, v16  }
0x22a: {  	v34 =	vld [tilespmem:$0x1660];
	v20 =	vadd.f32 v54, v53;
	v7 =	vadd.f32 v51, v56  }
0x22b: {  	v61 =	vld [tilespmem:$0x15E0];
	v30 =	vsub.f32 $0.0e+00, v58;
	v25 =	vadd.f32 v48, v32;
	v0 =	vpop (erf)  }
0x22c: {  	v63 =	vld [tilespmem:$0x12F0];
	v16 =	vadd.f32 v43, v16;
	v62 =	vpop (erf);
	v7 =	vadd.f32 v55, v7  }
0x22d: {  	v52 =	vld [tilespmem:$0x1FFF0];
	v13 =	vadd.f32 v57, v20;
	v32 =	vadd.f32 $1.000000000e+00, v62  }
0x22e: {  	v3 =	vld [tilespmem:$0x2050];
	v12 =	vadd.f32 v21, v12;
	v35 =	vmul.f32 $1.442695020e+00, v30;
	v7 =	vadd.f32 v59, v7  }
0x22f: {  	v21 =	vld [tilespmem:$0x1BE0];
	v16 =	vadd.f32 v28, v16;
	v13 =	vadd.f32 v60, v13;
	(erf) = vrcp.f32 v32  }
0x230: {  	v8 =	vld [tilespmem:$0x1ED0];
	v12 =	vadd.f32 v23, v12;
	(erf) = vpow2.f32 v35;
	v7 =	vadd.f32 v61, v7  }
0x231: {  	v40 =	vld [tilespmem:$0x1760];
	v16 =	vadd.f32 v44, v16;
	v13 =	vadd.f32 v63, v13  }
0x232: {  	v41 =	vld [tilespmem:$0x1470];
	v25 =	vadd.f32 v52, v25;
	v7 =	vadd.f32 v34, v7  }
0x233: {  	v43 =	vld [tilespmem:$0x17E0];
	v16 =	vadd.f32 v29, v16;
	v13 =	vadd.f32 v37, v13  }
0x234: {  	v25 =	vadd.f32 v49, v25;
	v44 =	vld [tilespmem:$0x14F0];
	v7 =	vadd.f32 v38, v7  }
0x235: {  	v46 =	vld [tilespmem:$0x1860];
	v16 =	vadd.f32 v42, v16;
	v13 =	vadd.f32 v39, v13  }
0x236: {  	v48 =	vld [tilespmem:$0x1570];
	v47 =	vadd.f32 v25, v19;
	v18 =	vadd.f32 v40, v7  }
0x237: {  	v49 =	vld [tilespmem:$0x18E0];
	v16 =	vadd.f32 v26, v16;
	v13 =	vadd.f32 v41, v13  }
0x238: {  	v50 =	vld [tilespmem:$0x15F0];
	v24 =	vsub.f32 $0.0e+00, v47;
	v7 =	vpop (erf);
	v18 =	vadd.f32 v43, v18  }
0x239: {  	v52 =	vld [tilespmem:$0x1960];
	v16 =	vadd.f32 v45, v16;
	v13 =	vadd.f32 v44, v13;
	v51 =	vpop (erf)  }
0x23a: {  	v53 =	vld [tilespmem:$0x1670];
	v26 =	vadd.f32 $1.000000000e+00, v51;
	v15 =	vadd.f32 v46, v18  }
0x23b: {  	v12 =	vadd.f32 v22, v12;
	v55 =	vld [tilespmem:$0x19E0];
	v54 =	vmul.f32 $1.442695020e+00, v24;
	v13 =	vadd.f32 v48, v13  }
0x23c: {  	v56 =	vld [tilespmem:$0x16F0];
	v14 =	vadd.f32 v14, v16;
	(erf) = vrcp.f32 v26;
	v15 =	vadd.f32 v49, v15  }
0x23d: {  	v5 =	vadd.f32 v5, v12;
	v57 =	vld [tilespmem:$0x1A60];
	v13 =	vadd.f32 v50, v13;
	(erf) = vpow2.f32 v54  }
0x23e: {  	v59 =	vld [tilespmem:$0x1770];
	v10 =	vadd.f32 v10, v14;
	v58 =	vadd.f32 v52, v15  }
0x23f: {  	v5 =	vadd.f32 v36, v5;
	v61 =	vld [tilespmem:$0x1AE0];
	v60 =	vadd.f32 v53, v13  }
0x240: {  	v62 =	vld [tilespmem:$0x17F0];
	v9 =	vadd.f32 v9, v10;
	v12 =	vadd.f32 v55, v58  }
0x241: {  	v5 =	vadd.f32 v17, v5;
	v63 =	vld [tilespmem:$0x1B60];
	v10 =	vadd.f32 v56, v60  }
0x242: {  	v20 =	vld [tilespmem:$0x1870];
	v9 =	vadd.f32 v11, v9;
	v12 =	vadd.f32 v57, v12  }
0x243: {  	v2 =	vld [tilespmem:$0x1FD0];
	v5 =	vadd.f32 v5, v19;
	v10 =	vadd.f32 v59, v10  }
0x244: {  	v22 =	vld [tilespmem:$0x18F0];
	v6 =	vadd.f32 v6, v9;
	v12 =	vadd.f32 v61, v12  }
0x245: {  	v5 =	vsub.f32 $0.0e+00, v5;
	v24 =	vld [tilespmem:$0x1C60];
	v10 =	vadd.f32 v62, v10;
	v23 =	vpop (erf)  }
0x246: {  	v26 =	vld [tilespmem:$0x1970];
	v6 =	vadd.f32 v8, v6;
	v25 =	vpop (erf);
	v11 =	vadd.f32 v63, v12  }
0x247: {  	v27 =	vld [tilespmem:$0x1CE0];
	v10 =	vadd.f32 v20, v10;
	v16 =	vadd.f32 $1.000000000e+00, v25  }
0x248: {  	v28 =	vld [tilespmem:$0x19F0];
	v5 =	vmul.f32 $1.442695020e+00, v5;
	v9 =	vadd.f32 v21, v11  }
0x249: {  	v30 =	vld [tilespmem:$0x1D60];
	v1 =	vadd.f32 v1, v6;
	v29 =	vadd.f32 v22, v10;
	(erf) = vrcp.f32 v16  }
0x24a: {  	v32 =	vld [tilespmem:$0x1A70];
	(erf) = vpow2.f32 v5;
	v31 =	vadd.f32 v24, v9  }
0x24b: {  	v34 =	vld [tilespmem:$0x1DE0];
	v1 =	vadd.f32 v2, v1;
	v33 =	vadd.f32 v26, v29  }
0x24c: {  	v35 =	vld [tilespmem:$0x1AF0];
	v5 =	vadd.f32 v27, v31  }
0x24d: {  	v36 =	vld [tilespmem:$0x1E60];
	v1 =	vadd.f32 v3, v1;
	v2 =	vadd.f32 v28, v33  }
0x24e: {  	v37 =	vld [tilespmem:$0x1B70];
	v5 =	vadd.f32 v30, v5  }
0x24f: {  	v38 =	vld [tilespmem:$0x1EE0];
	v1 =	vadd.f32 v4, v1;
	v2 =	vadd.f32 v32, v2  }
0x250: {  	v39 =	vld [tilespmem:$0x1BF0];
	v5 =	vadd.f32 v34, v5  }
0x251: {  	v40 =	vld [tilespmem:$0x1F60];
	v1 =	vadd.f32 v1, v19;
	v2 =	vadd.f32 v35, v2  }
0x252: {  	v42 =	vld [tilespmem:$0x1C70];
	v41 =	vpop (erf);
	v3 =	vadd.f32 v36, v5  }
0x253: {  	v44 =	vld [tilespmem:$0x1FE0];
	v1 =	vsub.f32 $0.0e+00, v1;
	v2 =	vadd.f32 v37, v2;
	v43 =	vpop (erf)  }
0x254: {  	v45 =	vld [tilespmem:$0x1CF0];
	v11 =	vadd.f32 $1.000000000e+00, v43;
	v3 =	vadd.f32 v38, v3  }
0x255: {  	v46 =	vld [tilespmem:$0x2060];
	v1 =	vmul.f32 $1.442695020e+00, v1;
	v2 =	vadd.f32 v39, v2  }
0x256: {  	v47 =	vld [tilespmem:$0x1D70];
	(erf) = vrcp.f32 v11;
	v3 =	vadd.f32 v40, v3  }
0x257: {  	v49 =	vld [tilespmem:$0x20E0];
	v48 =	vadd.f32 v42, v2;
	(erf) = vpow2.f32 v1  }
0x258: {  	v50 =	vld [tilespmem:$0x1DF0];
	v3 =	vadd.f32 v44, v3  }
0x259: {  	v1 =	vadd.f32 v45, v48  }
0x25a: {  	v51 =	vld [tilespmem:$0x1E70];
	v3 =	vadd.f32 v46, v3  }
0x25b: {  	v1 =	vadd.f32 v47, v1  }
0x25c: {  	v52 =	vld [tilespmem:$0x1EF0];
	v2 =	vadd.f32 v49, v3  }
0x25d: {  	v1 =	vadd.f32 v50, v1  }
0x25e: {  	v53 =	vld [tilespmem:$0x1F70];
	v2 =	vadd.f32 v2, v19  }
0x25f: {  	v1 =	vadd.f32 v51, v1;
	v54 =	vpop (erf)  }
0x260: {  	v56 =	vld [tilespmem:$0x1FF0];
	v55 =	vpop (erf);
	v2 =	vsub.f32 $0.0e+00, v2  }
0x261: {  	v1 =	vadd.f32 v52, v1;
	v4 =	vadd.f32 $1.000000000e+00, v55  }
0x262: {  	v57 =	vld [tilespmem:$0x2070];
	v2 =	vmul.f32 $1.442695020e+00, v2  }
0x263: {  	v1 =	vadd.f32 v53, v1;
	(erf) = vrcp.f32 v4  }
0x264: {  	v58 =	vld [tilespmem:$0x20F0];
	(erf) = vpow2.f32 v2  }
0x265: {  	v1 =	vadd.f32 v56, v1;
	_ =	sdelay $0x1  }
0x266: {  	v1 =	vadd.f32 v57, v1;
	_ =	sdelay $0x1  }
0x267: {  	v1 =	vadd.f32 v58, v1;
	_ =	sdelay $0x1  }
0x268: {  	v1 =	vadd.f32 v1, v19  }
0x269: {  	v59 =	vpop (erf)  }
0x26a: {  	v1 =	vsub.f32 $0.0e+00, v1;
	v60 =	vpop (erf)  }
0x26b: {  	v3 =	vadd.f32 $1.000000000e+00, v60  }
0x26c: {  	v1 =	vmul.f32 $1.442695020e+00, v1  }
0x26d: {  	(erf) = vrcp.f32 v3  }
0x26e: {  	(erf) = vpow2.f32 v1;
	_ =	sdelay $0x7  }
0x26f: {  	v61 =	vpop (erf)  }
0x270: {  	v62 =	vpop (erf)  }
0x271: {  	v3 =	vadd.f32 $1.000000000e+00, v62;
	_ =	sdelay $0x1  }
0x272: {  	(erf) = vrcp.f32 v3;
	_ =	sdelay $0x2  }
0x273: {  	[tilespmem:$0x2100] =	vst v0  }
0x274: {  	[tilespmem:$0x2110] =	vst v7  }
0x275: {  	[tilespmem:$0x2120] =	vst v23  }
0x276: {  	[tilespmem:$0x2130] =	vst v41  }
0x277: {  	s0 =	sld [smem:$0x7DA];
	[tilespmem:$0x2140] =	vst v54  }
0x278: {  	s5 =	sld [smem:$0x7FD];
	[tilespmem:$0x2150] =	vst v59  }
0x279: {  	p0 =	sne.s32 s3, $0x1;
	[tilespmem:$0x2160] =	vst v61;
	v63 =	vpop (erf)  }
.Ltmp0:
0x27a: {  	s16 =	simm.s32 $0x3;
	[tilespmem:$0x2170] =	vst v63;
	(pc) =	sbr.rel @p0 .LBB2_1-.Ltmp0, $4  }
0x27b: {  	[hbm4b:s0+s1] =	stream.linear.scatter [tilespmem:s5], [sflag:$0x3], $0x80, $0x38;
	[tilespmem:$0x2190] =	vst v63  }
0x27c: {  	_ =	swait.ge [sflag:s16], $0x80  }
0x27d: {  	s17 =	simm.s32 $0x3;
	[sflag:s16] =	ssyncset.done $0x0  }
0x27e: {  	s3 =	sadd.s32 $0xFFFFFFFF, s3;
	[sflag:s17] =	ssyncadd.s32 $0xFFFFFF80  }
0x27f: {  	_ =	sfence.sel $0x180000  }
0x280: {  	[bflag:$0x0] =	sbarrier.arrive $0xFFFF  }
0x281: {  	_ =	strace $0x90000047  }
0x282: {  	s0 =	stileid.u32;
	[bflag:$0x2] =	sbarrier.arrive $0xFFFF  }
0x283: {  	p0 =	sne.s32 s0, $0x0;
	s0 =	rddreg [dreg:$0x2]  }
0x284: {  	s0 =	sadd.s32 @!p0 $0x100000, s0  }
0x285: {  	[sflag:s0] =	ssyncadd.tile.s32 @!p0 $0x1;
	_ =	shalt  }
.Lfunc_end2:
_tile_overlayer_lowered:
.L_overlay_start_2:
0x286: {  	(tag) =	ssettag $0x2  }
0x287: {  	s0 =	rddreg [dreg:$0x0];
	s2 =	stileid.u32  }
0x288: {  	s1 =	rddreg [dreg:$0x1];
	p0 =	sne.s32 s2, $0x0  }
0x289: {  	s3 =	rddreg [dreg:$0x2];
	[bflag:$0x3] =	sbarrier.arrive $0xFFFF;
	s2 =	simm.s32 @!p0 $0x1C03  }
0x28a: {  	[timem:s3], [sflag:s2] =	dma.local @!p0 [hbm:s0], s1  }
0x28b: {  	s0 =	simm.s32 @!p0 $0x3  }
0x28c: {  	_ =	swait.ge @!p0 [sflag:s0], s1  }
0x28d: {  	s1 =	ssub.s32 @!p0 $0x0, s1;
	[sflag:s0] =	ssyncset.done @!p0 $0x0  }
0x28e: {  	[sflag:s0] =	ssyncadd.s32 @!p0 s1  }
0x28f: {  	[bflag:$0x3] =	sbarrier.arrive $0xFFFF  }
0x290: {  	_ =	shalt  }

</sc_bundles>
